<compile_context>
chip_gen: v7x
topology: tpu7x:2x2x1
jax: 0.10.2.dev20260603
libtpu: 0.0.44.dev20260713+nightly
codegen_flags: <defaults>
</compile_context>

<pallas_src>
import functools

import jax
import jax.numpy as jnp
from jax import lax
from jax.experimental import pallas as pl
from jax.experimental.pallas import tpu as pltpu
from jax.experimental.pallas import tpu_sc as plsc

_B = 4096
_F = 1000
_V = 1001
_FPAD = 1008
_VPAD = 1024
_NC, _NS, _L = 2, 16, 16
_NW = _NC * _NS
_ROWS = _B // _NW
_CHUNK = 8
_NCHUNK = _ROWS // _CHUNK
_NGFULL = _F // _L
_XBUF = _CHUNK * _F + _L
_BINS = _CHUNK * _VPAD


def _round_bf16(v):
    u = plsc.bitcast(v, jnp.int32)
    r = (u + 0x7FFF + jnp.bitwise_and(lax.shift_right_logical(u, 16), 1))
    r = jnp.bitwise_and(r, jnp.int32(-65536))
    return plsc.bitcast(r, jnp.float32)


def _make_sc_histogram(batch, row_offset):
  rows = batch // _NW
  nchunk = rows // _CHUNK

  @functools.partial(
      pl.kernel,
      out_type=jax.ShapeDtypeStruct((batch * _VPAD,), jnp.float32),
      mesh=plsc.VectorSubcoreMesh(core_axis_name="c", subcore_axis_name="s"),
      compiler_params=pltpu.CompilerParams(needs_layout_passes=False),
      scratch_types=[
          pltpu.VMEM((_XBUF,), jnp.float32),
          pltpu.VMEM((_XBUF,), jnp.float32),
          pltpu.VMEM((_BINS,), jnp.float32),
          pltpu.VMEM((_BINS,), jnp.float32),
          pltpu.VMEM((_FPAD,), jnp.float32),
          pltpu.SemaphoreType.DMA,
          pltpu.SemaphoreType.DMA,
          pltpu.SemaphoreType.DMA,
          pltpu.SemaphoreType.DMA,
      ],
  )
  def _sc_histogram(x_hbm, w_hbm, c_hbm,
                    x0, x1, b0, b1, w_buf,
                    in0, in1, out0, out1):
    wid = lax.axis_index("s") * _NC + lax.axis_index("c")
    base_row = wid * rows
    xb = (x0, x1)
    bb = (b0, b1)
    ins = (in0, in1)
    outs = (out0, out1)

    pltpu.sync_copy(w_hbm, w_buf)
    lanes = lax.iota(jnp.int32, _L)
    ones = jnp.ones((_L,), jnp.float32)
    zeros = jnp.zeros((_L,), jnp.float32)
    tail_mask = lanes < (_F - _NGFULL * _L)
    x0[pl.ds(_CHUNK * _F, _L)] = zeros
    x1[pl.ds(_CHUNK * _F, _L)] = zeros
    bases = [jnp.full((_L,), i * _VPAD, jnp.int32) for i in range(_CHUNK)]

    def x_src(ci):
        return x_hbm.at[pl.ds((row_offset + base_row + ci * _CHUNK) * _F,
                              _CHUNK * _F)]

    def c_dst(ci):
        return c_hbm.at[pl.ds((base_row + ci * _CHUNK) * _VPAD, _BINS)]

    pltpu.async_copy(x_src(0), xb[0].at[pl.ds(0, _CHUNK * _F)], ins[0])
    pltpu.async_copy(x_src(1), xb[1].at[pl.ds(0, _CHUNK * _F)], ins[1])

    def pair_body(t, _):
        for p in range(2):
            ci = 2 * t + p
            x_buf, bins = xb[p], bb[p]
            pltpu.make_async_copy(x_src(ci),
                                  x_buf.at[pl.ds(0, _CHUNK * _F)],
                                  ins[p]).wait()

            @pl.when(ci >= 2)
            def _():
                pltpu.make_async_copy(bins, c_dst(ci), outs[p]).wait()

            def zero_body(j, _):
                for i in range(_CHUNK):
                    bins[pl.ds(i * _VPAD + j * _L, _L)] = zeros
                return 0

            lax.fori_loop(0, _FPAD // _L, zero_body, 0)

            def group_body(g, linvs):
                off = g * _L
                wv = w_buf[pl.ds(off, _L)]
                out = []
                for i in range(_CHUNK):
                    xv = x_buf[pl.ds(i * _F + off, _L)]
                    iv = xv.astype(jnp.int32) + bases[i]
                    plsc.addupdate_scatter(bins, [iv], ones)
                    out.append(linvs[i] + _round_bf16(xv) * wv)
                return tuple(out)

            linvs = lax.fori_loop(0, _NGFULL, group_body,
                                  tuple(zeros for _ in range(_CHUNK)))

            off = _NGFULL * _L
            wv = w_buf[pl.ds(off, _L)]
            for i in range(_CHUNK):
                xv = x_buf[pl.ds(i * _F + off, _L)]
                iv = xv.astype(jnp.int32) + bases[i]
                plsc.addupdate_scatter(bins, [iv], ones, mask=tail_mask)
                linv = linvs[i] + jnp.where(tail_mask,
                                            _round_bf16(xv) * wv, 0.0)
                bins[pl.ds(i * _VPAD + _FPAD, _L)] = linv

            pltpu.async_copy(bins, c_dst(ci), outs[p])

            @pl.when(ci <= nchunk - 3)
            def _():
                pltpu.async_copy(x_src(ci + 2),
                                 x_buf.at[pl.ds(0, _CHUNK * _F)], ins[p])

        return 0

    lax.fori_loop(0, nchunk // 2, pair_body, 0)
    pltpu.make_async_copy(bb[0], c_dst(nchunk - 2), outs[0]).wait()
    pltpu.make_async_copy(bb[1], c_dst(nchunk - 1), outs[1]).wait()

  return _sc_histogram


_SPLIT = 2
_SC_HALVES = [_make_sc_histogram(_B // _SPLIT, h * (_B // _SPLIT))
              for h in range(_SPLIT)]


_TC_BLK = 512


def _tc_finish_body(c_ref, t_ref, o_ref):
    t = t_ref[...]
    rsq = jnp.sum(t * t, axis=1)
    s = jnp.zeros((_TC_BLK, 64), jnp.float32)
    q = jnp.zeros((_TC_BLK,), jnp.float32)
    lin = None
    for j in range(_VPAD // 128):
        cj = c_ref[:, :, j, :].reshape(_TC_BLK, 128)
        s = s + jnp.dot(cj, t[j * 128:(j + 1) * 128, :],
                        preferred_element_type=jnp.float32)
        q = q + jnp.sum(cj * rsq[None, j * 128:(j + 1) * 128], axis=1)
        if j == _VPAD // 128 - 1:
            lin = jnp.sum(cj[:, _FPAD - j * 128:], axis=1)
    fm = 0.5 * (jnp.sum(s * s, axis=1) - q)
    o_ref[...] = lin + fm


def kernel(x, W, b, table):
    assert x.shape == (_B, _F) and table.shape == (_V, 64)
    w_pad = jnp.pad(W[0].astype(jnp.bfloat16).astype(jnp.float32),
                    (0, _FPAD - _F))
    t_pad = jnp.pad(table, ((0, _VPAD - _V), (0, 0)))

    hb = _B // _SPLIT
    x_flat = x.reshape(-1)
    counts = [_SC_HALVES[h](x_flat, w_pad) for h in range(_SPLIT)]
    outs = []
    for h in range(_SPLIT):
        counts4 = counts[h].reshape(hb // 8, 8, _VPAD // 128, 128)
        outs.append(pl.pallas_call(
            _tc_finish_body,
            grid=(hb // _TC_BLK,),
            in_specs=[
                pl.BlockSpec((_TC_BLK // 8, 8, _VPAD // 128, 128),
                             lambda i: (i, 0, 0, 0)),
                pl.BlockSpec((_VPAD, 64), lambda i: (0, 0)),
            ],
            out_specs=pl.BlockSpec((_TC_BLK,), lambda i: (i,)),
            out_shape=jax.ShapeDtypeStruct((hb,), jnp.float32),
        )(counts4, t_pad))

    return jnp.concatenate(outs) + b[0]

# --- scband reference (transcript-rebuilt; emitter-appended) ---
"""Pipeline reference for scband-factorization-machine-28432683500120 (READ-ONLY COPY).

The authoritative reference and input builder live on the scoring server;
editing this copy changes nothing except your own understanding.
"""

import jax, jax.numpy as jnp
import numpy as np

INPUT_DIM = 1000
EMBED_DIM = 64
BATCH = 4096


def setup_inputs(seed: int = 0) -> dict:
    key = jax.random.key(seed)
    k1, k2, k3 = jax.random.split(key, 3)
    # x is used both as a float feature vector (linear part) and as integer
    # indices into the embedding table (after clamp + cast), matching the torch module.
    x = jax.random.randint(k1, (BATCH, INPUT_DIM), 0, INPUT_DIM + 1).astype(jnp.float32)
    # nn.Linear(input_dim, 1): weight [1, input_dim], bias [1]
    W = jax.random.normal(k2, (1, INPUT_DIM), dtype=jnp.float32) * 0.02
    b = jnp.zeros((1,), dtype=jnp.float32)
    # nn.Embedding(input_dim + 1, embed_dim)
    table = jax.random.normal(k3, (INPUT_DIM + 1, EMBED_DIM), dtype=jnp.float32) * 0.02
    return {"x": x, "W": W, "b": b, "table": table}


def reference(x, W, b, table):
    num_embeddings = table.shape[0]
    # torch.clamp(x, min=0, max=num_embeddings - 1)
    xc = jnp.clip(x, 0.0, float(num_embeddings - 1))
    # linear part: [B, 1]
    linear_part = xc @ W.T + b
    # embedding lookup: [B, input_dim, embed_dim]
    idx = xc.astype(jnp.int32)
    embedded_x = jnp.take(table, idx, axis=0)
    # FM dense layer
    square_of_sum = jnp.square(jnp.sum(embedded_x, axis=1))  # [B, embed_dim]
    sum_of_square = jnp.sum(jnp.square(embedded_x), axis=1)  # [B, embed_dim]
    fm_part = 0.5 * jnp.sum(square_of_sum - sum_of_square, axis=1)  # [B]
    return linear_part[:, 0] + fm_part

if __name__ == "__main__":
    import jax
    _d = setup_inputs()
    print(jax.jit(kernel)(*tuple(_d.values())))

</pallas_src>

<mosaic_0001>
#map = affine_map<(d0, d1) -> (0)>
module attributes {stable_mosaic.version = 14 : i64} {
  func.func @_sc_histogram(%arg0: i32, %arg1: i32, %arg2: memref<4096000xf32, #tpu.memory_space<hbm>>, %arg3: memref<1008xf32, #tpu.memory_space<hbm>>, %arg4: memref<2097152xf32, #tpu.memory_space<hbm>>, %arg5: memref<8016xf32, #tpu.memory_space<vmem>>, %arg6: memref<8016xf32, #tpu.memory_space<vmem>>, %arg7: memref<8192xf32, #tpu.memory_space<vmem>>, %arg8: memref<8192xf32, #tpu.memory_space<vmem>>, %arg9: memref<1008xf32, #tpu.memory_space<vmem>>, %arg10: memref<!tpu.dma_semaphore, #tpu.memory_space<semaphore_mem>>, %arg11: memref<!tpu.dma_semaphore, #tpu.memory_space<semaphore_mem>>, %arg12: memref<!tpu.dma_semaphore, #tpu.memory_space<semaphore_mem>>, %arg13: memref<!tpu.dma_semaphore, #tpu.memory_space<semaphore_mem>>) attributes {dimension_semantics = [#tpu.dimension_semantics<core_parallel>, #tpu.dimension_semantics<subcore_parallel>], iteration_bounds = array<i64: 2, 16>, scalar_prefetch = 0 : i64, scratch_operands = 9 : i64, tpu.core_type = #tpu.core_type<sc_vector_subcore>, window_params = [{transform_indices = #map}, {transform_indices = #map}, {transform_indices = #map}]} {
    %mul3A = arith.constant 2 : i32
    %mul3A_0 = arith.muli %arg1, %mul3A : i32
    %add3A = arith.addi %mul3A_0, %arg0 : i32
    %mul3A_1 = arith.constant 64 : i32
    %mul3A_2 = arith.muli %add3A, %mul3A_1 : i32
    "tpu.region"() ({
      %run_scoped3A = tpu.sem_alloc : memref<!tpu.dma_semaphore, #tpu.memory_space<semaphore_mem>>
      tpu.enqueue_dma source(%arg3 : memref<1008xf32, #tpu.memory_space<hbm>>) target(%arg9 : memref<1008xf32, #tpu.memory_space<vmem>>) target_semaphore(%run_scoped3A : memref<!tpu.dma_semaphore, #tpu.memory_space<semaphore_mem>>)
      tpu.wait_dma2 semaphore(%run_scoped3A : memref<!tpu.dma_semaphore, #tpu.memory_space<semaphore_mem>>) src(%arg3 : memref<1008xf32, #tpu.memory_space<hbm>>) dst(%arg9 : memref<1008xf32, #tpu.memory_space<vmem>>)
      tpu.yield
    }) : () -> ()
    %iota3A = tpu.iota {dimensions = array<i32: 0>} : vector<16xi32>
    %broadcast_in_dim3A = arith.constant 1.000000e+00 : f32
    %broadcast_in_dim3A_3 = vector.broadcast %broadcast_in_dim3A : f32 to vector<16xf32>
    %broadcast_in_dim3A_4 = arith.constant 0.000000e+00 : f32
    %broadcast_in_dim3A_5 = vector.broadcast %broadcast_in_dim3A_4 : f32 to vector<16xf32>
    %lt3A = arith.constant 8 : i32
    %lt3A_6 = vector.broadcast %lt3A : i32 to vector<16xi32>
    %lt3A_7 = arith.cmpi slt, %iota3A, %lt3A_6 : vector<16xi32>
    %swap3A = arith.constant 8000 : index
    %swap3A_8 = tpu.vector_load %arg5[%swap3A] {strides = array<i32>} : memref<8016xf32, #tpu.memory_space<vmem>>, vector<16xf32>,
    tpu.vector_store %arg5[%swap3A], %broadcast_in_dim3A_5 {strides = array<i32>} : memref<8016xf32, #tpu.memory_space<vmem>>, vector<16xf32>,
    %swap3A_9 = arith.constant 8000 : index
    %swap3A_10 = tpu.vector_load %arg6[%swap3A_9] {strides = array<i32>} : memref<8016xf32, #tpu.memory_space<vmem>>, vector<16xf32>,
    tpu.vector_store %arg6[%swap3A_9], %broadcast_in_dim3A_5 {strides = array<i32>} : memref<8016xf32, #tpu.memory_space<vmem>>, vector<16xf32>,
    %broadcast_in_dim3A_11 = arith.constant 0 : i32
    %broadcast_in_dim3A_12 = vector.broadcast %broadcast_in_dim3A_11 : i32 to vector<16xi32>
    %broadcast_in_dim3A_13 = arith.constant 1024 : i32
    %broadcast_in_dim3A_14 = vector.broadcast %broadcast_in_dim3A_13 : i32 to vector<16xi32>
    %broadcast_in_dim3A_15 = arith.constant 2048 : i32
    %broadcast_in_dim3A_16 = vector.broadcast %broadcast_in_dim3A_15 : i32 to vector<16xi32>
    %broadcast_in_dim3A_17 = arith.constant 3072 : i32
    %broadcast_in_dim3A_18 = vector.broadcast %broadcast_in_dim3A_17 : i32 to vector<16xi32>
    %broadcast_in_dim3A_19 = arith.constant 4096 : i32
    %broadcast_in_dim3A_20 = vector.broadcast %broadcast_in_dim3A_19 : i32 to vector<16xi32>
    %broadcast_in_dim3A_21 = arith.constant 5120 : i32
    %broadcast_in_dim3A_22 = vector.broadcast %broadcast_in_dim3A_21 : i32 to vector<16xi32>
    %broadcast_in_dim3A_23 = arith.constant 6144 : i32
    %broadcast_in_dim3A_24 = vector.broadcast %broadcast_in_dim3A_23 : i32 to vector<16xi32>
    %broadcast_in_dim3A_25 = arith.constant 7168 : i32
    %broadcast_in_dim3A_26 = vector.broadcast %broadcast_in_dim3A_25 : i32 to vector<16xi32>
    %add3A_27 = arith.constant 0 : i32
    %add3A_28 = arith.addi %add3A_27, %mul3A_2 : i32
    %add3A_29 = arith.constant 0 : i32
    %add3A_30 = arith.addi %add3A_28, %add3A_29 : i32
    %mul3A_31 = arith.constant 1000 : i32
    %mul3A_32 = arith.muli %add3A_30, %mul3A_31 : i32
    %dma_start3A = arith.constant 0 : i32
    %dma_start3A_33 = tpu.memref_slice %arg5[%dma_start3A] : memref<8016xf32, #tpu.memory_space<vmem>> -> memref<8000xf32, #tpu.memory_space<vmem>>
    %dma_start3A_34 = tpu.memref_slice %arg2[%mul3A_32] : memref<4096000xf32, #tpu.memory_space<hbm>> -> memref<8000xf32, #tpu.memory_space<hbm>>
    %dma_start3A_35 = arith.constant 0 : i32
    %dma_start3A_36 = tpu.memref_slice %arg5[%dma_start3A_35] : memref<8016xf32, #tpu.memory_space<vmem>> -> memref<8000xf32, #tpu.memory_space<vmem>>
    %dma_start3A_37 = tpu.memref_slice %arg2[%mul3A_32] : memref<4096000xf32, #tpu.memory_space<hbm>> -> memref<8000xf32, #tpu.memory_space<hbm>>
    tpu.enqueue_dma source(%dma_start3A_37 : memref<8000xf32, #tpu.memory_space<hbm>>) target(%dma_start3A_36 : memref<8000xf32, #tpu.memory_space<vmem>>) target_semaphore(%arg10 : memref<!tpu.dma_semaphore, #tpu.memory_space<semaphore_mem>>)
    %add3A_38 = arith.constant 0 : i32
    %add3A_39 = arith.addi %add3A_38, %mul3A_2 : i32
    %add3A_40 = arith.constant 8 : i32
    %add3A_41 = arith.addi %add3A_39, %add3A_40 : i32
    %mul3A_42 = arith.constant 1000 : i32
    %mul3A_43 = arith.muli %add3A_41, %mul3A_42 : i32
    %dma_start3A_44 = arith.constant 0 : i32
    %dma_start3A_45 = tpu.memref_slice %arg6[%dma_start3A_44] : memref<8016xf32, #tpu.memory_space<vmem>> -> memref<8000xf32, #tpu.memory_space<vmem>>
    %dma_start3A_46 = tpu.memref_slice %arg2[%mul3A_43] : memref<4096000xf32, #tpu.memory_space<hbm>> -> memref<8000xf32, #tpu.memory_space<hbm>>
    %dma_start3A_47 = arith.constant 0 : i32
    %dma_start3A_48 = tpu.memref_slice %arg6[%dma_start3A_47] : memref<8016xf32, #tpu.memory_space<vmem>> -> memref<8000xf32, #tpu.memory_space<vmem>>
    %dma_start3A_49 = tpu.memref_slice %arg2[%mul3A_43] : memref<4096000xf32, #tpu.memory_space<hbm>> -> memref<8000xf32, #tpu.memory_space<hbm>>
    tpu.enqueue_dma source(%dma_start3A_49 : memref<8000xf32, #tpu.memory_space<hbm>>) target(%dma_start3A_48 : memref<8000xf32, #tpu.memory_space<vmem>>) target_semaphore(%arg11 : memref<!tpu.dma_semaphore, #tpu.memory_space<semaphore_mem>>)
    %scan3A = arith.constant 0 : i32
    %scan3A_50 = arith.constant 0 : i32
    %scan3A_51 = arith.constant 4 : i32
    %scan3A_52 = arith.addi %scan3A_50, %scan3A_51 : i32
    %scan3A_53 = arith.constant 1 : i32
    %scan3A_54 = scf.for %scan3A_67 = %scan3A_50 to %scan3A_52 step %scan3A_53 iter_args(%scan3A_68 = %scan3A) -> (i32)  : i32 {
      %mul3A_69 = arith.constant 2 : i32
      %mul3A_70 = arith.muli %mul3A_69, %scan3A_67 : i32
      %add3A_71 = arith.constant 0 : i32
      %add3A_72 = arith.addi %mul3A_70, %add3A_71 : i32
      %add3A_73 = arith.constant 0 : i32
      %add3A_74 = arith.addi %add3A_73, %mul3A_2 : i32
      %mul3A_75 = arith.constant 8 : i32
      %mul3A_76 = arith.muli %add3A_72, %mul3A_75 : i32
      %add3A_77 = arith.addi %add3A_74, %mul3A_76 : i32
      %mul3A_78 = arith.constant 1000 : i32
      %mul3A_79 = arith.muli %add3A_77, %mul3A_78 : i32
      %dma_wait3A_80 = arith.constant 0 : i32
      %dma_wait3A_81 = tpu.memref_slice %arg5[%dma_wait3A_80] : memref<8016xf32, #tpu.memory_space<vmem>> -> memref<8000xf32, #tpu.memory_space<vmem>>
      %dma_wait3A_82 = tpu.memref_slice %arg2[%mul3A_79] : memref<4096000xf32, #tpu.memory_space<hbm>> -> memref<8000xf32, #tpu.memory_space<hbm>>
      %dma_wait3A_83 = arith.constant 0 : i32
      %dma_wait3A_84 = tpu.memref_slice %arg5[%dma_wait3A_83] : memref<8016xf32, #tpu.memory_space<vmem>> -> memref<8000xf32, #tpu.memory_space<vmem>>
      %dma_wait3A_85 = tpu.memref_slice %arg2[%mul3A_79] : memref<4096000xf32, #tpu.memory_space<hbm>> -> memref<8000xf32, #tpu.memory_space<hbm>>
      tpu.wait_dma2 semaphore(%arg10 : memref<!tpu.dma_semaphore, #tpu.memory_space<semaphore_mem>>) src(%dma_wait3A_85 : memref<8000xf32, #tpu.memory_space<hbm>>) dst(%dma_wait3A_84 : memref<8000xf32, #tpu.memory_space<vmem>>)
      %ge3A = arith.constant 2 : i32
      %ge3A_86 = arith.cmpi sge, %add3A_72, %ge3A : i32
      %convert_element_type3A = arith.extui %ge3A_86 : i1 to i32
      %cond3A = arith.constant 0 : i32
      %cond3A_87 = arith.cmpi ne, %convert_element_type3A, %cond3A : i32
      scf.if %cond3A_87 {
        %mul3A_574 = arith.constant 8 : i32
        %mul3A_575 = arith.muli %add3A_72, %mul3A_574 : i32
        %add3A_576 = arith.addi %mul3A_2, %mul3A_575 : i32
        %mul3A_577 = arith.constant 1024 : i32
        %mul3A_578 = arith.muli %add3A_576, %mul3A_577 : i32
        %dma_wait3A_579 = tpu.memref_slice %arg4[%mul3A_578] : memref<2097152xf32, #tpu.memory_space<hbm>> -> memref<8192xf32, #tpu.memory_space<hbm>>
        %dma_wait3A_580 = tpu.memref_slice %arg4[%mul3A_578] : memref<2097152xf32, #tpu.memory_space<hbm>> -> memref<8192xf32, #tpu.memory_space<hbm>>
        tpu.wait_dma2 semaphore(%arg12 : memref<!tpu.dma_semaphore, #tpu.memory_space<semaphore_mem>>) src(%arg7 : memref<8192xf32, #tpu.memory_space<vmem>>) dst(%dma_wait3A_580 : memref<8192xf32, #tpu.memory_space<hbm>>)
      } else {
      }
      %scan3A_88 = arith.constant 0 : i32
      %scan3A_89 = arith.constant 0 : i32
      %scan3A_90 = arith.constant 63 : i32
      %scan3A_91 = arith.addi %scan3A_89, %scan3A_90 : i32
      %scan3A_92 = arith.constant 1 : i32
      %scan3A_93 = scf.for %scan3A_574 = %scan3A_89 to %scan3A_91 step %scan3A_92 iter_args(%scan3A_575 = %scan3A_88) -> (i32)  : i32 {
        %mul3A_576 = arith.constant 16 : i32
        %mul3A_577 = arith.muli %scan3A_574, %mul3A_576 : i32
        %add3A_578 = arith.constant 0 : i32
        %add3A_579 = arith.addi %add3A_578, %mul3A_577 : i32
        %swap3A_580 = arith.index_cast %add3A_579 : i32 to index
        %swap3A_581 = tpu.vector_load %arg7[%swap3A_580] {strides = array<i32>} : memref<8192xf32, #tpu.memory_space<vmem>>, vector<16xf32>,
        tpu.vector_store %arg7[%swap3A_580], %broadcast_in_dim3A_5 {strides = array<i32>} : memref<8192xf32, #tpu.memory_space<vmem>>, vector<16xf32>,
        %mul3A_582 = arith.constant 16 : i32
        %mul3A_583 = arith.muli %scan3A_574, %mul3A_582 : i32
        %add3A_584 = arith.constant 1024 : i32
        %add3A_585 = arith.addi %add3A_584, %mul3A_583 : i32
        %swap3A_586 = arith.index_cast %add3A_585 : i32 to index
        %swap3A_587 = tpu.vector_load %arg7[%swap3A_586] {strides = array<i32>} : memref<8192xf32, #tpu.memory_space<vmem>>, vector<16xf32>,
        tpu.vector_store %arg7[%swap3A_586], %broadcast_in_dim3A_5 {strides = array<i32>} : memref<8192xf32, #tpu.memory_space<vmem>>, vector<16xf32>,
        %mul3A_588 = arith.constant 16 : i32
        %mul3A_589 = arith.muli %scan3A_574, %mul3A_588 : i32
        %add3A_590 = arith.constant 2048 : i32
        %add3A_591 = arith.addi %add3A_590, %mul3A_589 : i32
        %swap3A_592 = arith.index_cast %add3A_591 : i32 to index
        %swap3A_593 = tpu.vector_load %arg7[%swap3A_592] {strides = array<i32>} : memref<8192xf32, #tpu.memory_space<vmem>>, vector<16xf32>,
        tpu.vector_store %arg7[%swap3A_592], %broadcast_in_dim3A_5 {strides = array<i32>} : memref<8192xf32, #tpu.memory_space<vmem>>, vector<16xf32>,
        %mul3A_594 = arith.constant 16 : i32
        %mul3A_595 = arith.muli %scan3A_574, %mul3A_594 : i32
        %add3A_596 = arith.constant 3072 : i32
        %add3A_597 = arith.addi %add3A_596, %mul3A_595 : i32
        %swap3A_598 = arith.index_cast %add3A_597 : i32 to index
        %swap3A_599 = tpu.vector_load %arg7[%swap3A_598] {strides = array<i32>} : memref<8192xf32, #tpu.memory_space<vmem>>, vector<16xf32>,
        tpu.vector_store %arg7[%swap3A_598], %broadcast_in_dim3A_5 {strides = array<i32>} : memref<8192xf32, #tpu.memory_space<vmem>>, vector<16xf32>,
        %mul3A_600 = arith.constant 16 : i32
        %mul3A_601 = arith.muli %scan3A_574, %mul3A_600 : i32
        %add3A_602 = arith.constant 4096 : i32
        %add3A_603 = arith.addi %add3A_602, %mul3A_601 : i32
        %swap3A_604 = arith.index_cast %add3A_603 : i32 to index
        %swap3A_605 = tpu.vector_load %arg7[%swap3A_604] {strides = array<i32>} : memref<8192xf32, #tpu.memory_space<vmem>>, vector<16xf32>,
        tpu.vector_store %arg7[%swap3A_604], %broadcast_in_dim3A_5 {strides = array<i32>} : memref<8192xf32, #tpu.memory_space<vmem>>, vector<16xf32>,
        %mul3A_606 = arith.constant 16 : i32
        %mul3A_607 = arith.muli %scan3A_574, %mul3A_606 : i32
        %add3A_608 = arith.constant 5120 : i32
        %add3A_609 = arith.addi %add3A_608, %mul3A_607 : i32
        %swap3A_610 = arith.index_cast %add3A_609 : i32 to index
        %swap3A_611 = tpu.vector_load %arg7[%swap3A_610] {strides = array<i32>} : memref<8192xf32, #tpu.memory_space<vmem>>, vector<16xf32>,
        tpu.vector_store %arg7[%swap3A_610], %broadcast_in_dim3A_5 {strides = array<i32>} : memref<8192xf32, #tpu.memory_space<vmem>>, vector<16xf32>,
        %mul3A_612 = arith.constant 16 : i32
        %mul3A_613 = arith.muli %scan3A_574, %mul3A_612 : i32
        %add3A_614 = arith.constant 6144 : i32
        %add3A_615 = arith.addi %add3A_614, %mul3A_613 : i32
        %swap3A_616 = arith.index_cast %add3A_615 : i32 to index
        %swap3A_617 = tpu.vector_load %arg7[%swap3A_616] {strides = array<i32>} : memref<8192xf32, #tpu.memory_space<vmem>>, vector<16xf32>,
        tpu.vector_store %arg7[%swap3A_616], %broadcast_in_dim3A_5 {strides = array<i32>} : memref<8192xf32, #tpu.memory_space<vmem>>, vector<16xf32>,
        %mul3A_618 = arith.constant 16 : i32
        %mul3A_619 = arith.muli %scan3A_574, %mul3A_618 : i32
        %add3A_620 = arith.constant 7168 : i32
        %add3A_621 = arith.addi %add3A_620, %mul3A_619 : i32
        %swap3A_622 = arith.index_cast %add3A_621 : i32 to index
        %swap3A_623 = tpu.vector_load %arg7[%swap3A_622] {strides = array<i32>} : memref<8192xf32, #tpu.memory_space<vmem>>, vector<16xf32>,
        tpu.vector_store %arg7[%swap3A_622], %broadcast_in_dim3A_5 {strides = array<i32>} : memref<8192xf32, #tpu.memory_space<vmem>>, vector<16xf32>,
        %scan3A_624 = arith.constant 0 : i32
        scf.yield %scan3A_624 : i32
      }
      %scan3A_94 = arith.constant 63 : i32
      %scan3A_95 = arith.constant 0 : i32
      %scan3A_96 = arith.constant 62 : i32
      %scan3A_97 = arith.addi %scan3A_95, %scan3A_96 : i32
      %scan3A_98 = arith.constant 1 : i32
      %scan3A_99:8 = scf.for %scan3A_574 = %scan3A_95 to %scan3A_97 step %scan3A_98 iter_args(%scan3A_575 = %broadcast_in_dim3A_5, %scan3A_576 = %broadcast_in_dim3A_5, %scan3A_577 = %broadcast_in_dim3A_5, %scan3A_578 = %broadcast_in_dim3A_5, %scan3A_579 = %broadcast_in_dim3A_5, %scan3A_580 = %broadcast_in_dim3A_5, %scan3A_581 = %broadcast_in_dim3A_5, %scan3A_582 = %broadcast_in_dim3A_5) -> (vector<16xf32>, vector<16xf32>, vector<16xf32>, vector<16xf32>, vector<16xf32>, vector<16xf32>, vector<16xf32>, vector<16xf32>)  : i32 {
        %mul3A_583 = arith.constant 16 : i32
        %mul3A_584 = arith.muli %scan3A_574, %mul3A_583 : i32
        %get3A_585 = arith.index_cast %mul3A_584 : i32 to index
        %get3A_586 = tpu.vector_load %arg9[%get3A_585] {strides = array<i32>} : memref<1008xf32, #tpu.memory_space<vmem>>, vector<16xf32>,
        %add3A_587 = arith.constant 0 : i32
        %add3A_588 = arith.addi %add3A_587, %mul3A_584 : i32
        %get3A_589 = arith.index_cast %add3A_588 : i32 to index
        %get3A_590 = tpu.vector_load %arg5[%get3A_589] {strides = array<i32>} : memref<8016xf32, #tpu.memory_space<vmem>>, vector<16xf32>,
        %convert_element_type3A_591 = arith.fptosi %get3A_590 : vector<16xf32> to vector<16xi32>
        %add3A_592 = arith.addi %convert_element_type3A_591, %broadcast_in_dim3A_12 : vector<16xi32>
        tpu.vector_store_idx %arg7[%add3A_592], %broadcast_in_dim3A_3 {add = true} : memref<8192xf32, #tpu.memory_space<vmem>>[vector<16xi32>], vector<16xf32>,
        %bitcast3A_593 = vector.bitcast %get3A_590 : vector<16xf32> to vector<16xi32>
        %add3A_594 = arith.constant 32767 : i32
        %add3A_595 = vector.broadcast %add3A_594 : i32 to vector<16xi32>
        %add3A_596 = arith.addi %bitcast3A_593, %add3A_595 : vector<16xi32>
        %shift_right_logical3A_597 = arith.constant 16 : i32
        %shift_right_logical3A_598 = vector.broadcast %shift_right_logical3A_597 : i32 to vector<16xi32>
        %shift_right_logical3A_599 = arith.shrui %bitcast3A_593, %shift_right_logical3A_598 : vector<16xi32>
        %and3A_600 = arith.constant 1 : i32
        %and3A_601 = vector.broadcast %and3A_600 : i32 to vector<16xi32>
        %and3A_602 = arith.andi %shift_right_logical3A_599, %and3A_601 : vector<16xi32>
        %add3A_603 = arith.addi %add3A_596, %and3A_602 : vector<16xi32>
        %and3A_604 = arith.constant -65536 : i32
        %and3A_605 = vector.broadcast %and3A_604 : i32 to vector<16xi32>
        %and3A_606 = arith.andi %add3A_603, %and3A_605 : vector<16xi32>
        %bitcast3A_607 = vector.bitcast %and3A_606 : vector<16xi32> to vector<16xf32>
        %mul3A_608 = arith.mulf %bitcast3A_607, %get3A_586 : vector<16xf32>
        %add3A_609 = arith.addf %scan3A_575, %mul3A_608 : vector<16xf32>
        %add3A_610 = arith.constant 1000 : i32
        %add3A_611 = arith.addi %add3A_610, %mul3A_584 : i32
        %get3A_612 = arith.index_cast %add3A_611 : i32 to index
        %get3A_613 = tpu.vector_load %arg5[%get3A_612] {strides = array<i32>} : memref<8016xf32, #tpu.memory_space<vmem>>, vector<16xf32>,
        %convert_element_type3A_614 = arith.fptosi %get3A_613 : vector<16xf32> to vector<16xi32>
        %add3A_615 = arith.addi %convert_element_type3A_614, %broadcast_in_dim3A_14 : vector<16xi32>
        tpu.vector_store_idx %arg7[%add3A_615], %broadcast_in_dim3A_3 {add = true} : memref<8192xf32, #tpu.memory_space<vmem>>[vector<16xi32>], vector<16xf32>,
        %bitcast3A_616 = vector.bitcast %get3A_613 : vector<16xf32> to vector<16xi32>
        %add3A_617 = arith.constant 32767 : i32
        %add3A_618 = vector.broadcast %add3A_617 : i32 to vector<16xi32>
        %add3A_619 = arith.addi %bitcast3A_616, %add3A_618 : vector<16xi32>
        %shift_right_logical3A_620 = arith.constant 16 : i32
        %shift_right_logical3A_621 = vector.broadcast %shift_right_logical3A_620 : i32 to vector<16xi32>
        %shift_right_logical3A_622 = arith.shrui %bitcast3A_616, %shift_right_logical3A_621 : vector<16xi32>
        %and3A_623 = arith.constant 1 : i32
        %and3A_624 = vector.broadcast %and3A_623 : i32 to vector<16xi32>
        %and3A_625 = arith.andi %shift_right_logical3A_622, %and3A_624 : vector<16xi32>
        %add3A_626 = arith.addi %add3A_619, %and3A_625 : vector<16xi32>
        %and3A_627 = arith.constant -65536 : i32
        %and3A_628 = vector.broadcast %and3A_627 : i32 to vector<16xi32>
        %and3A_629 = arith.andi %add3A_626, %and3A_628 : vector<16xi32>
        %bitcast3A_630 = vector.bitcast %and3A_629 : vector<16xi32> to vector<16xf32>
        %mul3A_631 = arith.mulf %bitcast3A_630, %get3A_586 : vector<16xf32>
        %add3A_632 = arith.addf %scan3A_576, %mul3A_631 : vector<16xf32>
        %add3A_633 = arith.constant 2000 : i32
        %add3A_634 = arith.addi %add3A_633, %mul3A_584 : i32
        %get3A_635 = arith.index_cast %add3A_634 : i32 to index
        %get3A_636 = tpu.vector_load %arg5[%get3A_635] {strides = array<i32>} : memref<8016xf32, #tpu.memory_space<vmem>>, vector<16xf32>,
        %convert_element_type3A_637 = arith.fptosi %get3A_636 : vector<16xf32> to vector<16xi32>
        %add3A_638 = arith.addi %convert_element_type3A_637, %broadcast_in_dim3A_16 : vector<16xi32>
        tpu.vector_store_idx %arg7[%add3A_638], %broadcast_in_dim3A_3 {add = true} : memref<8192xf32, #tpu.memory_space<vmem>>[vector<16xi32>], vector<16xf32>,
        %bitcast3A_639 = vector.bitcast %get3A_636 : vector<16xf32> to vector<16xi32>
        %add3A_640 = arith.constant 32767 : i32
        %add3A_641 = vector.broadcast %add3A_640 : i32 to vector<16xi32>
        %add3A_642 = arith.addi %bitcast3A_639, %add3A_641 : vector<16xi32>
        %shift_right_logical3A_643 = arith.constant 16 : i32
        %shift_right_logical3A_644 = vector.broadcast %shift_right_logical3A_643 : i32 to vector<16xi32>
        %shift_right_logical3A_645 = arith.shrui %bitcast3A_639, %shift_right_logical3A_644 : vector<16xi32>
        %and3A_646 = arith.constant 1 : i32
        %and3A_647 = vector.broadcast %and3A_646 : i32 to vector<16xi32>
        %and3A_648 = arith.andi %shift_right_logical3A_645, %and3A_647 : vector<16xi32>
        %add3A_649 = arith.addi %add3A_642, %and3A_648 : vector<16xi32>
        %and3A_650 = arith.constant -65536 : i32
        %and3A_651 = vector.broadcast %and3A_650 : i32 to vector<16xi32>
        %and3A_652 = arith.andi %add3A_649, %and3A_651 : vector<16xi32>
        %bitcast3A_653 = vector.bitcast %and3A_652 : vector<16xi32> to vector<16xf32>
        %mul3A_654 = arith.mulf %bitcast3A_653, %get3A_586 : vector<16xf32>
        %add3A_655 = arith.addf %scan3A_577, %mul3A_654 : vector<16xf32>
        %add3A_656 = arith.constant 3000 : i32
        %add3A_657 = arith.addi %add3A_656, %mul3A_584 : i32
        %get3A_658 = arith.index_cast %add3A_657 : i32 to index
        %get3A_659 = tpu.vector_load %arg5[%get3A_658] {strides = array<i32>} : memref<8016xf32, #tpu.memory_space<vmem>>, vector<16xf32>,
        %convert_element_type3A_660 = arith.fptosi %get3A_659 : vector<16xf32> to vector<16xi32>
        %add3A_661 = arith.addi %convert_element_type3A_660, %broadcast_in_dim3A_18 : vector<16xi32>
        tpu.vector_store_idx %arg7[%add3A_661], %broadcast_in_dim3A_3 {add = true} : memref<8192xf32, #tpu.memory_space<vmem>>[vector<16xi32>], vector<16xf32>,
        %bitcast3A_662 = vector.bitcast %get3A_659 : vector<16xf32> to vector<16xi32>
        %add3A_663 = arith.constant 32767 : i32
        %add3A_664 = vector.broadcast %add3A_663 : i32 to vector<16xi32>
        %add3A_665 = arith.addi %bitcast3A_662, %add3A_664 : vector<16xi32>
        %shift_right_logical3A_666 = arith.constant 16 : i32
        %shift_right_logical3A_667 = vector.broadcast %shift_right_logical3A_666 : i32 to vector<16xi32>
        %shift_right_logical3A_668 = arith.shrui %bitcast3A_662, %shift_right_logical3A_667 : vector<16xi32>
        %and3A_669 = arith.constant 1 : i32
        %and3A_670 = vector.broadcast %and3A_669 : i32 to vector<16xi32>
        %and3A_671 = arith.andi %shift_right_logical3A_668, %and3A_670 : vector<16xi32>
        %add3A_672 = arith.addi %add3A_665, %and3A_671 : vector<16xi32>
        %and3A_673 = arith.constant -65536 : i32
        %and3A_674 = vector.broadcast %and3A_673 : i32 to vector<16xi32>
        %and3A_675 = arith.andi %add3A_672, %and3A_674 : vector<16xi32>
        %bitcast3A_676 = vector.bitcast %and3A_675 : vector<16xi32> to vector<16xf32>
        %mul3A_677 = arith.mulf %bitcast3A_676, %get3A_586 : vector<16xf32>
        %add3A_678 = arith.addf %scan3A_578, %mul3A_677 : vector<16xf32>
        %add3A_679 = arith.constant 4000 : i32
        %add3A_680 = arith.addi %add3A_679, %mul3A_584 : i32
        %get3A_681 = arith.index_cast %add3A_680 : i32 to index
        %get3A_682 = tpu.vector_load %arg5[%get3A_681] {strides = array<i32>} : memref<8016xf32, #tpu.memory_space<vmem>>, vector<16xf32>,
        %convert_element_type3A_683 = arith.fptosi %get3A_682 : vector<16xf32> to vector<16xi32>
        %add3A_684 = arith.addi %convert_element_type3A_683, %broadcast_in_dim3A_20 : vector<16xi32>
        tpu.vector_store_idx %arg7[%add3A_684], %broadcast_in_dim3A_3 {add = true} : memref<8192xf32, #tpu.memory_space<vmem>>[vector<16xi32>], vector<16xf32>,
        %bitcast3A_685 = vector.bitcast %get3A_682 : vector<16xf32> to vector<16xi32>
        %add3A_686 = arith.constant 32767 : i32
        %add3A_687 = vector.broadcast %add3A_686 : i32 to vector<16xi32>
        %add3A_688 = arith.addi %bitcast3A_685, %add3A_687 : vector<16xi32>
        %shift_right_logical3A_689 = arith.constant 16 : i32
        %shift_right_logical3A_690 = vector.broadcast %shift_right_logical3A_689 : i32 to vector<16xi32>
        %shift_right_logical3A_691 = arith.shrui %bitcast3A_685, %shift_right_logical3A_690 : vector<16xi32>
        %and3A_692 = arith.constant 1 : i32
        %and3A_693 = vector.broadcast %and3A_692 : i32 to vector<16xi32>
        %and3A_694 = arith.andi %shift_right_logical3A_691, %and3A_693 : vector<16xi32>
        %add3A_695 = arith.addi %add3A_688, %and3A_694 : vector<16xi32>
        %and3A_696 = arith.constant -65536 : i32
        %and3A_697 = vector.broadcast %and3A_696 : i32 to vector<16xi32>
        %and3A_698 = arith.andi %add3A_695, %and3A_697 : vector<16xi32>
        %bitcast3A_699 = vector.bitcast %and3A_698 : vector<16xi32> to vector<16xf32>
        %mul3A_700 = arith.mulf %bitcast3A_699, %get3A_586 : vector<16xf32>
        %add3A_701 = arith.addf %scan3A_579, %mul3A_700 : vector<16xf32>
        %add3A_702 = arith.constant 5000 : i32
        %add3A_703 = arith.addi %add3A_702, %mul3A_584 : i32
        %get3A_704 = arith.index_cast %add3A_703 : i32 to index
        %get3A_705 = tpu.vector_load %arg5[%get3A_704] {strides = array<i32>} : memref<8016xf32, #tpu.memory_space<vmem>>, vector<16xf32>,
        %convert_element_type3A_706 = arith.fptosi %get3A_705 : vector<16xf32> to vector<16xi32>
        %add3A_707 = arith.addi %convert_element_type3A_706, %broadcast_in_dim3A_22 : vector<16xi32>
        tpu.vector_store_idx %arg7[%add3A_707], %broadcast_in_dim3A_3 {add = true} : memref<8192xf32, #tpu.memory_space<vmem>>[vector<16xi32>], vector<16xf32>,
        %bitcast3A_708 = vector.bitcast %get3A_705 : vector<16xf32> to vector<16xi32>
        %add3A_709 = arith.constant 32767 : i32
        %add3A_710 = vector.broadcast %add3A_709 : i32 to vector<16xi32>
        %add3A_711 = arith.addi %bitcast3A_708, %add3A_710 : vector<16xi32>
        %shift_right_logical3A_712 = arith.constant 16 : i32
        %shift_right_logical3A_713 = vector.broadcast %shift_right_logical3A_712 : i32 to vector<16xi32>
        %shift_right_logical3A_714 = arith.shrui %bitcast3A_708, %shift_right_logical3A_713 : vector<16xi32>
        %and3A_715 = arith.constant 1 : i32
        %and3A_716 = vector.broadcast %and3A_715 : i32 to vector<16xi32>
        %and3A_717 = arith.andi %shift_right_logical3A_714, %and3A_716 : vector<16xi32>
        %add3A_718 = arith.addi %add3A_711, %and3A_717 : vector<16xi32>
        %and3A_719 = arith.constant -65536 : i32
        %and3A_720 = vector.broadcast %and3A_719 : i32 to vector<16xi32>
        %and3A_721 = arith.andi %add3A_718, %and3A_720 : vector<16xi32>
        %bitcast3A_722 = vector.bitcast %and3A_721 : vector<16xi32> to vector<16xf32>
        %mul3A_723 = arith.mulf %bitcast3A_722, %get3A_586 : vector<16xf32>
        %add3A_724 = arith.addf %scan3A_580, %mul3A_723 : vector<16xf32>
        %add3A_725 = arith.constant 6000 : i32
        %add3A_726 = arith.addi %add3A_725, %mul3A_584 : i32
        %get3A_727 = arith.index_cast %add3A_726 : i32 to index
        %get3A_728 = tpu.vector_load %arg5[%get3A_727] {strides = array<i32>} : memref<8016xf32, #tpu.memory_space<vmem>>, vector<16xf32>,
        %convert_element_type3A_729 = arith.fptosi %get3A_728 : vector<16xf32> to vector<16xi32>
        %add3A_730 = arith.addi %convert_element_type3A_729, %broadcast_in_dim3A_24 : vector<16xi32>
        tpu.vector_store_idx %arg7[%add3A_730], %broadcast_in_dim3A_3 {add = true} : memref<8192xf32, #tpu.memory_space<vmem>>[vector<16xi32>], vector<16xf32>,
        %bitcast3A_731 = vector.bitcast %get3A_728 : vector<16xf32> to vector<16xi32>
        %add3A_732 = arith.constant 32767 : i32
        %add3A_733 = vector.broadcast %add3A_732 : i32 to vector<16xi32>
        %add3A_734 = arith.addi %bitcast3A_731, %add3A_733 : vector<16xi32>
        %shift_right_logical3A_735 = arith.constant 16 : i32
        %shift_right_logical3A_736 = vector.broadcast %shift_right_logical3A_735 : i32 to vector<16xi32>
        %shift_right_logical3A_737 = arith.shrui %bitcast3A_731, %shift_right_logical3A_736 : vector<16xi32>
        %and3A_738 = arith.constant 1 : i32
        %and3A_739 = vector.broadcast %and3A_738 : i32 to vector<16xi32>
        %and3A_740 = arith.andi %shift_right_logical3A_737, %and3A_739 : vector<16xi32>
        %add3A_741 = arith.addi %add3A_734, %and3A_740 : vector<16xi32>
        %and3A_742 = arith.constant -65536 : i32
        %and3A_743 = vector.broadcast %and3A_742 : i32 to vector<16xi32>
        %and3A_744 = arith.andi %add3A_741, %and3A_743 : vector<16xi32>
        %bitcast3A_745 = vector.bitcast %and3A_744 : vector<16xi32> to vector<16xf32>
        %mul3A_746 = arith.mulf %bitcast3A_745, %get3A_586 : vector<16xf32>
        %add3A_747 = arith.addf %scan3A_581, %mul3A_746 : vector<16xf32>
        %add3A_748 = arith.constant 7000 : i32
        %add3A_749 = arith.addi %add3A_748, %mul3A_584 : i32
        %get3A_750 = arith.index_cast %add3A_749 : i32 to index
        %get3A_751 = tpu.vector_load %arg5[%get3A_750] {strides = array<i32>} : memref<8016xf32, #tpu.memory_space<vmem>>, vector<16xf32>,
        %convert_element_type3A_752 = arith.fptosi %get3A_751 : vector<16xf32> to vector<16xi32>
        %add3A_753 = arith.addi %convert_element_type3A_752, %broadcast_in_dim3A_26 : vector<16xi32>
        tpu.vector_store_idx %arg7[%add3A_753], %broadcast_in_dim3A_3 {add = true} : memref<8192xf32, #tpu.memory_space<vmem>>[vector<16xi32>], vector<16xf32>,
        %bitcast3A_754 = vector.bitcast %get3A_751 : vector<16xf32> to vector<16xi32>
        %add3A_755 = arith.constant 32767 : i32
        %add3A_756 = vector.broadcast %add3A_755 : i32 to vector<16xi32>
        %add3A_757 = arith.addi %bitcast3A_754, %add3A_756 : vector<16xi32>
        %shift_right_logical3A_758 = arith.constant 16 : i32
        %shift_right_logical3A_759 = vector.broadcast %shift_right_logical3A_758 : i32 to vector<16xi32>
        %shift_right_logical3A_760 = arith.shrui %bitcast3A_754, %shift_right_logical3A_759 : vector<16xi32>
        %and3A_761 = arith.constant 1 : i32
        %and3A_762 = vector.broadcast %and3A_761 : i32 to vector<16xi32>
        %and3A_763 = arith.andi %shift_right_logical3A_760, %and3A_762 : vector<16xi32>
        %add3A_764 = arith.addi %add3A_757, %and3A_763 : vector<16xi32>
        %and3A_765 = arith.constant -65536 : i32
        %and3A_766 = vector.broadcast %and3A_765 : i32 to vector<16xi32>
        %and3A_767 = arith.andi %add3A_764, %and3A_766 : vector<16xi32>
        %bitcast3A_768 = vector.bitcast %and3A_767 : vector<16xi32> to vector<16xf32>
        %mul3A_769 = arith.mulf %bitcast3A_768, %get3A_586 : vector<16xf32>
        %add3A_770 = arith.addf %scan3A_582, %mul3A_769 : vector<16xf32>
        scf.yield %add3A_609, %add3A_632, %add3A_655, %add3A_678, %add3A_701, %add3A_724, %add3A_747, %add3A_770 : vector<16xf32>, vector<16xf32>, vector<16xf32>, vector<16xf32>, vector<16xf32>, vector<16xf32>, vector<16xf32>, vector<16xf32>
      }
      %scan3A_100 = arith.constant 62 : i32
      %get3A = arith.constant 992 : index
      %get3A_101 = tpu.vector_load %arg9[%get3A] {strides = array<i32>} : memref<1008xf32, #tpu.memory_space<vmem>>, vector<16xf32>,
      %get3A_102 = arith.constant 992 : index
      %get3A_103 = tpu.vector_load %arg5[%get3A_102] {strides = array<i32>} : memref<8016xf32, #tpu.memory_space<vmem>>, vector<16xf32>,
      %convert_element_type3A_104 = arith.fptosi %get3A_103 : vector<16xf32> to vector<16xi32>
      %add3A_105 = arith.addi %convert_element_type3A_104, %broadcast_in_dim3A_12 : vector<16xi32>
      tpu.vector_store_idx %arg7[%add3A_105], %broadcast_in_dim3A_3 masked %lt3A_7 {add = true} : memref<8192xf32, #tpu.memory_space<vmem>>[vector<16xi32>], vector<16xf32>, vector<16xi1>
      %bitcast3A = vector.bitcast %get3A_103 : vector<16xf32> to vector<16xi32>
      %add3A_106 = arith.constant 32767 : i32
      %add3A_107 = vector.broadcast %add3A_106 : i32 to vector<16xi32>
      %add3A_108 = arith.addi %bitcast3A, %add3A_107 : vector<16xi32>
      %shift_right_logical3A = arith.constant 16 : i32
      %shift_right_logical3A_109 = vector.broadcast %shift_right_logical3A : i32 to vector<16xi32>
      %shift_right_logical3A_110 = arith.shrui %bitcast3A, %shift_right_logical3A_109 : vector<16xi32>
      %and3A = arith.constant 1 : i32
      %and3A_111 = vector.broadcast %and3A : i32 to vector<16xi32>
      %and3A_112 = arith.andi %shift_right_logical3A_110, %and3A_111 : vector<16xi32>
      %add3A_113 = arith.addi %add3A_108, %and3A_112 : vector<16xi32>
      %and3A_114 = arith.constant -65536 : i32
      %and3A_115 = vector.broadcast %and3A_114 : i32 to vector<16xi32>
      %and3A_116 = arith.andi %add3A_113, %and3A_115 : vector<16xi32>
      %bitcast3A_117 = vector.bitcast %and3A_116 : vector<16xi32> to vector<16xf32>
      %mul3A_118 = arith.mulf %bitcast3A_117, %get3A_101 : vector<16xf32>
      %jit3A = arith.constant 0.000000e+00 : f32
      %broadcast_in_dim3A_119 = vector.broadcast %jit3A : f32 to vector<16xf32>
      %select_n3A = arith.select %lt3A_7, %mul3A_118, %broadcast_in_dim3A_119 : vector<16xi1>, vector<16xf32>
      %add3A_120 = arith.addf %scan3A_99#0, %select_n3A : vector<16xf32>
      %swap3A_121 = arith.constant 1008 : index
      %swap3A_122 = tpu.vector_load %arg7[%swap3A_121] {strides = array<i32>} : memref<8192xf32, #tpu.memory_space<vmem>>, vector<16xf32>,
      tpu.vector_store %arg7[%swap3A_121], %add3A_120 {strides = array<i32>} : memref<8192xf32, #tpu.memory_space<vmem>>, vector<16xf32>,
      %get3A_123 = arith.constant 1992 : index
      %get3A_124 = tpu.vector_load %arg5[%get3A_123] {strides = array<i32>} : memref<8016xf32, #tpu.memory_space<vmem>>, vector<16xf32>,
      %convert_element_type3A_125 = arith.fptosi %get3A_124 : vector<16xf32> to vector<16xi32>
      %add3A_126 = arith.addi %convert_element_type3A_125, %broadcast_in_dim3A_14 : vector<16xi32>
      tpu.vector_store_idx %arg7[%add3A_126], %broadcast_in_dim3A_3 masked %lt3A_7 {add = true} : memref<8192xf32, #tpu.memory_space<vmem>>[vector<16xi32>], vector<16xf32>, vector<16xi1>
      %bitcast3A_127 = vector.bitcast %get3A_124 : vector<16xf32> to vector<16xi32>
      %add3A_128 = arith.constant 32767 : i32
      %add3A_129 = vector.broadcast %add3A_128 : i32 to vector<16xi32>
      %add3A_130 = arith.addi %bitcast3A_127, %add3A_129 : vector<16xi32>
      %shift_right_logical3A_131 = arith.constant 16 : i32
      %shift_right_logical3A_132 = vector.broadcast %shift_right_logical3A_131 : i32 to vector<16xi32>
      %shift_right_logical3A_133 = arith.shrui %bitcast3A_127, %shift_right_logical3A_132 : vector<16xi32>
      %and3A_134 = arith.constant 1 : i32
      %and3A_135 = vector.broadcast %and3A_134 : i32 to vector<16xi32>
      %and3A_136 = arith.andi %shift_right_logical3A_133, %and3A_135 : vector<16xi32>
      %add3A_137 = arith.addi %add3A_130, %and3A_136 : vector<16xi32>
      %and3A_138 = arith.constant -65536 : i32
      %and3A_139 = vector.broadcast %and3A_138 : i32 to vector<16xi32>
      %and3A_140 = arith.andi %add3A_137, %and3A_139 : vector<16xi32>
      %bitcast3A_141 = vector.bitcast %and3A_140 : vector<16xi32> to vector<16xf32>
      %mul3A_142 = arith.mulf %bitcast3A_141, %get3A_101 : vector<16xf32>
      %jit3A_143 = arith.constant 0.000000e+00 : f32
      %broadcast_in_dim3A_144 = vector.broadcast %jit3A_143 : f32 to vector<16xf32>
      %select_n3A_145 = arith.select %lt3A_7, %mul3A_142, %broadcast_in_dim3A_144 : vector<16xi1>, vector<16xf32>
      %add3A_146 = arith.addf %scan3A_99#1, %select_n3A_145 : vector<16xf32>
      %swap3A_147 = arith.constant 2032 : index
      %swap3A_148 = tpu.vector_load %arg7[%swap3A_147] {strides = array<i32>} : memref<8192xf32, #tpu.memory_space<vmem>>, vector<16xf32>,
      tpu.vector_store %arg7[%swap3A_147], %add3A_146 {strides = array<i32>} : memref<8192xf32, #tpu.memory_space<vmem>>, vector<16xf32>,
      %get3A_149 = arith.constant 2992 : index
      %get3A_150 = tpu.vector_load %arg5[%get3A_149] {strides = array<i32>} : memref<8016xf32, #tpu.memory_space<vmem>>, vector<16xf32>,
      %convert_element_type3A_151 = arith.fptosi %get3A_150 : vector<16xf32> to vector<16xi32>
      %add3A_152 = arith.addi %convert_element_type3A_151, %broadcast_in_dim3A_16 : vector<16xi32>
      tpu.vector_store_idx %arg7[%add3A_152], %broadcast_in_dim3A_3 masked %lt3A_7 {add = true} : memref<8192xf32, #tpu.memory_space<vmem>>[vector<16xi32>], vector<16xf32>, vector<16xi1>
      %bitcast3A_153 = vector.bitcast %get3A_150 : vector<16xf32> to vector<16xi32>
      %add3A_154 = arith.constant 32767 : i32
      %add3A_155 = vector.broadcast %add3A_154 : i32 to vector<16xi32>
      %add3A_156 = arith.addi %bitcast3A_153, %add3A_155 : vector<16xi32>
      %shift_right_logical3A_157 = arith.constant 16 : i32
      %shift_right_logical3A_158 = vector.broadcast %shift_right_logical3A_157 : i32 to vector<16xi32>
      %shift_right_logical3A_159 = arith.shrui %bitcast3A_153, %shift_right_logical3A_158 : vector<16xi32>
      %and3A_160 = arith.constant 1 : i32
      %and3A_161 = vector.broadcast %and3A_160 : i32 to vector<16xi32>
      %and3A_162 = arith.andi %shift_right_logical3A_159, %and3A_161 : vector<16xi32>
      %add3A_163 = arith.addi %add3A_156, %and3A_162 : vector<16xi32>
      %and3A_164 = arith.constant -65536 : i32
      %and3A_165 = vector.broadcast %and3A_164 : i32 to vector<16xi32>
      %and3A_166 = arith.andi %add3A_163, %and3A_165 : vector<16xi32>
      %bitcast3A_167 = vector.bitcast %and3A_166 : vector<16xi32> to vector<16xf32>
      %mul3A_168 = arith.mulf %bitcast3A_167, %get3A_101 : vector<16xf32>
      %jit3A_169 = arith.constant 0.000000e+00 : f32
      %broadcast_in_dim3A_170 = vector.broadcast %jit3A_169 : f32 to vector<16xf32>
      %select_n3A_171 = arith.select %lt3A_7, %mul3A_168, %broadcast_in_dim3A_170 : vector<16xi1>, vector<16xf32>
      %add3A_172 = arith.addf %scan3A_99#2, %select_n3A_171 : vector<16xf32>
      %swap3A_173 = arith.constant 3056 : index
      %swap3A_174 = tpu.vector_load %arg7[%swap3A_173] {strides = array<i32>} : memref<8192xf32, #tpu.memory_space<vmem>>, vector<16xf32>,
      tpu.vector_store %arg7[%swap3A_173], %add3A_172 {strides = array<i32>} : memref<8192xf32, #tpu.memory_space<vmem>>, vector<16xf32>,
      %get3A_175 = arith.constant 3992 : index
      %get3A_176 = tpu.vector_load %arg5[%get3A_175] {strides = array<i32>} : memref<8016xf32, #tpu.memory_space<vmem>>, vector<16xf32>,
      %convert_element_type3A_177 = arith.fptosi %get3A_176 : vector<16xf32> to vector<16xi32>
      %add3A_178 = arith.addi %convert_element_type3A_177, %broadcast_in_dim3A_18 : vector<16xi32>
      tpu.vector_store_idx %arg7[%add3A_178], %broadcast_in_dim3A_3 masked %lt3A_7 {add = true} : memref<8192xf32, #tpu.memory_space<vmem>>[vector<16xi32>], vector<16xf32>, vector<16xi1>
      %bitcast3A_179 = vector.bitcast %get3A_176 : vector<16xf32> to vector<16xi32>
      %add3A_180 = arith.constant 32767 : i32
      %add3A_181 = vector.broadcast %add3A_180 : i32 to vector<16xi32>
      %add3A_182 = arith.addi %bitcast3A_179, %add3A_181 : vector<16xi32>
      %shift_right_logical3A_183 = arith.constant 16 : i32
      %shift_right_logical3A_184 = vector.broadcast %shift_right_logical3A_183 : i32 to vector<16xi32>
      %shift_right_logical3A_185 = arith.shrui %bitcast3A_179, %shift_right_logical3A_184 : vector<16xi32>
      %and3A_186 = arith.constant 1 : i32
      %and3A_187 = vector.broadcast %and3A_186 : i32 to vector<16xi32>
      %and3A_188 = arith.andi %shift_right_logical3A_185, %and3A_187 : vector<16xi32>
      %add3A_189 = arith.addi %add3A_182, %and3A_188 : vector<16xi32>
      %and3A_190 = arith.constant -65536 : i32
      %and3A_191 = vector.broadcast %and3A_190 : i32 to vector<16xi32>
      %and3A_192 = arith.andi %add3A_189, %and3A_191 : vector<16xi32>
      %bitcast3A_193 = vector.bitcast %and3A_192 : vector<16xi32> to vector<16xf32>
      %mul3A_194 = arith.mulf %bitcast3A_193, %get3A_101 : vector<16xf32>
      %jit3A_195 = arith.constant 0.000000e+00 : f32
      %broadcast_in_dim3A_196 = vector.broadcast %jit3A_195 : f32 to vector<16xf32>
      %select_n3A_197 = arith.select %lt3A_7, %mul3A_194, %broadcast_in_dim3A_196 : vector<16xi1>, vector<16xf32>
      %add3A_198 = arith.addf %scan3A_99#3, %select_n3A_197 : vector<16xf32>
      %swap3A_199 = arith.constant 4080 : index
      %swap3A_200 = tpu.vector_load %arg7[%swap3A_199] {strides = array<i32>} : memref<8192xf32, #tpu.memory_space<vmem>>, vector<16xf32>,
      tpu.vector_store %arg7[%swap3A_199], %add3A_198 {strides = array<i32>} : memref<8192xf32, #tpu.memory_space<vmem>>, vector<16xf32>,
      %get3A_201 = arith.constant 4992 : index
      %get3A_202 = tpu.vector_load %arg5[%get3A_201] {strides = array<i32>} : memref<8016xf32, #tpu.memory_space<vmem>>, vector<16xf32>,
      %convert_element_type3A_203 = arith.fptosi %get3A_202 : vector<16xf32> to vector<16xi32>
      %add3A_204 = arith.addi %convert_element_type3A_203, %broadcast_in_dim3A_20 : vector<16xi32>
      tpu.vector_store_idx %arg7[%add3A_204], %broadcast_in_dim3A_3 masked %lt3A_7 {add = true} : memref<8192xf32, #tpu.memory_space<vmem>>[vector<16xi32>], vector<16xf32>, vector<16xi1>
      %bitcast3A_205 = vector.bitcast %get3A_202 : vector<16xf32> to vector<16xi32>
      %add3A_206 = arith.constant 32767 : i32
      %add3A_207 = vector.broadcast %add3A_206 : i32 to vector<16xi32>
      %add3A_208 = arith.addi %bitcast3A_205, %add3A_207 : vector<16xi32>
      %shift_right_logical3A_209 = arith.constant 16 : i32
      %shift_right_logical3A_210 = vector.broadcast %shift_right_logical3A_209 : i32 to vector<16xi32>
      %shift_right_logical3A_211 = arith.shrui %bitcast3A_205, %shift_right_logical3A_210 : vector<16xi32>
      %and3A_212 = arith.constant 1 : i32
      %and3A_213 = vector.broadcast %and3A_212 : i32 to vector<16xi32>
      %and3A_214 = arith.andi %shift_right_logical3A_211, %and3A_213 : vector<16xi32>
      %add3A_215 = arith.addi %add3A_208, %and3A_214 : vector<16xi32>
      %and3A_216 = arith.constant -65536 : i32
      %and3A_217 = vector.broadcast %and3A_216 : i32 to vector<16xi32>
      %and3A_218 = arith.andi %add3A_215, %and3A_217 : vector<16xi32>
      %bitcast3A_219 = vector.bitcast %and3A_218 : vector<16xi32> to vector<16xf32>
      %mul3A_220 = arith.mulf %bitcast3A_219, %get3A_101 : vector<16xf32>
      %jit3A_221 = arith.constant 0.000000e+00 : f32
      %broadcast_in_dim3A_222 = vector.broadcast %jit3A_221 : f32 to vector<16xf32>
      %select_n3A_223 = arith.select %lt3A_7, %mul3A_220, %broadcast_in_dim3A_222 : vector<16xi1>, vector<16xf32>
      %add3A_224 = arith.addf %scan3A_99#4, %select_n3A_223 : vector<16xf32>
      %swap3A_225 = arith.constant 5104 : index
      %swap3A_226 = tpu.vector_load %arg7[%swap3A_225] {strides = array<i32>} : memref<8192xf32, #tpu.memory_space<vmem>>, vector<16xf32>,
      tpu.vector_store %arg7[%swap3A_225], %add3A_224 {strides = array<i32>} : memref<8192xf32, #tpu.memory_space<vmem>>, vector<16xf32>,
      %get3A_227 = arith.constant 5992 : index
      %get3A_228 = tpu.vector_load %arg5[%get3A_227] {strides = array<i32>} : memref<8016xf32, #tpu.memory_space<vmem>>, vector<16xf32>,
      %convert_element_type3A_229 = arith.fptosi %get3A_228 : vector<16xf32> to vector<16xi32>
      %add3A_230 = arith.addi %convert_element_type3A_229, %broadcast_in_dim3A_22 : vector<16xi32>
      tpu.vector_store_idx %arg7[%add3A_230], %broadcast_in_dim3A_3 masked %lt3A_7 {add = true} : memref<8192xf32, #tpu.memory_space<vmem>>[vector<16xi32>], vector<16xf32>, vector<16xi1>
      %bitcast3A_231 = vector.bitcast %get3A_228 : vector<16xf32> to vector<16xi32>
      %add3A_232 = arith.constant 32767 : i32
      %add3A_233 = vector.broadcast %add3A_232 : i32 to vector<16xi32>
      %add3A_234 = arith.addi %bitcast3A_231, %add3A_233 : vector<16xi32>
      %shift_right_logical3A_235 = arith.constant 16 : i32
      %shift_right_logical3A_236 = vector.broadcast %shift_right_logical3A_235 : i32 to vector<16xi32>
      %shift_right_logical3A_237 = arith.shrui %bitcast3A_231, %shift_right_logical3A_236 : vector<16xi32>
      %and3A_238 = arith.constant 1 : i32
      %and3A_239 = vector.broadcast %and3A_238 : i32 to vector<16xi32>
      %and3A_240 = arith.andi %shift_right_logical3A_237, %and3A_239 : vector<16xi32>
      %add3A_241 = arith.addi %add3A_234, %and3A_240 : vector<16xi32>
      %and3A_242 = arith.constant -65536 : i32
      %and3A_243 = vector.broadcast %and3A_242 : i32 to vector<16xi32>
      %and3A_244 = arith.andi %add3A_241, %and3A_243 : vector<16xi32>
      %bitcast3A_245 = vector.bitcast %and3A_244 : vector<16xi32> to vector<16xf32>
      %mul3A_246 = arith.mulf %bitcast3A_245, %get3A_101 : vector<16xf32>
      %jit3A_247 = arith.constant 0.000000e+00 : f32
      %broadcast_in_dim3A_248 = vector.broadcast %jit3A_247 : f32 to vector<16xf32>
      %select_n3A_249 = arith.select %lt3A_7, %mul3A_246, %broadcast_in_dim3A_248 : vector<16xi1>, vector<16xf32>
      %add3A_250 = arith.addf %scan3A_99#5, %select_n3A_249 : vector<16xf32>
      %swap3A_251 = arith.constant 6128 : index
      %swap3A_252 = tpu.vector_load %arg7[%swap3A_251] {strides = array<i32>} : memref<8192xf32, #tpu.memory_space<vmem>>, vector<16xf32>,
      tpu.vector_store %arg7[%swap3A_251], %add3A_250 {strides = array<i32>} : memref<8192xf32, #tpu.memory_space<vmem>>, vector<16xf32>,
      %get3A_253 = arith.constant 6992 : index
      %get3A_254 = tpu.vector_load %arg5[%get3A_253] {strides = array<i32>} : memref<8016xf32, #tpu.memory_space<vmem>>, vector<16xf32>,
      %convert_element_type3A_255 = arith.fptosi %get3A_254 : vector<16xf32> to vector<16xi32>
      %add3A_256 = arith.addi %convert_element_type3A_255, %broadcast_in_dim3A_24 : vector<16xi32>
      tpu.vector_store_idx %arg7[%add3A_256], %broadcast_in_dim3A_3 masked %lt3A_7 {add = true} : memref<8192xf32, #tpu.memory_space<vmem>>[vector<16xi32>], vector<16xf32>, vector<16xi1>
      %bitcast3A_257 = vector.bitcast %get3A_254 : vector<16xf32> to vector<16xi32>
      %add3A_258 = arith.constant 32767 : i32
      %add3A_259 = vector.broadcast %add3A_258 : i32 to vector<16xi32>
      %add3A_260 = arith.addi %bitcast3A_257, %add3A_259 : vector<16xi32>
      %shift_right_logical3A_261 = arith.constant 16 : i32
      %shift_right_logical3A_262 = vector.broadcast %shift_right_logical3A_261 : i32 to vector<16xi32>
      %shift_right_logical3A_263 = arith.shrui %bitcast3A_257, %shift_right_logical3A_262 : vector<16xi32>
      %and3A_264 = arith.constant 1 : i32
      %and3A_265 = vector.broadcast %and3A_264 : i32 to vector<16xi32>
      %and3A_266 = arith.andi %shift_right_logical3A_263, %and3A_265 : vector<16xi32>
      %add3A_267 = arith.addi %add3A_260, %and3A_266 : vector<16xi32>
      %and3A_268 = arith.constant -65536 : i32
      %and3A_269 = vector.broadcast %and3A_268 : i32 to vector<16xi32>
      %and3A_270 = arith.andi %add3A_267, %and3A_269 : vector<16xi32>
      %bitcast3A_271 = vector.bitcast %and3A_270 : vector<16xi32> to vector<16xf32>
      %mul3A_272 = arith.mulf %bitcast3A_271, %get3A_101 : vector<16xf32>
      %jit3A_273 = arith.constant 0.000000e+00 : f32
      %broadcast_in_dim3A_274 = vector.broadcast %jit3A_273 : f32 to vector<16xf32>
      %select_n3A_275 = arith.select %lt3A_7, %mul3A_272, %broadcast_in_dim3A_274 : vector<16xi1>, vector<16xf32>
      %add3A_276 = arith.addf %scan3A_99#6, %select_n3A_275 : vector<16xf32>
      %swap3A_277 = arith.constant 7152 : index
      %swap3A_278 = tpu.vector_load %arg7[%swap3A_277] {strides = array<i32>} : memref<8192xf32, #tpu.memory_space<vmem>>, vector<16xf32>,
      tpu.vector_store %arg7[%swap3A_277], %add3A_276 {strides = array<i32>} : memref<8192xf32, #tpu.memory_space<vmem>>, vector<16xf32>,
      %get3A_279 = arith.constant 7992 : index
      %get3A_280 = tpu.vector_load %arg5[%get3A_279] {strides = array<i32>} : memref<8016xf32, #tpu.memory_space<vmem>>, vector<16xf32>,
      %convert_element_type3A_281 = arith.fptosi %get3A_280 : vector<16xf32> to vector<16xi32>
      %add3A_282 = arith.addi %convert_element_type3A_281, %broadcast_in_dim3A_26 : vector<16xi32>
      tpu.vector_store_idx %arg7[%add3A_282], %broadcast_in_dim3A_3 masked %lt3A_7 {add = true} : memref<8192xf32, #tpu.memory_space<vmem>>[vector<16xi32>], vector<16xf32>, vector<16xi1>
      %bitcast3A_283 = vector.bitcast %get3A_280 : vector<16xf32> to vector<16xi32>
      %add3A_284 = arith.constant 32767 : i32
      %add3A_285 = vector.broadcast %add3A_284 : i32 to vector<16xi32>
      %add3A_286 = arith.addi %bitcast3A_283, %add3A_285 : vector<16xi32>
      %shift_right_logical3A_287 = arith.constant 16 : i32
      %shift_right_logical3A_288 = vector.broadcast %shift_right_logical3A_287 : i32 to vector<16xi32>
      %shift_right_logical3A_289 = arith.shrui %bitcast3A_283, %shift_right_logical3A_288 : vector<16xi32>
      %and3A_290 = arith.constant 1 : i32
      %and3A_291 = vector.broadcast %and3A_290 : i32 to vector<16xi32>
      %and3A_292 = arith.andi %shift_right_logical3A_289, %and3A_291 : vector<16xi32>
      %add3A_293 = arith.addi %add3A_286, %and3A_292 : vector<16xi32>
      %and3A_294 = arith.constant -65536 : i32
      %and3A_295 = vector.broadcast %and3A_294 : i32 to vector<16xi32>
      %and3A_296 = arith.andi %add3A_293, %and3A_295 : vector<16xi32>
      %bitcast3A_297 = vector.bitcast %and3A_296 : vector<16xi32> to vector<16xf32>
      %mul3A_298 = arith.mulf %bitcast3A_297, %get3A_101 : vector<16xf32>
      %jit3A_299 = arith.constant 0.000000e+00 : f32
      %broadcast_in_dim3A_300 = vector.broadcast %jit3A_299 : f32 to vector<16xf32>
      %select_n3A_301 = arith.select %lt3A_7, %mul3A_298, %broadcast_in_dim3A_300 : vector<16xi1>, vector<16xf32>
      %add3A_302 = arith.addf %scan3A_99#7, %select_n3A_301 : vector<16xf32>
      %swap3A_303 = arith.constant 8176 : index
      %swap3A_304 = tpu.vector_load %arg7[%swap3A_303] {strides = array<i32>} : memref<8192xf32, #tpu.memory_space<vmem>>, vector<16xf32>,
      tpu.vector_store %arg7[%swap3A_303], %add3A_302 {strides = array<i32>} : memref<8192xf32, #tpu.memory_space<vmem>>, vector<16xf32>,
      %mul3A_305 = arith.constant 8 : i32
      %mul3A_306 = arith.muli %add3A_72, %mul3A_305 : i32
      %add3A_307 = arith.addi %mul3A_2, %mul3A_306 : i32
      %mul3A_308 = arith.constant 1024 : i32
      %mul3A_309 = arith.muli %add3A_307, %mul3A_308 : i32
      %dma_start3A_310 = tpu.memref_slice %arg4[%mul3A_309] : memref<2097152xf32, #tpu.memory_space<hbm>> -> memref<8192xf32, #tpu.memory_space<hbm>>
      %dma_start3A_311 = tpu.memref_slice %arg4[%mul3A_309] : memref<2097152xf32, #tpu.memory_space<hbm>> -> memref<8192xf32, #tpu.memory_space<hbm>>
      tpu.enqueue_dma source(%arg7 : memref<8192xf32, #tpu.memory_space<vmem>>) target(%dma_start3A_311 : memref<8192xf32, #tpu.memory_space<hbm>>) target_semaphore(%arg12 : memref<!tpu.dma_semaphore, #tpu.memory_space<semaphore_mem>>)
      %le3A = arith.constant 5 : i32
      %le3A_312 = arith.cmpi sle, %add3A_72, %le3A : i32
      %convert_element_type3A_313 = arith.extui %le3A_312 : i1 to i32
      %cond3A_314 = arith.constant 0 : i32
      %cond3A_315 = arith.cmpi ne, %convert_element_type3A_313, %cond3A_314 : i32
      scf.if %cond3A_315 {
        %add3A_574 = arith.constant 2 : i32
        %add3A_575 = arith.addi %add3A_72, %add3A_574 : i32
        %add3A_576 = arith.constant 0 : i32
        %add3A_577 = arith.addi %add3A_576, %mul3A_2 : i32
        %mul3A_578 = arith.constant 8 : i32
        %mul3A_579 = arith.muli %add3A_575, %mul3A_578 : i32
        %add3A_580 = arith.addi %add3A_577, %mul3A_579 : i32
        %mul3A_581 = arith.constant 1000 : i32
        %mul3A_582 = arith.muli %add3A_580, %mul3A_581 : i32
        %dma_start3A_583 = arith.constant 0 : i32
        %dma_start3A_584 = tpu.memref_slice %arg5[%dma_start3A_583] : memref<8016xf32, #tpu.memory_space<vmem>> -> memref<8000xf32, #tpu.memory_space<vmem>>
        %dma_start3A_585 = tpu.memref_slice %arg2[%mul3A_582] : memref<4096000xf32, #tpu.memory_space<hbm>> -> memref<8000xf32, #tpu.memory_space<hbm>>
        %dma_start3A_586 = arith.constant 0 : i32
        %dma_start3A_587 = tpu.memref_slice %arg5[%dma_start3A_586] : memref<8016xf32, #tpu.memory_space<vmem>> -> memref<8000xf32, #tpu.memory_space<vmem>>
        %dma_start3A_588 = tpu.memref_slice %arg2[%mul3A_582] : memref<4096000xf32, #tpu.memory_space<hbm>> -> memref<8000xf32, #tpu.memory_space<hbm>>
        tpu.enqueue_dma source(%dma_start3A_588 : memref<8000xf32, #tpu.memory_space<hbm>>) target(%dma_start3A_587 : memref<8000xf32, #tpu.memory_space<vmem>>) target_semaphore(%arg10 : memref<!tpu.dma_semaphore, #tpu.memory_space<semaphore_mem>>)
      } else {
      }
      %mul3A_316 = arith.constant 2 : i32
      %mul3A_317 = arith.muli %mul3A_316, %scan3A_67 : i32
      %add3A_318 = arith.constant 1 : i32
      %add3A_319 = arith.addi %mul3A_317, %add3A_318 : i32
      %add3A_320 = arith.constant 0 : i32
      %add3A_321 = arith.addi %add3A_320, %mul3A_2 : i32
      %mul3A_322 = arith.constant 8 : i32
      %mul3A_323 = arith.muli %add3A_319, %mul3A_322 : i32
      %add3A_324 = arith.addi %add3A_321, %mul3A_323 : i32
      %mul3A_325 = arith.constant 1000 : i32
      %mul3A_326 = arith.muli %add3A_324, %mul3A_325 : i32
      %dma_wait3A_327 = arith.constant 0 : i32
      %dma_wait3A_328 = tpu.memref_slice %arg6[%dma_wait3A_327] : memref<8016xf32, #tpu.memory_space<vmem>> -> memref<8000xf32, #tpu.memory_space<vmem>>
      %dma_wait3A_329 = tpu.memref_slice %arg2[%mul3A_326] : memref<4096000xf32, #tpu.memory_space<hbm>> -> memref<8000xf32, #tpu.memory_space<hbm>>
      %dma_wait3A_330 = arith.constant 0 : i32
      %dma_wait3A_331 = tpu.memref_slice %arg6[%dma_wait3A_330] : memref<8016xf32, #tpu.memory_space<vmem>> -> memref<8000xf32, #tpu.memory_space<vmem>>
      %dma_wait3A_332 = tpu.memref_slice %arg2[%mul3A_326] : memref<4096000xf32, #tpu.memory_space<hbm>> -> memref<8000xf32, #tpu.memory_space<hbm>>
      tpu.wait_dma2 semaphore(%arg11 : memref<!tpu.dma_semaphore, #tpu.memory_space<semaphore_mem>>) src(%dma_wait3A_332 : memref<8000xf32, #tpu.memory_space<hbm>>) dst(%dma_wait3A_331 : memref<8000xf32, #tpu.memory_space<vmem>>)
      %ge3A_333 = arith.constant 2 : i32
      %ge3A_334 = arith.cmpi sge, %add3A_319, %ge3A_333 : i32
      %convert_element_type3A_335 = arith.extui %ge3A_334 : i1 to i32
      %cond3A_336 = arith.constant 0 : i32
      %cond3A_337 = arith.cmpi ne, %convert_element_type3A_335, %cond3A_336 : i32
      scf.if %cond3A_337 {
        %mul3A_574 = arith.constant 8 : i32
        %mul3A_575 = arith.muli %add3A_319, %mul3A_574 : i32
        %add3A_576 = arith.addi %mul3A_2, %mul3A_575 : i32
        %mul3A_577 = arith.constant 1024 : i32
        %mul3A_578 = arith.muli %add3A_576, %mul3A_577 : i32
        %dma_wait3A_579 = tpu.memref_slice %arg4[%mul3A_578] : memref<2097152xf32, #tpu.memory_space<hbm>> -> memref<8192xf32, #tpu.memory_space<hbm>>
        %dma_wait3A_580 = tpu.memref_slice %arg4[%mul3A_578] : memref<2097152xf32, #tpu.memory_space<hbm>> -> memref<8192xf32, #tpu.memory_space<hbm>>
        tpu.wait_dma2 semaphore(%arg13 : memref<!tpu.dma_semaphore, #tpu.memory_space<semaphore_mem>>) src(%arg8 : memref<8192xf32, #tpu.memory_space<vmem>>) dst(%dma_wait3A_580 : memref<8192xf32, #tpu.memory_space<hbm>>)
      } else {
      }
      %scan3A_338 = arith.constant 0 : i32
      %scan3A_339 = arith.constant 0 : i32
      %scan3A_340 = arith.constant 63 : i32
      %scan3A_341 = arith.addi %scan3A_339, %scan3A_340 : i32
      %scan3A_342 = arith.constant 1 : i32
      %scan3A_343 = scf.for %scan3A_574 = %scan3A_339 to %scan3A_341 step %scan3A_342 iter_args(%scan3A_575 = %scan3A_338) -> (i32)  : i32 {
        %mul3A_576 = arith.constant 16 : i32
        %mul3A_577 = arith.muli %scan3A_574, %mul3A_576 : i32
        %add3A_578 = arith.constant 0 : i32
        %add3A_579 = arith.addi %add3A_578, %mul3A_577 : i32
        %swap3A_580 = arith.index_cast %add3A_579 : i32 to index
        %swap3A_581 = tpu.vector_load %arg8[%swap3A_580] {strides = array<i32>} : memref<8192xf32, #tpu.memory_space<vmem>>, vector<16xf32>,
        tpu.vector_store %arg8[%swap3A_580], %broadcast_in_dim3A_5 {strides = array<i32>} : memref<8192xf32, #tpu.memory_space<vmem>>, vector<16xf32>,
        %mul3A_582 = arith.constant 16 : i32
        %mul3A_583 = arith.muli %scan3A_574, %mul3A_582 : i32
        %add3A_584 = arith.constant 1024 : i32
        %add3A_585 = arith.addi %add3A_584, %mul3A_583 : i32
        %swap3A_586 = arith.index_cast %add3A_585 : i32 to index
        %swap3A_587 = tpu.vector_load %arg8[%swap3A_586] {strides = array<i32>} : memref<8192xf32, #tpu.memory_space<vmem>>, vector<16xf32>,
        tpu.vector_store %arg8[%swap3A_586], %broadcast_in_dim3A_5 {strides = array<i32>} : memref<8192xf32, #tpu.memory_space<vmem>>, vector<16xf32>,
        %mul3A_588 = arith.constant 16 : i32
        %mul3A_589 = arith.muli %scan3A_574, %mul3A_588 : i32
        %add3A_590 = arith.constant 2048 : i32
        %add3A_591 = arith.addi %add3A_590, %mul3A_589 : i32
        %swap3A_592 = arith.index_cast %add3A_591 : i32 to index
        %swap3A_593 = tpu.vector_load %arg8[%swap3A_592] {strides = array<i32>} : memref<8192xf32, #tpu.memory_space<vmem>>, vector<16xf32>,
        tpu.vector_store %arg8[%swap3A_592], %broadcast_in_dim3A_5 {strides = array<i32>} : memref<8192xf32, #tpu.memory_space<vmem>>, vector<16xf32>,
        %mul3A_594 = arith.constant 16 : i32
        %mul3A_595 = arith.muli %scan3A_574, %mul3A_594 : i32
        %add3A_596 = arith.constant 3072 : i32
        %add3A_597 = arith.addi %add3A_596, %mul3A_595 : i32
        %swap3A_598 = arith.index_cast %add3A_597 : i32 to index
        %swap3A_599 = tpu.vector_load %arg8[%swap3A_598] {strides = array<i32>} : memref<8192xf32, #tpu.memory_space<vmem>>, vector<16xf32>,
        tpu.vector_store %arg8[%swap3A_598], %broadcast_in_dim3A_5 {strides = array<i32>} : memref<8192xf32, #tpu.memory_space<vmem>>, vector<16xf32>,
        %mul3A_600 = arith.constant 16 : i32
        %mul3A_601 = arith.muli %scan3A_574, %mul3A_600 : i32
        %add3A_602 = arith.constant 4096 : i32
        %add3A_603 = arith.addi %add3A_602, %mul3A_601 : i32
        %swap3A_604 = arith.index_cast %add3A_603 : i32 to index
        %swap3A_605 = tpu.vector_load %arg8[%swap3A_604] {strides = array<i32>} : memref<8192xf32, #tpu.memory_space<vmem>>, vector<16xf32>,
        tpu.vector_store %arg8[%swap3A_604], %broadcast_in_dim3A_5 {strides = array<i32>} : memref<8192xf32, #tpu.memory_space<vmem>>, vector<16xf32>,
        %mul3A_606 = arith.constant 16 : i32
        %mul3A_607 = arith.muli %scan3A_574, %mul3A_606 : i32
        %add3A_608 = arith.constant 5120 : i32
        %add3A_609 = arith.addi %add3A_608, %mul3A_607 : i32
        %swap3A_610 = arith.index_cast %add3A_609 : i32 to index
        %swap3A_611 = tpu.vector_load %arg8[%swap3A_610] {strides = array<i32>} : memref<8192xf32, #tpu.memory_space<vmem>>, vector<16xf32>,
        tpu.vector_store %arg8[%swap3A_610], %broadcast_in_dim3A_5 {strides = array<i32>} : memref<8192xf32, #tpu.memory_space<vmem>>, vector<16xf32>,
        %mul3A_612 = arith.constant 16 : i32
        %mul3A_613 = arith.muli %scan3A_574, %mul3A_612 : i32
        %add3A_614 = arith.constant 6144 : i32
        %add3A_615 = arith.addi %add3A_614, %mul3A_613 : i32
        %swap3A_616 = arith.index_cast %add3A_615 : i32 to index
        %swap3A_617 = tpu.vector_load %arg8[%swap3A_616] {strides = array<i32>} : memref<8192xf32, #tpu.memory_space<vmem>>, vector<16xf32>,
        tpu.vector_store %arg8[%swap3A_616], %broadcast_in_dim3A_5 {strides = array<i32>} : memref<8192xf32, #tpu.memory_space<vmem>>, vector<16xf32>,
        %mul3A_618 = arith.constant 16 : i32
        %mul3A_619 = arith.muli %scan3A_574, %mul3A_618 : i32
        %add3A_620 = arith.constant 7168 : i32
        %add3A_621 = arith.addi %add3A_620, %mul3A_619 : i32
        %swap3A_622 = arith.index_cast %add3A_621 : i32 to index
        %swap3A_623 = tpu.vector_load %arg8[%swap3A_622] {strides = array<i32>} : memref<8192xf32, #tpu.memory_space<vmem>>, vector<16xf32>,
        tpu.vector_store %arg8[%swap3A_622], %broadcast_in_dim3A_5 {strides = array<i32>} : memref<8192xf32, #tpu.memory_space<vmem>>, vector<16xf32>,
        %scan3A_624 = arith.constant 0 : i32
        scf.yield %scan3A_624 : i32
      }
      %scan3A_344 = arith.constant 63 : i32
      %scan3A_345 = arith.constant 0 : i32
      %scan3A_346 = arith.constant 62 : i32
      %scan3A_347 = arith.addi %scan3A_345, %scan3A_346 : i32
      %scan3A_348 = arith.constant 1 : i32
      %scan3A_349:8 = scf.for %scan3A_574 = %scan3A_345 to %scan3A_347 step %scan3A_348 iter_args(%scan3A_575 = %broadcast_in_dim3A_5, %scan3A_576 = %broadcast_in_dim3A_5, %scan3A_577 = %broadcast_in_dim3A_5, %scan3A_578 = %broadcast_in_dim3A_5, %scan3A_579 = %broadcast_in_dim3A_5, %scan3A_580 = %broadcast_in_dim3A_5, %scan3A_581 = %broadcast_in_dim3A_5, %scan3A_582 = %broadcast_in_dim3A_5) -> (vector<16xf32>, vector<16xf32>, vector<16xf32>, vector<16xf32>, vector<16xf32>, vector<16xf32>, vector<16xf32>, vector<16xf32>)  : i32 {
        %mul3A_583 = arith.constant 16 : i32
        %mul3A_584 = arith.muli %scan3A_574, %mul3A_583 : i32
        %get3A_585 = arith.index_cast %mul3A_584 : i32 to index
        %get3A_586 = tpu.vector_load %arg9[%get3A_585] {strides = array<i32>} : memref<1008xf32, #tpu.memory_space<vmem>>, vector<16xf32>,
        %add3A_587 = arith.constant 0 : i32
        %add3A_588 = arith.addi %add3A_587, %mul3A_584 : i32
        %get3A_589 = arith.index_cast %add3A_588 : i32 to index
        %get3A_590 = tpu.vector_load %arg6[%get3A_589] {strides = array<i32>} : memref<8016xf32, #tpu.memory_space<vmem>>, vector<16xf32>,
        %convert_element_type3A_591 = arith.fptosi %get3A_590 : vector<16xf32> to vector<16xi32>
        %add3A_592 = arith.addi %convert_element_type3A_591, %broadcast_in_dim3A_12 : vector<16xi32>
        tpu.vector_store_idx %arg8[%add3A_592], %broadcast_in_dim3A_3 {add = true} : memref<8192xf32, #tpu.memory_space<vmem>>[vector<16xi32>], vector<16xf32>,
        %bitcast3A_593 = vector.bitcast %get3A_590 : vector<16xf32> to vector<16xi32>
        %add3A_594 = arith.constant 32767 : i32
        %add3A_595 = vector.broadcast %add3A_594 : i32 to vector<16xi32>
        %add3A_596 = arith.addi %bitcast3A_593, %add3A_595 : vector<16xi32>
        %shift_right_logical3A_597 = arith.constant 16 : i32
        %shift_right_logical3A_598 = vector.broadcast %shift_right_logical3A_597 : i32 to vector<16xi32>
        %shift_right_logical3A_599 = arith.shrui %bitcast3A_593, %shift_right_logical3A_598 : vector<16xi32>
        %and3A_600 = arith.constant 1 : i32
        %and3A_601 = vector.broadcast %and3A_600 : i32 to vector<16xi32>
        %and3A_602 = arith.andi %shift_right_logical3A_599, %and3A_601 : vector<16xi32>
        %add3A_603 = arith.addi %add3A_596, %and3A_602 : vector<16xi32>
        %and3A_604 = arith.constant -65536 : i32
        %and3A_605 = vector.broadcast %and3A_604 : i32 to vector<16xi32>
        %and3A_606 = arith.andi %add3A_603, %and3A_605 : vector<16xi32>
        %bitcast3A_607 = vector.bitcast %and3A_606 : vector<16xi32> to vector<16xf32>
        %mul3A_608 = arith.mulf %bitcast3A_607, %get3A_586 : vector<16xf32>
        %add3A_609 = arith.addf %scan3A_575, %mul3A_608 : vector<16xf32>
        %add3A_610 = arith.constant 1000 : i32
        %add3A_611 = arith.addi %add3A_610, %mul3A_584 : i32
        %get3A_612 = arith.index_cast %add3A_611 : i32 to index
        %get3A_613 = tpu.vector_load %arg6[%get3A_612] {strides = array<i32>} : memref<8016xf32, #tpu.memory_space<vmem>>, vector<16xf32>,
        %convert_element_type3A_614 = arith.fptosi %get3A_613 : vector<16xf32> to vector<16xi32>
        %add3A_615 = arith.addi %convert_element_type3A_614, %broadcast_in_dim3A_14 : vector<16xi32>
        tpu.vector_store_idx %arg8[%add3A_615], %broadcast_in_dim3A_3 {add = true} : memref<8192xf32, #tpu.memory_space<vmem>>[vector<16xi32>], vector<16xf32>,
        %bitcast3A_616 = vector.bitcast %get3A_613 : vector<16xf32> to vector<16xi32>
        %add3A_617 = arith.constant 32767 : i32
        %add3A_618 = vector.broadcast %add3A_617 : i32 to vector<16xi32>
        %add3A_619 = arith.addi %bitcast3A_616, %add3A_618 : vector<16xi32>
        %shift_right_logical3A_620 = arith.constant 16 : i32
        %shift_right_logical3A_621 = vector.broadcast %shift_right_logical3A_620 : i32 to vector<16xi32>
        %shift_right_logical3A_622 = arith.shrui %bitcast3A_616, %shift_right_logical3A_621 : vector<16xi32>
        %and3A_623 = arith.constant 1 : i32
        %and3A_624 = vector.broadcast %and3A_623 : i32 to vector<16xi32>
        %and3A_625 = arith.andi %shift_right_logical3A_622, %and3A_624 : vector<16xi32>
        %add3A_626 = arith.addi %add3A_619, %and3A_625 : vector<16xi32>
        %and3A_627 = arith.constant -65536 : i32
        %and3A_628 = vector.broadcast %and3A_627 : i32 to vector<16xi32>
        %and3A_629 = arith.andi %add3A_626, %and3A_628 : vector<16xi32>
        %bitcast3A_630 = vector.bitcast %and3A_629 : vector<16xi32> to vector<16xf32>
        %mul3A_631 = arith.mulf %bitcast3A_630, %get3A_586 : vector<16xf32>
        %add3A_632 = arith.addf %scan3A_576, %mul3A_631 : vector<16xf32>
        %add3A_633 = arith.constant 2000 : i32
        %add3A_634 = arith.addi %add3A_633, %mul3A_584 : i32
        %get3A_635 = arith.index_cast %add3A_634 : i32 to index
        %get3A_636 = tpu.vector_load %arg6[%get3A_635] {strides = array<i32>} : memref<8016xf32, #tpu.memory_space<vmem>>, vector<16xf32>,
        %convert_element_type3A_637 = arith.fptosi %get3A_636 : vector<16xf32> to vector<16xi32>
        %add3A_638 = arith.addi %convert_element_type3A_637, %broadcast_in_dim3A_16 : vector<16xi32>
        tpu.vector_store_idx %arg8[%add3A_638], %broadcast_in_dim3A_3 {add = true} : memref<8192xf32, #tpu.memory_space<vmem>>[vector<16xi32>], vector<16xf32>,
        %bitcast3A_639 = vector.bitcast %get3A_636 : vector<16xf32> to vector<16xi32>
        %add3A_640 = arith.constant 32767 : i32
        %add3A_641 = vector.broadcast %add3A_640 : i32 to vector<16xi32>
        %add3A_642 = arith.addi %bitcast3A_639, %add3A_641 : vector<16xi32>
        %shift_right_logical3A_643 = arith.constant 16 : i32
        %shift_right_logical3A_644 = vector.broadcast %shift_right_logical3A_643 : i32 to vector<16xi32>
        %shift_right_logical3A_645 = arith.shrui %bitcast3A_639, %shift_right_logical3A_644 : vector<16xi32>
        %and3A_646 = arith.constant 1 : i32
        %and3A_647 = vector.broadcast %and3A_646 : i32 to vector<16xi32>
        %and3A_648 = arith.andi %shift_right_logical3A_645, %and3A_647 : vector<16xi32>
        %add3A_649 = arith.addi %add3A_642, %and3A_648 : vector<16xi32>
        %and3A_650 = arith.constant -65536 : i32
        %and3A_651 = vector.broadcast %and3A_650 : i32 to vector<16xi32>
        %and3A_652 = arith.andi %add3A_649, %and3A_651 : vector<16xi32>
        %bitcast3A_653 = vector.bitcast %and3A_652 : vector<16xi32> to vector<16xf32>
        %mul3A_654 = arith.mulf %bitcast3A_653, %get3A_586 : vector<16xf32>
        %add3A_655 = arith.addf %scan3A_577, %mul3A_654 : vector<16xf32>
        %add3A_656 = arith.constant 3000 : i32
        %add3A_657 = arith.addi %add3A_656, %mul3A_584 : i32
        %get3A_658 = arith.index_cast %add3A_657 : i32 to index
        %get3A_659 = tpu.vector_load %arg6[%get3A_658] {strides = array<i32>} : memref<8016xf32, #tpu.memory_space<vmem>>, vector<16xf32>,
        %convert_element_type3A_660 = arith.fptosi %get3A_659 : vector<16xf32> to vector<16xi32>
        %add3A_661 = arith.addi %convert_element_type3A_660, %broadcast_in_dim3A_18 : vector<16xi32>
        tpu.vector_store_idx %arg8[%add3A_661], %broadcast_in_dim3A_3 {add = true} : memref<8192xf32, #tpu.memory_space<vmem>>[vector<16xi32>], vector<16xf32>,
        %bitcast3A_662 = vector.bitcast %get3A_659 : vector<16xf32> to vector<16xi32>
        %add3A_663 = arith.constant 32767 : i32
        %add3A_664 = vector.broadcast %add3A_663 : i32 to vector<16xi32>
        %add3A_665 = arith.addi %bitcast3A_662, %add3A_664 : vector<16xi32>
        %shift_right_logical3A_666 = arith.constant 16 : i32
        %shift_right_logical3A_667 = vector.broadcast %shift_right_logical3A_666 : i32 to vector<16xi32>
        %shift_right_logical3A_668 = arith.shrui %bitcast3A_662, %shift_right_logical3A_667 : vector<16xi32>
        %and3A_669 = arith.constant 1 : i32
        %and3A_670 = vector.broadcast %and3A_669 : i32 to vector<16xi32>
        %and3A_671 = arith.andi %shift_right_logical3A_668, %and3A_670 : vector<16xi32>
        %add3A_672 = arith.addi %add3A_665, %and3A_671 : vector<16xi32>
        %and3A_673 = arith.constant -65536 : i32
        %and3A_674 = vector.broadcast %and3A_673 : i32 to vector<16xi32>
        %and3A_675 = arith.andi %add3A_672, %and3A_674 : vector<16xi32>
        %bitcast3A_676 = vector.bitcast %and3A_675 : vector<16xi32> to vector<16xf32>
        %mul3A_677 = arith.mulf %bitcast3A_676, %get3A_586 : vector<16xf32>
        %add3A_678 = arith.addf %scan3A_578, %mul3A_677 : vector<16xf32>
        %add3A_679 = arith.constant 4000 : i32
        %add3A_680 = arith.addi %add3A_679, %mul3A_584 : i32
        %get3A_681 = arith.index_cast %add3A_680 : i32 to index
        %get3A_682 = tpu.vector_load %arg6[%get3A_681] {strides = array<i32>} : memref<8016xf32, #tpu.memory_space<vmem>>, vector<16xf32>,
        %convert_element_type3A_683 = arith.fptosi %get3A_682 : vector<16xf32> to vector<16xi32>
        %add3A_684 = arith.addi %convert_element_type3A_683, %broadcast_in_dim3A_20 : vector<16xi32>
        tpu.vector_store_idx %arg8[%add3A_684], %broadcast_in_dim3A_3 {add = true} : memref<8192xf32, #tpu.memory_space<vmem>>[vector<16xi32>], vector<16xf32>,
        %bitcast3A_685 = vector.bitcast %get3A_682 : vector<16xf32> to vector<16xi32>
        %add3A_686 = arith.constant 32767 : i32
        %add3A_687 = vector.broadcast %add3A_686 : i32 to vector<16xi32>
        %add3A_688 = arith.addi %bitcast3A_685, %add3A_687 : vector<16xi32>
        %shift_right_logical3A_689 = arith.constant 16 : i32
        %shift_right_logical3A_690 = vector.broadcast %shift_right_logical3A_689 : i32 to vector<16xi32>
        %shift_right_logical3A_691 = arith.shrui %bitcast3A_685, %shift_right_logical3A_690 : vector<16xi32>
        %and3A_692 = arith.constant 1 : i32
        %and3A_693 = vector.broadcast %and3A_692 : i32 to vector<16xi32>
        %and3A_694 = arith.andi %shift_right_logical3A_691, %and3A_693 : vector<16xi32>
        %add3A_695 = arith.addi %add3A_688, %and3A_694 : vector<16xi32>
        %and3A_696 = arith.constant -65536 : i32
        %and3A_697 = vector.broadcast %and3A_696 : i32 to vector<16xi32>
        %and3A_698 = arith.andi %add3A_695, %and3A_697 : vector<16xi32>
        %bitcast3A_699 = vector.bitcast %and3A_698 : vector<16xi32> to vector<16xf32>
        %mul3A_700 = arith.mulf %bitcast3A_699, %get3A_586 : vector<16xf32>
        %add3A_701 = arith.addf %scan3A_579, %mul3A_700 : vector<16xf32>
        %add3A_702 = arith.constant 5000 : i32
        %add3A_703 = arith.addi %add3A_702, %mul3A_584 : i32
        %get3A_704 = arith.index_cast %add3A_703 : i32 to index
        %get3A_705 = tpu.vector_load %arg6[%get3A_704] {strides = array<i32>} : memref<8016xf32, #tpu.memory_space<vmem>>, vector<16xf32>,
        %convert_element_type3A_706 = arith.fptosi %get3A_705 : vector<16xf32> to vector<16xi32>
        %add3A_707 = arith.addi %convert_element_type3A_706, %broadcast_in_dim3A_22 : vector<16xi32>
        tpu.vector_store_idx %arg8[%add3A_707], %broadcast_in_dim3A_3 {add = true} : memref<8192xf32, #tpu.memory_space<vmem>>[vector<16xi32>], vector<16xf32>,
        %bitcast3A_708 = vector.bitcast %get3A_705 : vector<16xf32> to vector<16xi32>
        %add3A_709 = arith.constant 32767 : i32
        %add3A_710 = vector.broadcast %add3A_709 : i32 to vector<16xi32>
        %add3A_711 = arith.addi %bitcast3A_708, %add3A_710 : vector<16xi32>
        %shift_right_logical3A_712 = arith.constant 16 : i32
        %shift_right_logical3A_713 = vector.broadcast %shift_right_logical3A_712 : i32 to vector<16xi32>
        %shift_right_logical3A_714 = arith.shrui %bitcast3A_708, %shift_right_logical3A_713 : vector<16xi32>
        %and3A_715 = arith.constant 1 : i32
        %and3A_716 = vector.broadcast %and3A_715 : i32 to vector<16xi32>
        %and3A_717 = arith.andi %shift_right_logical3A_714, %and3A_716 : vector<16xi32>
        %add3A_718 = arith.addi %add3A_711, %and3A_717 : vector<16xi32>
        %and3A_719 = arith.constant -65536 : i32
        %and3A_720 = vector.broadcast %and3A_719 : i32 to vector<16xi32>
        %and3A_721 = arith.andi %add3A_718, %and3A_720 : vector<16xi32>
        %bitcast3A_722 = vector.bitcast %and3A_721 : vector<16xi32> to vector<16xf32>
        %mul3A_723 = arith.mulf %bitcast3A_722, %get3A_586 : vector<16xf32>
        %add3A_724 = arith.addf %scan3A_580, %mul3A_723 : vector<16xf32>
        %add3A_725 = arith.constant 6000 : i32
        %add3A_726 = arith.addi %add3A_725, %mul3A_584 : i32
        %get3A_727 = arith.index_cast %add3A_726 : i32 to index
        %get3A_728 = tpu.vector_load %arg6[%get3A_727] {strides = array<i32>} : memref<8016xf32, #tpu.memory_space<vmem>>, vector<16xf32>,
        %convert_element_type3A_729 = arith.fptosi %get3A_728 : vector<16xf32> to vector<16xi32>
        %add3A_730 = arith.addi %convert_element_type3A_729, %broadcast_in_dim3A_24 : vector<16xi32>
        tpu.vector_store_idx %arg8[%add3A_730], %broadcast_in_dim3A_3 {add = true} : memref<8192xf32, #tpu.memory_space<vmem>>[vector<16xi32>], vector<16xf32>,
        %bitcast3A_731 = vector.bitcast %get3A_728 : vector<16xf32> to vector<16xi32>
        %add3A_732 = arith.constant 32767 : i32
        %add3A_733 = vector.broadcast %add3A_732 : i32 to vector<16xi32>
        %add3A_734 = arith.addi %bitcast3A_731, %add3A_733 : vector<16xi32>
        %shift_right_logical3A_735 = arith.constant 16 : i32
        %shift_right_logical3A_736 = vector.broadcast %shift_right_logical3A_735 : i32 to vector<16xi32>
        %shift_right_logical3A_737 = arith.shrui %bitcast3A_731, %shift_right_logical3A_736 : vector<16xi32>
        %and3A_738 = arith.constant 1 : i32
        %and3A_739 = vector.broadcast %and3A_738 : i32 to vector<16xi32>
        %and3A_740 = arith.andi %shift_right_logical3A_737, %and3A_739 : vector<16xi32>
        %add3A_741 = arith.addi %add3A_734, %and3A_740 : vector<16xi32>
        %and3A_742 = arith.constant -65536 : i32
        %and3A_743 = vector.broadcast %and3A_742 : i32 to vector<16xi32>
        %and3A_744 = arith.andi %add3A_741, %and3A_743 : vector<16xi32>
        %bitcast3A_745 = vector.bitcast %and3A_744 : vector<16xi32> to vector<16xf32>
        %mul3A_746 = arith.mulf %bitcast3A_745, %get3A_586 : vector<16xf32>
        %add3A_747 = arith.addf %scan3A_581, %mul3A_746 : vector<16xf32>
        %add3A_748 = arith.constant 7000 : i32
        %add3A_749 = arith.addi %add3A_748, %mul3A_584 : i32
        %get3A_750 = arith.index_cast %add3A_749 : i32 to index
        %get3A_751 = tpu.vector_load %arg6[%get3A_750] {strides = array<i32>} : memref<8016xf32, #tpu.memory_space<vmem>>, vector<16xf32>,
        %convert_element_type3A_752 = arith.fptosi %get3A_751 : vector<16xf32> to vector<16xi32>
        %add3A_753 = arith.addi %convert_element_type3A_752, %broadcast_in_dim3A_26 : vector<16xi32>
        tpu.vector_store_idx %arg8[%add3A_753], %broadcast_in_dim3A_3 {add = true} : memref<8192xf32, #tpu.memory_space<vmem>>[vector<16xi32>], vector<16xf32>,
        %bitcast3A_754 = vector.bitcast %get3A_751 : vector<16xf32> to vector<16xi32>
        %add3A_755 = arith.constant 32767 : i32
        %add3A_756 = vector.broadcast %add3A_755 : i32 to vector<16xi32>
        %add3A_757 = arith.addi %bitcast3A_754, %add3A_756 : vector<16xi32>
        %shift_right_logical3A_758 = arith.constant 16 : i32
        %shift_right_logical3A_759 = vector.broadcast %shift_right_logical3A_758 : i32 to vector<16xi32>
        %shift_right_logical3A_760 = arith.shrui %bitcast3A_754, %shift_right_logical3A_759 : vector<16xi32>
        %and3A_761 = arith.constant 1 : i32
        %and3A_762 = vector.broadcast %and3A_761 : i32 to vector<16xi32>
        %and3A_763 = arith.andi %shift_right_logical3A_760, %and3A_762 : vector<16xi32>
        %add3A_764 = arith.addi %add3A_757, %and3A_763 : vector<16xi32>
        %and3A_765 = arith.constant -65536 : i32
        %and3A_766 = vector.broadcast %and3A_765 : i32 to vector<16xi32>
        %and3A_767 = arith.andi %add3A_764, %and3A_766 : vector<16xi32>
        %bitcast3A_768 = vector.bitcast %and3A_767 : vector<16xi32> to vector<16xf32>
        %mul3A_769 = arith.mulf %bitcast3A_768, %get3A_586 : vector<16xf32>
        %add3A_770 = arith.addf %scan3A_582, %mul3A_769 : vector<16xf32>
        scf.yield %add3A_609, %add3A_632, %add3A_655, %add3A_678, %add3A_701, %add3A_724, %add3A_747, %add3A_770 : vector<16xf32>, vector<16xf32>, vector<16xf32>, vector<16xf32>, vector<16xf32>, vector<16xf32>, vector<16xf32>, vector<16xf32>
      }
      %scan3A_350 = arith.constant 62 : i32
      %get3A_351 = arith.constant 992 : index
      %get3A_352 = tpu.vector_load %arg9[%get3A_351] {strides = array<i32>} : memref<1008xf32, #tpu.memory_space<vmem>>, vector<16xf32>,
      %get3A_353 = arith.constant 992 : index
      %get3A_354 = tpu.vector_load %arg6[%get3A_353] {strides = array<i32>} : memref<8016xf32, #tpu.memory_space<vmem>>, vector<16xf32>,
      %convert_element_type3A_355 = arith.fptosi %get3A_354 : vector<16xf32> to vector<16xi32>
      %add3A_356 = arith.addi %convert_element_type3A_355, %broadcast_in_dim3A_12 : vector<16xi32>
      tpu.vector_store_idx %arg8[%add3A_356], %broadcast_in_dim3A_3 masked %lt3A_7 {add = true} : memref<8192xf32, #tpu.memory_space<vmem>>[vector<16xi32>], vector<16xf32>, vector<16xi1>
      %bitcast3A_357 = vector.bitcast %get3A_354 : vector<16xf32> to vector<16xi32>
      %add3A_358 = arith.constant 32767 : i32
      %add3A_359 = vector.broadcast %add3A_358 : i32 to vector<16xi32>
      %add3A_360 = arith.addi %bitcast3A_357, %add3A_359 : vector<16xi32>
      %shift_right_logical3A_361 = arith.constant 16 : i32
      %shift_right_logical3A_362 = vector.broadcast %shift_right_logical3A_361 : i32 to vector<16xi32>
      %shift_right_logical3A_363 = arith.shrui %bitcast3A_357, %shift_right_logical3A_362 : vector<16xi32>
      %and3A_364 = arith.constant 1 : i32
      %and3A_365 = vector.broadcast %and3A_364 : i32 to vector<16xi32>
      %and3A_366 = arith.andi %shift_right_logical3A_363, %and3A_365 : vector<16xi32>
      %add3A_367 = arith.addi %add3A_360, %and3A_366 : vector<16xi32>
      %and3A_368 = arith.constant -65536 : i32
      %and3A_369 = vector.broadcast %and3A_368 : i32 to vector<16xi32>
      %and3A_370 = arith.andi %add3A_367, %and3A_369 : vector<16xi32>
      %bitcast3A_371 = vector.bitcast %and3A_370 : vector<16xi32> to vector<16xf32>
      %mul3A_372 = arith.mulf %bitcast3A_371, %get3A_352 : vector<16xf32>
      %jit3A_373 = arith.constant 0.000000e+00 : f32
      %broadcast_in_dim3A_374 = vector.broadcast %jit3A_373 : f32 to vector<16xf32>
      %select_n3A_375 = arith.select %lt3A_7, %mul3A_372, %broadcast_in_dim3A_374 : vector<16xi1>, vector<16xf32>
      %add3A_376 = arith.addf %scan3A_349#0, %select_n3A_375 : vector<16xf32>
      %swap3A_377 = arith.constant 1008 : index
      %swap3A_378 = tpu.vector_load %arg8[%swap3A_377] {strides = array<i32>} : memref<8192xf32, #tpu.memory_space<vmem>>, vector<16xf32>,
      tpu.vector_store %arg8[%swap3A_377], %add3A_376 {strides = array<i32>} : memref<8192xf32, #tpu.memory_space<vmem>>, vector<16xf32>,
      %get3A_379 = arith.constant 1992 : index
      %get3A_380 = tpu.vector_load %arg6[%get3A_379] {strides = array<i32>} : memref<8016xf32, #tpu.memory_space<vmem>>, vector<16xf32>,
      %convert_element_type3A_381 = arith.fptosi %get3A_380 : vector<16xf32> to vector<16xi32>
      %add3A_382 = arith.addi %convert_element_type3A_381, %broadcast_in_dim3A_14 : vector<16xi32>
      tpu.vector_store_idx %arg8[%add3A_382], %broadcast_in_dim3A_3 masked %lt3A_7 {add = true} : memref<8192xf32, #tpu.memory_space<vmem>>[vector<16xi32>], vector<16xf32>, vector<16xi1>
      %bitcast3A_383 = vector.bitcast %get3A_380 : vector<16xf32> to vector<16xi32>
      %add3A_384 = arith.constant 32767 : i32
      %add3A_385 = vector.broadcast %add3A_384 : i32 to vector<16xi32>
      %add3A_386 = arith.addi %bitcast3A_383, %add3A_385 : vector<16xi32>
      %shift_right_logical3A_387 = arith.constant 16 : i32
      %shift_right_logical3A_388 = vector.broadcast %shift_right_logical3A_387 : i32 to vector<16xi32>
      %shift_right_logical3A_389 = arith.shrui %bitcast3A_383, %shift_right_logical3A_388 : vector<16xi32>
      %and3A_390 = arith.constant 1 : i32
      %and3A_391 = vector.broadcast %and3A_390 : i32 to vector<16xi32>
      %and3A_392 = arith.andi %shift_right_logical3A_389, %and3A_391 : vector<16xi32>
      %add3A_393 = arith.addi %add3A_386, %and3A_392 : vector<16xi32>
      %and3A_394 = arith.constant -65536 : i32
      %and3A_395 = vector.broadcast %and3A_394 : i32 to vector<16xi32>
      %and3A_396 = arith.andi %add3A_393, %and3A_395 : vector<16xi32>
      %bitcast3A_397 = vector.bitcast %and3A_396 : vector<16xi32> to vector<16xf32>
      %mul3A_398 = arith.mulf %bitcast3A_397, %get3A_352 : vector<16xf32>
      %jit3A_399 = arith.constant 0.000000e+00 : f32
      %broadcast_in_dim3A_400 = vector.broadcast %jit3A_399 : f32 to vector<16xf32>
      %select_n3A_401 = arith.select %lt3A_7, %mul3A_398, %broadcast_in_dim3A_400 : vector<16xi1>, vector<16xf32>
      %add3A_402 = arith.addf %scan3A_349#1, %select_n3A_401 : vector<16xf32>
      %swap3A_403 = arith.constant 2032 : index
      %swap3A_404 = tpu.vector_load %arg8[%swap3A_403] {strides = array<i32>} : memref<8192xf32, #tpu.memory_space<vmem>>, vector<16xf32>,
      tpu.vector_store %arg8[%swap3A_403], %add3A_402 {strides = array<i32>} : memref<8192xf32, #tpu.memory_space<vmem>>, vector<16xf32>,
      %get3A_405 = arith.constant 2992 : index
      %get3A_406 = tpu.vector_load %arg6[%get3A_405] {strides = array<i32>} : memref<8016xf32, #tpu.memory_space<vmem>>, vector<16xf32>,
      %convert_element_type3A_407 = arith.fptosi %get3A_406 : vector<16xf32> to vector<16xi32>
      %add3A_408 = arith.addi %convert_element_type3A_407, %broadcast_in_dim3A_16 : vector<16xi32>
      tpu.vector_store_idx %arg8[%add3A_408], %broadcast_in_dim3A_3 masked %lt3A_7 {add = true} : memref<8192xf32, #tpu.memory_space<vmem>>[vector<16xi32>], vector<16xf32>, vector<16xi1>
      %bitcast3A_409 = vector.bitcast %get3A_406 : vector<16xf32> to vector<16xi32>
      %add3A_410 = arith.constant 32767 : i32
      %add3A_411 = vector.broadcast %add3A_410 : i32 to vector<16xi32>
      %add3A_412 = arith.addi %bitcast3A_409, %add3A_411 : vector<16xi32>
      %shift_right_logical3A_413 = arith.constant 16 : i32
      %shift_right_logical3A_414 = vector.broadcast %shift_right_logical3A_413 : i32 to vector<16xi32>
      %shift_right_logical3A_415 = arith.shrui %bitcast3A_409, %shift_right_logical3A_414 : vector<16xi32>
      %and3A_416 = arith.constant 1 : i32
      %and3A_417 = vector.broadcast %and3A_416 : i32 to vector<16xi32>
      %and3A_418 = arith.andi %shift_right_logical3A_415, %and3A_417 : vector<16xi32>
      %add3A_419 = arith.addi %add3A_412, %and3A_418 : vector<16xi32>
      %and3A_420 = arith.constant -65536 : i32
      %and3A_421 = vector.broadcast %and3A_420 : i32 to vector<16xi32>
      %and3A_422 = arith.andi %add3A_419, %and3A_421 : vector<16xi32>
      %bitcast3A_423 = vector.bitcast %and3A_422 : vector<16xi32> to vector<16xf32>
      %mul3A_424 = arith.mulf %bitcast3A_423, %get3A_352 : vector<16xf32>
      %jit3A_425 = arith.constant 0.000000e+00 : f32
      %broadcast_in_dim3A_426 = vector.broadcast %jit3A_425 : f32 to vector<16xf32>
      %select_n3A_427 = arith.select %lt3A_7, %mul3A_424, %broadcast_in_dim3A_426 : vector<16xi1>, vector<16xf32>
      %add3A_428 = arith.addf %scan3A_349#2, %select_n3A_427 : vector<16xf32>
      %swap3A_429 = arith.constant 3056 : index
      %swap3A_430 = tpu.vector_load %arg8[%swap3A_429] {strides = array<i32>} : memref<8192xf32, #tpu.memory_space<vmem>>, vector<16xf32>,
      tpu.vector_store %arg8[%swap3A_429], %add3A_428 {strides = array<i32>} : memref<8192xf32, #tpu.memory_space<vmem>>, vector<16xf32>,
      %get3A_431 = arith.constant 3992 : index
      %get3A_432 = tpu.vector_load %arg6[%get3A_431] {strides = array<i32>} : memref<8016xf32, #tpu.memory_space<vmem>>, vector<16xf32>,
      %convert_element_type3A_433 = arith.fptosi %get3A_432 : vector<16xf32> to vector<16xi32>
      %add3A_434 = arith.addi %convert_element_type3A_433, %broadcast_in_dim3A_18 : vector<16xi32>
      tpu.vector_store_idx %arg8[%add3A_434], %broadcast_in_dim3A_3 masked %lt3A_7 {add = true} : memref<8192xf32, #tpu.memory_space<vmem>>[vector<16xi32>], vector<16xf32>, vector<16xi1>
      %bitcast3A_435 = vector.bitcast %get3A_432 : vector<16xf32> to vector<16xi32>
      %add3A_436 = arith.constant 32767 : i32
      %add3A_437 = vector.broadcast %add3A_436 : i32 to vector<16xi32>
      %add3A_438 = arith.addi %bitcast3A_435, %add3A_437 : vector<16xi32>
      %shift_right_logical3A_439 = arith.constant 16 : i32
      %shift_right_logical3A_440 = vector.broadcast %shift_right_logical3A_439 : i32 to vector<16xi32>
      %shift_right_logical3A_441 = arith.shrui %bitcast3A_435, %shift_right_logical3A_440 : vector<16xi32>
      %and3A_442 = arith.constant 1 : i32
      %and3A_443 = vector.broadcast %and3A_442 : i32 to vector<16xi32>
      %and3A_444 = arith.andi %shift_right_logical3A_441, %and3A_443 : vector<16xi32>
      %add3A_445 = arith.addi %add3A_438, %and3A_444 : vector<16xi32>
      %and3A_446 = arith.constant -65536 : i32
      %and3A_447 = vector.broadcast %and3A_446 : i32 to vector<16xi32>
      %and3A_448 = arith.andi %add3A_445, %and3A_447 : vector<16xi32>
      %bitcast3A_449 = vector.bitcast %and3A_448 : vector<16xi32> to vector<16xf32>
      %mul3A_450 = arith.mulf %bitcast3A_449, %get3A_352 : vector<16xf32>
      %jit3A_451 = arith.constant 0.000000e+00 : f32
      %broadcast_in_dim3A_452 = vector.broadcast %jit3A_451 : f32 to vector<16xf32>
      %select_n3A_453 = arith.select %lt3A_7, %mul3A_450, %broadcast_in_dim3A_452 : vector<16xi1>, vector<16xf32>
      %add3A_454 = arith.addf %scan3A_349#3, %select_n3A_453 : vector<16xf32>
      %swap3A_455 = arith.constant 4080 : index
      %swap3A_456 = tpu.vector_load %arg8[%swap3A_455] {strides = array<i32>} : memref<8192xf32, #tpu.memory_space<vmem>>, vector<16xf32>,
      tpu.vector_store %arg8[%swap3A_455], %add3A_454 {strides = array<i32>} : memref<8192xf32, #tpu.memory_space<vmem>>, vector<16xf32>,
      %get3A_457 = arith.constant 4992 : index
      %get3A_458 = tpu.vector_load %arg6[%get3A_457] {strides = array<i32>} : memref<8016xf32, #tpu.memory_space<vmem>>, vector<16xf32>,
      %convert_element_type3A_459 = arith.fptosi %get3A_458 : vector<16xf32> to vector<16xi32>
      %add3A_460 = arith.addi %convert_element_type3A_459, %broadcast_in_dim3A_20 : vector<16xi32>
      tpu.vector_store_idx %arg8[%add3A_460], %broadcast_in_dim3A_3 masked %lt3A_7 {add = true} : memref<8192xf32, #tpu.memory_space<vmem>>[vector<16xi32>], vector<16xf32>, vector<16xi1>
      %bitcast3A_461 = vector.bitcast %get3A_458 : vector<16xf32> to vector<16xi32>
      %add3A_462 = arith.constant 32767 : i32
      %add3A_463 = vector.broadcast %add3A_462 : i32 to vector<16xi32>
      %add3A_464 = arith.addi %bitcast3A_461, %add3A_463 : vector<16xi32>
      %shift_right_logical3A_465 = arith.constant 16 : i32
      %shift_right_logical3A_466 = vector.broadcast %shift_right_logical3A_465 : i32 to vector<16xi32>
      %shift_right_logical3A_467 = arith.shrui %bitcast3A_461, %shift_right_logical3A_466 : vector<16xi32>
      %and3A_468 = arith.constant 1 : i32
      %and3A_469 = vector.broadcast %and3A_468 : i32 to vector<16xi32>
      %and3A_470 = arith.andi %shift_right_logical3A_467, %and3A_469 : vector<16xi32>
      %add3A_471 = arith.addi %add3A_464, %and3A_470 : vector<16xi32>
      %and3A_472 = arith.constant -65536 : i32
      %and3A_473 = vector.broadcast %and3A_472 : i32 to vector<16xi32>
      %and3A_474 = arith.andi %add3A_471, %and3A_473 : vector<16xi32>
      %bitcast3A_475 = vector.bitcast %and3A_474 : vector<16xi32> to vector<16xf32>
      %mul3A_476 = arith.mulf %bitcast3A_475, %get3A_352 : vector<16xf32>
      %jit3A_477 = arith.constant 0.000000e+00 : f32
      %broadcast_in_dim3A_478 = vector.broadcast %jit3A_477 : f32 to vector<16xf32>
      %select_n3A_479 = arith.select %lt3A_7, %mul3A_476, %broadcast_in_dim3A_478 : vector<16xi1>, vector<16xf32>
      %add3A_480 = arith.addf %scan3A_349#4, %select_n3A_479 : vector<16xf32>
      %swap3A_481 = arith.constant 5104 : index
      %swap3A_482 = tpu.vector_load %arg8[%swap3A_481] {strides = array<i32>} : memref<8192xf32, #tpu.memory_space<vmem>>, vector<16xf32>,
      tpu.vector_store %arg8[%swap3A_481], %add3A_480 {strides = array<i32>} : memref<8192xf32, #tpu.memory_space<vmem>>, vector<16xf32>,
      %get3A_483 = arith.constant 5992 : index
      %get3A_484 = tpu.vector_load %arg6[%get3A_483] {strides = array<i32>} : memref<8016xf32, #tpu.memory_space<vmem>>, vector<16xf32>,
      %convert_element_type3A_485 = arith.fptosi %get3A_484 : vector<16xf32> to vector<16xi32>
      %add3A_486 = arith.addi %convert_element_type3A_485, %broadcast_in_dim3A_22 : vector<16xi32>
      tpu.vector_store_idx %arg8[%add3A_486], %broadcast_in_dim3A_3 masked %lt3A_7 {add = true} : memref<8192xf32, #tpu.memory_space<vmem>>[vector<16xi32>], vector<16xf32>, vector<16xi1>
      %bitcast3A_487 = vector.bitcast %get3A_484 : vector<16xf32> to vector<16xi32>
      %add3A_488 = arith.constant 32767 : i32
      %add3A_489 = vector.broadcast %add3A_488 : i32 to vector<16xi32>
      %add3A_490 = arith.addi %bitcast3A_487, %add3A_489 : vector<16xi32>
      %shift_right_logical3A_491 = arith.constant 16 : i32
      %shift_right_logical3A_492 = vector.broadcast %shift_right_logical3A_491 : i32 to vector<16xi32>
      %shift_right_logical3A_493 = arith.shrui %bitcast3A_487, %shift_right_logical3A_492 : vector<16xi32>
      %and3A_494 = arith.constant 1 : i32
      %and3A_495 = vector.broadcast %and3A_494 : i32 to vector<16xi32>
      %and3A_496 = arith.andi %shift_right_logical3A_493, %and3A_495 : vector<16xi32>
      %add3A_497 = arith.addi %add3A_490, %and3A_496 : vector<16xi32>
      %and3A_498 = arith.constant -65536 : i32
      %and3A_499 = vector.broadcast %and3A_498 : i32 to vector<16xi32>
      %and3A_500 = arith.andi %add3A_497, %and3A_499 : vector<16xi32>
      %bitcast3A_501 = vector.bitcast %and3A_500 : vector<16xi32> to vector<16xf32>
      %mul3A_502 = arith.mulf %bitcast3A_501, %get3A_352 : vector<16xf32>
      %jit3A_503 = arith.constant 0.000000e+00 : f32
      %broadcast_in_dim3A_504 = vector.broadcast %jit3A_503 : f32 to vector<16xf32>
      %select_n3A_505 = arith.select %lt3A_7, %mul3A_502, %broadcast_in_dim3A_504 : vector<16xi1>, vector<16xf32>
      %add3A_506 = arith.addf %scan3A_349#5, %select_n3A_505 : vector<16xf32>
      %swap3A_507 = arith.constant 6128 : index
      %swap3A_508 = tpu.vector_load %arg8[%swap3A_507] {strides = array<i32>} : memref<8192xf32, #tpu.memory_space<vmem>>, vector<16xf32>,
      tpu.vector_store %arg8[%swap3A_507], %add3A_506 {strides = array<i32>} : memref<8192xf32, #tpu.memory_space<vmem>>, vector<16xf32>,
      %get3A_509 = arith.constant 6992 : index
      %get3A_510 = tpu.vector_load %arg6[%get3A_509] {strides = array<i32>} : memref<8016xf32, #tpu.memory_space<vmem>>, vector<16xf32>,
      %convert_element_type3A_511 = arith.fptosi %get3A_510 : vector<16xf32> to vector<16xi32>
      %add3A_512 = arith.addi %convert_element_type3A_511, %broadcast_in_dim3A_24 : vector<16xi32>
      tpu.vector_store_idx %arg8[%add3A_512], %broadcast_in_dim3A_3 masked %lt3A_7 {add = true} : memref<8192xf32, #tpu.memory_space<vmem>>[vector<16xi32>], vector<16xf32>, vector<16xi1>
      %bitcast3A_513 = vector.bitcast %get3A_510 : vector<16xf32> to vector<16xi32>
      %add3A_514 = arith.constant 32767 : i32
      %add3A_515 = vector.broadcast %add3A_514 : i32 to vector<16xi32>
      %add3A_516 = arith.addi %bitcast3A_513, %add3A_515 : vector<16xi32>
      %shift_right_logical3A_517 = arith.constant 16 : i32
      %shift_right_logical3A_518 = vector.broadcast %shift_right_logical3A_517 : i32 to vector<16xi32>
      %shift_right_logical3A_519 = arith.shrui %bitcast3A_513, %shift_right_logical3A_518 : vector<16xi32>
      %and3A_520 = arith.constant 1 : i32
      %and3A_521 = vector.broadcast %and3A_520 : i32 to vector<16xi32>
      %and3A_522 = arith.andi %shift_right_logical3A_519, %and3A_521 : vector<16xi32>
      %add3A_523 = arith.addi %add3A_516, %and3A_522 : vector<16xi32>
      %and3A_524 = arith.constant -65536 : i32
      %and3A_525 = vector.broadcast %and3A_524 : i32 to vector<16xi32>
      %and3A_526 = arith.andi %add3A_523, %and3A_525 : vector<16xi32>
      %bitcast3A_527 = vector.bitcast %and3A_526 : vector<16xi32> to vector<16xf32>
      %mul3A_528 = arith.mulf %bitcast3A_527, %get3A_352 : vector<16xf32>
      %jit3A_529 = arith.constant 0.000000e+00 : f32
      %broadcast_in_dim3A_530 = vector.broadcast %jit3A_529 : f32 to vector<16xf32>
      %select_n3A_531 = arith.select %lt3A_7, %mul3A_528, %broadcast_in_dim3A_530 : vector<16xi1>, vector<16xf32>
      %add3A_532 = arith.addf %scan3A_349#6, %select_n3A_531 : vector<16xf32>
      %swap3A_533 = arith.constant 7152 : index
      %swap3A_534 = tpu.vector_load %arg8[%swap3A_533] {strides = array<i32>} : memref<8192xf32, #tpu.memory_space<vmem>>, vector<16xf32>,
      tpu.vector_store %arg8[%swap3A_533], %add3A_532 {strides = array<i32>} : memref<8192xf32, #tpu.memory_space<vmem>>, vector<16xf32>,
      %get3A_535 = arith.constant 7992 : index
      %get3A_536 = tpu.vector_load %arg6[%get3A_535] {strides = array<i32>} : memref<8016xf32, #tpu.memory_space<vmem>>, vector<16xf32>,
      %convert_element_type3A_537 = arith.fptosi %get3A_536 : vector<16xf32> to vector<16xi32>
      %add3A_538 = arith.addi %convert_element_type3A_537, %broadcast_in_dim3A_26 : vector<16xi32>
      tpu.vector_store_idx %arg8[%add3A_538], %broadcast_in_dim3A_3 masked %lt3A_7 {add = true} : memref<8192xf32, #tpu.memory_space<vmem>>[vector<16xi32>], vector<16xf32>, vector<16xi1>
      %bitcast3A_539 = vector.bitcast %get3A_536 : vector<16xf32> to vector<16xi32>
      %add3A_540 = arith.constant 32767 : i32
      %add3A_541 = vector.broadcast %add3A_540 : i32 to vector<16xi32>
      %add3A_542 = arith.addi %bitcast3A_539, %add3A_541 : vector<16xi32>
      %shift_right_logical3A_543 = arith.constant 16 : i32
      %shift_right_logical3A_544 = vector.broadcast %shift_right_logical3A_543 : i32 to vector<16xi32>
      %shift_right_logical3A_545 = arith.shrui %bitcast3A_539, %shift_right_logical3A_544 : vector<16xi32>
      %and3A_546 = arith.constant 1 : i32
      %and3A_547 = vector.broadcast %and3A_546 : i32 to vector<16xi32>
      %and3A_548 = arith.andi %shift_right_logical3A_545, %and3A_547 : vector<16xi32>
      %add3A_549 = arith.addi %add3A_542, %and3A_548 : vector<16xi32>
      %and3A_550 = arith.constant -65536 : i32
      %and3A_551 = vector.broadcast %and3A_550 : i32 to vector<16xi32>
      %and3A_552 = arith.andi %add3A_549, %and3A_551 : vector<16xi32>
      %bitcast3A_553 = vector.bitcast %and3A_552 : vector<16xi32> to vector<16xf32>
      %mul3A_554 = arith.mulf %bitcast3A_553, %get3A_352 : vector<16xf32>
      %jit3A_555 = arith.constant 0.000000e+00 : f32
      %broadcast_in_dim3A_556 = vector.broadcast %jit3A_555 : f32 to vector<16xf32>
      %select_n3A_557 = arith.select %lt3A_7, %mul3A_554, %broadcast_in_dim3A_556 : vector<16xi1>, vector<16xf32>
      %add3A_558 = arith.addf %scan3A_349#7, %select_n3A_557 : vector<16xf32>
      %swap3A_559 = arith.constant 8176 : index
      %swap3A_560 = tpu.vector_load %arg8[%swap3A_559] {strides = array<i32>} : memref<8192xf32, #tpu.memory_space<vmem>>, vector<16xf32>,
      tpu.vector_store %arg8[%swap3A_559], %add3A_558 {strides = array<i32>} : memref<8192xf32, #tpu.memory_space<vmem>>, vector<16xf32>,
      %mul3A_561 = arith.constant 8 : i32
      %mul3A_562 = arith.muli %add3A_319, %mul3A_561 : i32
      %add3A_563 = arith.addi %mul3A_2, %mul3A_562 : i32
      %mul3A_564 = arith.constant 1024 : i32
      %mul3A_565 = arith.muli %add3A_563, %mul3A_564 : i32
      %dma_start3A_566 = tpu.memref_slice %arg4[%mul3A_565] : memref<2097152xf32, #tpu.memory_space<hbm>> -> memref<8192xf32, #tpu.memory_space<hbm>>
      %dma_start3A_567 = tpu.memref_slice %arg4[%mul3A_565] : memref<2097152xf32, #tpu.memory_space<hbm>> -> memref<8192xf32, #tpu.memory_space<hbm>>
      tpu.enqueue_dma source(%arg8 : memref<8192xf32, #tpu.memory_space<vmem>>) target(%dma_start3A_567 : memref<8192xf32, #tpu.memory_space<hbm>>) target_semaphore(%arg13 : memref<!tpu.dma_semaphore, #tpu.memory_space<semaphore_mem>>)
      %le3A_568 = arith.constant 5 : i32
      %le3A_569 = arith.cmpi sle, %add3A_319, %le3A_568 : i32
      %convert_element_type3A_570 = arith.extui %le3A_569 : i1 to i32
      %cond3A_571 = arith.constant 0 : i32
      %cond3A_572 = arith.cmpi ne, %convert_element_type3A_570, %cond3A_571 : i32
      scf.if %cond3A_572 {
        %add3A_574 = arith.constant 2 : i32
        %add3A_575 = arith.addi %add3A_319, %add3A_574 : i32
        %add3A_576 = arith.constant 0 : i32
        %add3A_577 = arith.addi %add3A_576, %mul3A_2 : i32
        %mul3A_578 = arith.constant 8 : i32
        %mul3A_579 = arith.muli %add3A_575, %mul3A_578 : i32
        %add3A_580 = arith.addi %add3A_577, %mul3A_579 : i32
        %mul3A_581 = arith.constant 1000 : i32
        %mul3A_582 = arith.muli %add3A_580, %mul3A_581 : i32
        %dma_start3A_583 = arith.constant 0 : i32
        %dma_start3A_584 = tpu.memref_slice %arg6[%dma_start3A_583] : memref<8016xf32, #tpu.memory_space<vmem>> -> memref<8000xf32, #tpu.memory_space<vmem>>
        %dma_start3A_585 = tpu.memref_slice %arg2[%mul3A_582] : memref<4096000xf32, #tpu.memory_space<hbm>> -> memref<8000xf32, #tpu.memory_space<hbm>>
        %dma_start3A_586 = arith.constant 0 : i32
        %dma_start3A_587 = tpu.memref_slice %arg6[%dma_start3A_586] : memref<8016xf32, #tpu.memory_space<vmem>> -> memref<8000xf32, #tpu.memory_space<vmem>>
        %dma_start3A_588 = tpu.memref_slice %arg2[%mul3A_582] : memref<4096000xf32, #tpu.memory_space<hbm>> -> memref<8000xf32, #tpu.memory_space<hbm>>
        tpu.enqueue_dma source(%dma_start3A_588 : memref<8000xf32, #tpu.memory_space<hbm>>) target(%dma_start3A_587 : memref<8000xf32, #tpu.memory_space<vmem>>) target_semaphore(%arg11 : memref<!tpu.dma_semaphore, #tpu.memory_space<semaphore_mem>>)
      } else {
      }
      %scan3A_573 = arith.constant 0 : i32
      scf.yield %scan3A_573 : i32
    }
    %scan3A_55 = arith.constant 4 : i32
    %add3A_56 = arith.constant 48 : i32
    %add3A_57 = arith.addi %mul3A_2, %add3A_56 : i32
    %mul3A_58 = arith.constant 1024 : i32
    %mul3A_59 = arith.muli %add3A_57, %mul3A_58 : i32
    %dma_wait3A = tpu.memref_slice %arg4[%mul3A_59] : memref<2097152xf32, #tpu.memory_space<hbm>> -> memref<8192xf32, #tpu.memory_space<hbm>>
    %dma_wait3A_60 = tpu.memref_slice %arg4[%mul3A_59] : memref<2097152xf32, #tpu.memory_space<hbm>> -> memref<8192xf32, #tpu.memory_space<hbm>>
    tpu.wait_dma2 semaphore(%arg12 : memref<!tpu.dma_semaphore, #tpu.memory_space<semaphore_mem>>) src(%arg7 : memref<8192xf32, #tpu.memory_space<vmem>>) dst(%dma_wait3A_60 : memref<8192xf32, #tpu.memory_space<hbm>>)
    %add3A_61 = arith.constant 56 : i32
    %add3A_62 = arith.addi %mul3A_2, %add3A_61 : i32
    %mul3A_63 = arith.constant 1024 : i32
    %mul3A_64 = arith.muli %add3A_62, %mul3A_63 : i32
    %dma_wait3A_65 = tpu.memref_slice %arg4[%mul3A_64] : memref<2097152xf32, #tpu.memory_space<hbm>> -> memref<8192xf32, #tpu.memory_space<hbm>>
    %dma_wait3A_66 = tpu.memref_slice %arg4[%mul3A_64] : memref<2097152xf32, #tpu.memory_space<hbm>> -> memref<8192xf32, #tpu.memory_space<hbm>>
    tpu.wait_dma2 semaphore(%arg13 : memref<!tpu.dma_semaphore, #tpu.memory_space<semaphore_mem>>) src(%arg8 : memref<8192xf32, #tpu.memory_space<vmem>>) dst(%dma_wait3A_66 : memref<8192xf32, #tpu.memory_space<hbm>>)
    return
  }
}

#map = affine_map<(d0, d1) -> (0)>
module attributes {stable_mosaic.version = 14 : i64} {
  func.func @_sc_histogram(%arg0: i32, %arg1: i32, %arg2: memref<4096000xf32, #tpu.memory_space<hbm>>, %arg3: memref<1008xf32, #tpu.memory_space<hbm>>, %arg4: memref<2097152xf32, #tpu.memory_space<hbm>>, %arg5: memref<8016xf32, #tpu.memory_space<vmem>>, %arg6: memref<8016xf32, #tpu.memory_space<vmem>>, %arg7: memref<8192xf32, #tpu.memory_space<vmem>>, %arg8: memref<8192xf32, #tpu.memory_space<vmem>>, %arg9: memref<1008xf32, #tpu.memory_space<vmem>>, %arg10: memref<!tpu.dma_semaphore, #tpu.memory_space<semaphore_mem>>, %arg11: memref<!tpu.dma_semaphore, #tpu.memory_space<semaphore_mem>>, %arg12: memref<!tpu.dma_semaphore, #tpu.memory_space<semaphore_mem>>, %arg13: memref<!tpu.dma_semaphore, #tpu.memory_space<semaphore_mem>>) attributes {dimension_semantics = [#tpu.dimension_semantics<core_parallel>, #tpu.dimension_semantics<subcore_parallel>], iteration_bounds = array<i64: 2, 16>, scalar_prefetch = 0 : i64, scratch_operands = 9 : i64, tpu.core_type = #tpu.core_type<sc_vector_subcore>, window_params = [{transform_indices = #map}, {transform_indices = #map}, {transform_indices = #map}]} {
    %mul3A = arith.constant 2 : i32
    %mul3A_0 = arith.muli %arg1, %mul3A : i32
    %add3A = arith.addi %mul3A_0, %arg0 : i32
    %mul3A_1 = arith.constant 64 : i32
    %mul3A_2 = arith.muli %add3A, %mul3A_1 : i32
    "tpu.region"() ({
      %run_scoped3A = tpu.sem_alloc : memref<!tpu.dma_semaphore, #tpu.memory_space<semaphore_mem>>
      tpu.enqueue_dma source(%arg3 : memref<1008xf32, #tpu.memory_space<hbm>>) target(%arg9 : memref<1008xf32, #tpu.memory_space<vmem>>) target_semaphore(%run_scoped3A : memref<!tpu.dma_semaphore, #tpu.memory_space<semaphore_mem>>)
      tpu.wait_dma2 semaphore(%run_scoped3A : memref<!tpu.dma_semaphore, #tpu.memory_space<semaphore_mem>>) src(%arg3 : memref<1008xf32, #tpu.memory_space<hbm>>) dst(%arg9 : memref<1008xf32, #tpu.memory_space<vmem>>)
      tpu.yield
    }) : () -> ()
    %iota3A = tpu.iota {dimensions = array<i32: 0>} : vector<16xi32>
    %broadcast_in_dim3A = arith.constant 1.000000e+00 : f32
    %broadcast_in_dim3A_3 = vector.broadcast %broadcast_in_dim3A : f32 to vector<16xf32>
    %broadcast_in_dim3A_4 = arith.constant 0.000000e+00 : f32
    %broadcast_in_dim3A_5 = vector.broadcast %broadcast_in_dim3A_4 : f32 to vector<16xf32>
    %lt3A = arith.constant 8 : i32
    %lt3A_6 = vector.broadcast %lt3A : i32 to vector<16xi32>
    %lt3A_7 = arith.cmpi slt, %iota3A, %lt3A_6 : vector<16xi32>
    %swap3A = arith.constant 8000 : index
    %swap3A_8 = tpu.vector_load %arg5[%swap3A] {strides = array<i32>} : memref<8016xf32, #tpu.memory_space<vmem>>, vector<16xf32>,
    tpu.vector_store %arg5[%swap3A], %broadcast_in_dim3A_5 {strides = array<i32>} : memref<8016xf32, #tpu.memory_space<vmem>>, vector<16xf32>,
    %swap3A_9 = arith.constant 8000 : index
    %swap3A_10 = tpu.vector_load %arg6[%swap3A_9] {strides = array<i32>} : memref<8016xf32, #tpu.memory_space<vmem>>, vector<16xf32>,
    tpu.vector_store %arg6[%swap3A_9], %broadcast_in_dim3A_5 {strides = array<i32>} : memref<8016xf32, #tpu.memory_space<vmem>>, vector<16xf32>,
    %broadcast_in_dim3A_11 = arith.constant 0 : i32
    %broadcast_in_dim3A_12 = vector.broadcast %broadcast_in_dim3A_11 : i32 to vector<16xi32>
    %broadcast_in_dim3A_13 = arith.constant 1024 : i32
    %broadcast_in_dim3A_14 = vector.broadcast %broadcast_in_dim3A_13 : i32 to vector<16xi32>
    %broadcast_in_dim3A_15 = arith.constant 2048 : i32
    %broadcast_in_dim3A_16 = vector.broadcast %broadcast_in_dim3A_15 : i32 to vector<16xi32>
    %broadcast_in_dim3A_17 = arith.constant 3072 : i32
    %broadcast_in_dim3A_18 = vector.broadcast %broadcast_in_dim3A_17 : i32 to vector<16xi32>
    %broadcast_in_dim3A_19 = arith.constant 4096 : i32
    %broadcast_in_dim3A_20 = vector.broadcast %broadcast_in_dim3A_19 : i32 to vector<16xi32>
    %broadcast_in_dim3A_21 = arith.constant 5120 : i32
    %broadcast_in_dim3A_22 = vector.broadcast %broadcast_in_dim3A_21 : i32 to vector<16xi32>
    %broadcast_in_dim3A_23 = arith.constant 6144 : i32
    %broadcast_in_dim3A_24 = vector.broadcast %broadcast_in_dim3A_23 : i32 to vector<16xi32>
    %broadcast_in_dim3A_25 = arith.constant 7168 : i32
    %broadcast_in_dim3A_26 = vector.broadcast %broadcast_in_dim3A_25 : i32 to vector<16xi32>
    %add3A_27 = arith.constant 2048 : i32
    %add3A_28 = arith.addi %add3A_27, %mul3A_2 : i32
    %add3A_29 = arith.constant 0 : i32
    %add3A_30 = arith.addi %add3A_28, %add3A_29 : i32
    %mul3A_31 = arith.constant 1000 : i32
    %mul3A_32 = arith.muli %add3A_30, %mul3A_31 : i32
    %dma_start3A = arith.constant 0 : i32
    %dma_start3A_33 = tpu.memref_slice %arg5[%dma_start3A] : memref<8016xf32, #tpu.memory_space<vmem>> -> memref<8000xf32, #tpu.memory_space<vmem>>
    %dma_start3A_34 = tpu.memref_slice %arg2[%mul3A_32] : memref<4096000xf32, #tpu.memory_space<hbm>> -> memref<8000xf32, #tpu.memory_space<hbm>>
    %dma_start3A_35 = arith.constant 0 : i32
    %dma_start3A_36 = tpu.memref_slice %arg5[%dma_start3A_35] : memref<8016xf32, #tpu.memory_space<vmem>> -> memref<8000xf32, #tpu.memory_space<vmem>>
    %dma_start3A_37 = tpu.memref_slice %arg2[%mul3A_32] : memref<4096000xf32, #tpu.memory_space<hbm>> -> memref<8000xf32, #tpu.memory_space<hbm>>
    tpu.enqueue_dma source(%dma_start3A_37 : memref<8000xf32, #tpu.memory_space<hbm>>) target(%dma_start3A_36 : memref<8000xf32, #tpu.memory_space<vmem>>) target_semaphore(%arg10 : memref<!tpu.dma_semaphore, #tpu.memory_space<semaphore_mem>>)
    %add3A_38 = arith.constant 2048 : i32
    %add3A_39 = arith.addi %add3A_38, %mul3A_2 : i32
    %add3A_40 = arith.constant 8 : i32
    %add3A_41 = arith.addi %add3A_39, %add3A_40 : i32
    %mul3A_42 = arith.constant 1000 : i32
    %mul3A_43 = arith.muli %add3A_41, %mul3A_42 : i32
    %dma_start3A_44 = arith.constant 0 : i32
    %dma_start3A_45 = tpu.memref_slice %arg6[%dma_start3A_44] : memref<8016xf32, #tpu.memory_space<vmem>> -> memref<8000xf32, #tpu.memory_space<vmem>>
    %dma_start3A_46 = tpu.memref_slice %arg2[%mul3A_43] : memref<4096000xf32, #tpu.memory_space<hbm>> -> memref<8000xf32, #tpu.memory_space<hbm>>
    %dma_start3A_47 = arith.constant 0 : i32
    %dma_start3A_48 = tpu.memref_slice %arg6[%dma_start3A_47] : memref<8016xf32, #tpu.memory_space<vmem>> -> memref<8000xf32, #tpu.memory_space<vmem>>
    %dma_start3A_49 = tpu.memref_slice %arg2[%mul3A_43] : memref<4096000xf32, #tpu.memory_space<hbm>> -> memref<8000xf32, #tpu.memory_space<hbm>>
    tpu.enqueue_dma source(%dma_start3A_49 : memref<8000xf32, #tpu.memory_space<hbm>>) target(%dma_start3A_48 : memref<8000xf32, #tpu.memory_space<vmem>>) target_semaphore(%arg11 : memref<!tpu.dma_semaphore, #tpu.memory_space<semaphore_mem>>)
    %scan3A = arith.constant 0 : i32
    %scan3A_50 = arith.constant 0 : i32
    %scan3A_51 = arith.constant 4 : i32
    %scan3A_52 = arith.addi %scan3A_50, %scan3A_51 : i32
    %scan3A_53 = arith.constant 1 : i32
    %scan3A_54 = scf.for %scan3A_67 = %scan3A_50 to %scan3A_52 step %scan3A_53 iter_args(%scan3A_68 = %scan3A) -> (i32)  : i32 {
      %mul3A_69 = arith.constant 2 : i32
      %mul3A_70 = arith.muli %mul3A_69, %scan3A_67 : i32
      %add3A_71 = arith.constant 0 : i32
      %add3A_72 = arith.addi %mul3A_70, %add3A_71 : i32
      %add3A_73 = arith.constant 2048 : i32
      %add3A_74 = arith.addi %add3A_73, %mul3A_2 : i32
      %mul3A_75 = arith.constant 8 : i32
      %mul3A_76 = arith.muli %add3A_72, %mul3A_75 : i32
      %add3A_77 = arith.addi %add3A_74, %mul3A_76 : i32
      %mul3A_78 = arith.constant 1000 : i32
      %mul3A_79 = arith.muli %add3A_77, %mul3A_78 : i32
      %dma_wait3A_80 = arith.constant 0 : i32
      %dma_wait3A_81 = tpu.memref_slice %arg5[%dma_wait3A_80] : memref<8016xf32, #tpu.memory_space<vmem>> -> memref<8000xf32, #tpu.memory_space<vmem>>
      %dma_wait3A_82 = tpu.memref_slice %arg2[%mul3A_79] : memref<4096000xf32, #tpu.memory_space<hbm>> -> memref<8000xf32, #tpu.memory_space<hbm>>
      %dma_wait3A_83 = arith.constant 0 : i32
      %dma_wait3A_84 = tpu.memref_slice %arg5[%dma_wait3A_83] : memref<8016xf32, #tpu.memory_space<vmem>> -> memref<8000xf32, #tpu.memory_space<vmem>>
      %dma_wait3A_85 = tpu.memref_slice %arg2[%mul3A_79] : memref<4096000xf32, #tpu.memory_space<hbm>> -> memref<8000xf32, #tpu.memory_space<hbm>>
      tpu.wait_dma2 semaphore(%arg10 : memref<!tpu.dma_semaphore, #tpu.memory_space<semaphore_mem>>) src(%dma_wait3A_85 : memref<8000xf32, #tpu.memory_space<hbm>>) dst(%dma_wait3A_84 : memref<8000xf32, #tpu.memory_space<vmem>>)
      %ge3A = arith.constant 2 : i32
      %ge3A_86 = arith.cmpi sge, %add3A_72, %ge3A : i32
      %convert_element_type3A = arith.extui %ge3A_86 : i1 to i32
      %cond3A = arith.constant 0 : i32
      %cond3A_87 = arith.cmpi ne, %convert_element_type3A, %cond3A : i32
      scf.if %cond3A_87 {
        %mul3A_574 = arith.constant 8 : i32
        %mul3A_575 = arith.muli %add3A_72, %mul3A_574 : i32
        %add3A_576 = arith.addi %mul3A_2, %mul3A_575 : i32
        %mul3A_577 = arith.constant 1024 : i32
        %mul3A_578 = arith.muli %add3A_576, %mul3A_577 : i32
        %dma_wait3A_579 = tpu.memref_slice %arg4[%mul3A_578] : memref<2097152xf32, #tpu.memory_space<hbm>> -> memref<8192xf32, #tpu.memory_space<hbm>>
        %dma_wait3A_580 = tpu.memref_slice %arg4[%mul3A_578] : memref<2097152xf32, #tpu.memory_space<hbm>> -> memref<8192xf32, #tpu.memory_space<hbm>>
        tpu.wait_dma2 semaphore(%arg12 : memref<!tpu.dma_semaphore, #tpu.memory_space<semaphore_mem>>) src(%arg7 : memref<8192xf32, #tpu.memory_space<vmem>>) dst(%dma_wait3A_580 : memref<8192xf32, #tpu.memory_space<hbm>>)
      } else {
      }
      %scan3A_88 = arith.constant 0 : i32
      %scan3A_89 = arith.constant 0 : i32
      %scan3A_90 = arith.constant 63 : i32
      %scan3A_91 = arith.addi %scan3A_89, %scan3A_90 : i32
      %scan3A_92 = arith.constant 1 : i32
      %scan3A_93 = scf.for %scan3A_574 = %scan3A_89 to %scan3A_91 step %scan3A_92 iter_args(%scan3A_575 = %scan3A_88) -> (i32)  : i32 {
        %mul3A_576 = arith.constant 16 : i32
        %mul3A_577 = arith.muli %scan3A_574, %mul3A_576 : i32
        %add3A_578 = arith.constant 0 : i32
        %add3A_579 = arith.addi %add3A_578, %mul3A_577 : i32
        %swap3A_580 = arith.index_cast %add3A_579 : i32 to index
        %swap3A_581 = tpu.vector_load %arg7[%swap3A_580] {strides = array<i32>} : memref<8192xf32, #tpu.memory_space<vmem>>, vector<16xf32>,
        tpu.vector_store %arg7[%swap3A_580], %broadcast_in_dim3A_5 {strides = array<i32>} : memref<8192xf32, #tpu.memory_space<vmem>>, vector<16xf32>,
        %mul3A_582 = arith.constant 16 : i32
        %mul3A_583 = arith.muli %scan3A_574, %mul3A_582 : i32
        %add3A_584 = arith.constant 1024 : i32
        %add3A_585 = arith.addi %add3A_584, %mul3A_583 : i32
        %swap3A_586 = arith.index_cast %add3A_585 : i32 to index
        %swap3A_587 = tpu.vector_load %arg7[%swap3A_586] {strides = array<i32>} : memref<8192xf32, #tpu.memory_space<vmem>>, vector<16xf32>,
        tpu.vector_store %arg7[%swap3A_586], %broadcast_in_dim3A_5 {strides = array<i32>} : memref<8192xf32, #tpu.memory_space<vmem>>, vector<16xf32>,
        %mul3A_588 = arith.constant 16 : i32
        %mul3A_589 = arith.muli %scan3A_574, %mul3A_588 : i32
        %add3A_590 = arith.constant 2048 : i32
        %add3A_591 = arith.addi %add3A_590, %mul3A_589 : i32
        %swap3A_592 = arith.index_cast %add3A_591 : i32 to index
        %swap3A_593 = tpu.vector_load %arg7[%swap3A_592] {strides = array<i32>} : memref<8192xf32, #tpu.memory_space<vmem>>, vector<16xf32>,
        tpu.vector_store %arg7[%swap3A_592], %broadcast_in_dim3A_5 {strides = array<i32>} : memref<8192xf32, #tpu.memory_space<vmem>>, vector<16xf32>,
        %mul3A_594 = arith.constant 16 : i32
        %mul3A_595 = arith.muli %scan3A_574, %mul3A_594 : i32
        %add3A_596 = arith.constant 3072 : i32
        %add3A_597 = arith.addi %add3A_596, %mul3A_595 : i32
        %swap3A_598 = arith.index_cast %add3A_597 : i32 to index
        %swap3A_599 = tpu.vector_load %arg7[%swap3A_598] {strides = array<i32>} : memref<8192xf32, #tpu.memory_space<vmem>>, vector<16xf32>,
        tpu.vector_store %arg7[%swap3A_598], %broadcast_in_dim3A_5 {strides = array<i32>} : memref<8192xf32, #tpu.memory_space<vmem>>, vector<16xf32>,
        %mul3A_600 = arith.constant 16 : i32
        %mul3A_601 = arith.muli %scan3A_574, %mul3A_600 : i32
        %add3A_602 = arith.constant 4096 : i32
        %add3A_603 = arith.addi %add3A_602, %mul3A_601 : i32
        %swap3A_604 = arith.index_cast %add3A_603 : i32 to index
        %swap3A_605 = tpu.vector_load %arg7[%swap3A_604] {strides = array<i32>} : memref<8192xf32, #tpu.memory_space<vmem>>, vector<16xf32>,
        tpu.vector_store %arg7[%swap3A_604], %broadcast_in_dim3A_5 {strides = array<i32>} : memref<8192xf32, #tpu.memory_space<vmem>>, vector<16xf32>,
        %mul3A_606 = arith.constant 16 : i32
        %mul3A_607 = arith.muli %scan3A_574, %mul3A_606 : i32
        %add3A_608 = arith.constant 5120 : i32
        %add3A_609 = arith.addi %add3A_608, %mul3A_607 : i32
        %swap3A_610 = arith.index_cast %add3A_609 : i32 to index
        %swap3A_611 = tpu.vector_load %arg7[%swap3A_610] {strides = array<i32>} : memref<8192xf32, #tpu.memory_space<vmem>>, vector<16xf32>,
        tpu.vector_store %arg7[%swap3A_610], %broadcast_in_dim3A_5 {strides = array<i32>} : memref<8192xf32, #tpu.memory_space<vmem>>, vector<16xf32>,
        %mul3A_612 = arith.constant 16 : i32
        %mul3A_613 = arith.muli %scan3A_574, %mul3A_612 : i32
        %add3A_614 = arith.constant 6144 : i32
        %add3A_615 = arith.addi %add3A_614, %mul3A_613 : i32
        %swap3A_616 = arith.index_cast %add3A_615 : i32 to index
        %swap3A_617 = tpu.vector_load %arg7[%swap3A_616] {strides = array<i32>} : memref<8192xf32, #tpu.memory_space<vmem>>, vector<16xf32>,
        tpu.vector_store %arg7[%swap3A_616], %broadcast_in_dim3A_5 {strides = array<i32>} : memref<8192xf32, #tpu.memory_space<vmem>>, vector<16xf32>,
        %mul3A_618 = arith.constant 16 : i32
        %mul3A_619 = arith.muli %scan3A_574, %mul3A_618 : i32
        %add3A_620 = arith.constant 7168 : i32
        %add3A_621 = arith.addi %add3A_620, %mul3A_619 : i32
        %swap3A_622 = arith.index_cast %add3A_621 : i32 to index
        %swap3A_623 = tpu.vector_load %arg7[%swap3A_622] {strides = array<i32>} : memref<8192xf32, #tpu.memory_space<vmem>>, vector<16xf32>,
        tpu.vector_store %arg7[%swap3A_622], %broadcast_in_dim3A_5 {strides = array<i32>} : memref<8192xf32, #tpu.memory_space<vmem>>, vector<16xf32>,
        %scan3A_624 = arith.constant 0 : i32
        scf.yield %scan3A_624 : i32
      }
      %scan3A_94 = arith.constant 63 : i32
      %scan3A_95 = arith.constant 0 : i32
      %scan3A_96 = arith.constant 62 : i32
      %scan3A_97 = arith.addi %scan3A_95, %scan3A_96 : i32
      %scan3A_98 = arith.constant 1 : i32
      %scan3A_99:8 = scf.for %scan3A_574 = %scan3A_95 to %scan3A_97 step %scan3A_98 iter_args(%scan3A_575 = %broadcast_in_dim3A_5, %scan3A_576 = %broadcast_in_dim3A_5, %scan3A_577 = %broadcast_in_dim3A_5, %scan3A_578 = %broadcast_in_dim3A_5, %scan3A_579 = %broadcast_in_dim3A_5, %scan3A_580 = %broadcast_in_dim3A_5, %scan3A_581 = %broadcast_in_dim3A_5, %scan3A_582 = %broadcast_in_dim3A_5) -> (vector<16xf32>, vector<16xf32>, vector<16xf32>, vector<16xf32>, vector<16xf32>, vector<16xf32>, vector<16xf32>, vector<16xf32>)  : i32 {
        %mul3A_583 = arith.constant 16 : i32
        %mul3A_584 = arith.muli %scan3A_574, %mul3A_583 : i32
        %get3A_585 = arith.index_cast %mul3A_584 : i32 to index
        %get3A_586 = tpu.vector_load %arg9[%get3A_585] {strides = array<i32>} : memref<1008xf32, #tpu.memory_space<vmem>>, vector<16xf32>,
        %add3A_587 = arith.constant 0 : i32
        %add3A_588 = arith.addi %add3A_587, %mul3A_584 : i32
        %get3A_589 = arith.index_cast %add3A_588 : i32 to index
        %get3A_590 = tpu.vector_load %arg5[%get3A_589] {strides = array<i32>} : memref<8016xf32, #tpu.memory_space<vmem>>, vector<16xf32>,
        %convert_element_type3A_591 = arith.fptosi %get3A_590 : vector<16xf32> to vector<16xi32>
        %add3A_592 = arith.addi %convert_element_type3A_591, %broadcast_in_dim3A_12 : vector<16xi32>
        tpu.vector_store_idx %arg7[%add3A_592], %broadcast_in_dim3A_3 {add = true} : memref<8192xf32, #tpu.memory_space<vmem>>[vector<16xi32>], vector<16xf32>,
        %bitcast3A_593 = vector.bitcast %get3A_590 : vector<16xf32> to vector<16xi32>
        %add3A_594 = arith.constant 32767 : i32
        %add3A_595 = vector.broadcast %add3A_594 : i32 to vector<16xi32>
        %add3A_596 = arith.addi %bitcast3A_593, %add3A_595 : vector<16xi32>
        %shift_right_logical3A_597 = arith.constant 16 : i32
        %shift_right_logical3A_598 = vector.broadcast %shift_right_logical3A_597 : i32 to vector<16xi32>
        %shift_right_logical3A_599 = arith.shrui %bitcast3A_593, %shift_right_logical3A_598 : vector<16xi32>
        %and3A_600 = arith.constant 1 : i32
        %and3A_601 = vector.broadcast %and3A_600 : i32 to vector<16xi32>
        %and3A_602 = arith.andi %shift_right_logical3A_599, %and3A_601 : vector<16xi32>
        %add3A_603 = arith.addi %add3A_596, %and3A_602 : vector<16xi32>
        %and3A_604 = arith.constant -65536 : i32
        %and3A_605 = vector.broadcast %and3A_604 : i32 to vector<16xi32>
        %and3A_606 = arith.andi %add3A_603, %and3A_605 : vector<16xi32>
        %bitcast3A_607 = vector.bitcast %and3A_606 : vector<16xi32> to vector<16xf32>
        %mul3A_608 = arith.mulf %bitcast3A_607, %get3A_586 : vector<16xf32>
        %add3A_609 = arith.addf %scan3A_575, %mul3A_608 : vector<16xf32>
        %add3A_610 = arith.constant 1000 : i32
        %add3A_611 = arith.addi %add3A_610, %mul3A_584 : i32
        %get3A_612 = arith.index_cast %add3A_611 : i32 to index
        %get3A_613 = tpu.vector_load %arg5[%get3A_612] {strides = array<i32>} : memref<8016xf32, #tpu.memory_space<vmem>>, vector<16xf32>,
        %convert_element_type3A_614 = arith.fptosi %get3A_613 : vector<16xf32> to vector<16xi32>
        %add3A_615 = arith.addi %convert_element_type3A_614, %broadcast_in_dim3A_14 : vector<16xi32>
        tpu.vector_store_idx %arg7[%add3A_615], %broadcast_in_dim3A_3 {add = true} : memref<8192xf32, #tpu.memory_space<vmem>>[vector<16xi32>], vector<16xf32>,
        %bitcast3A_616 = vector.bitcast %get3A_613 : vector<16xf32> to vector<16xi32>
        %add3A_617 = arith.constant 32767 : i32
        %add3A_618 = vector.broadcast %add3A_617 : i32 to vector<16xi32>
        %add3A_619 = arith.addi %bitcast3A_616, %add3A_618 : vector<16xi32>
        %shift_right_logical3A_620 = arith.constant 16 : i32
        %shift_right_logical3A_621 = vector.broadcast %shift_right_logical3A_620 : i32 to vector<16xi32>
        %shift_right_logical3A_622 = arith.shrui %bitcast3A_616, %shift_right_logical3A_621 : vector<16xi32>
        %and3A_623 = arith.constant 1 : i32
        %and3A_624 = vector.broadcast %and3A_623 : i32 to vector<16xi32>
        %and3A_625 = arith.andi %shift_right_logical3A_622, %and3A_624 : vector<16xi32>
        %add3A_626 = arith.addi %add3A_619, %and3A_625 : vector<16xi32>
        %and3A_627 = arith.constant -65536 : i32
        %and3A_628 = vector.broadcast %and3A_627 : i32 to vector<16xi32>
        %and3A_629 = arith.andi %add3A_626, %and3A_628 : vector<16xi32>
        %bitcast3A_630 = vector.bitcast %and3A_629 : vector<16xi32> to vector<16xf32>
        %mul3A_631 = arith.mulf %bitcast3A_630, %get3A_586 : vector<16xf32>
        %add3A_632 = arith.addf %scan3A_576, %mul3A_631 : vector<16xf32>
        %add3A_633 = arith.constant 2000 : i32
        %add3A_634 = arith.addi %add3A_633, %mul3A_584 : i32
        %get3A_635 = arith.index_cast %add3A_634 : i32 to index
        %get3A_636 = tpu.vector_load %arg5[%get3A_635] {strides = array<i32>} : memref<8016xf32, #tpu.memory_space<vmem>>, vector<16xf32>,
        %convert_element_type3A_637 = arith.fptosi %get3A_636 : vector<16xf32> to vector<16xi32>
        %add3A_638 = arith.addi %convert_element_type3A_637, %broadcast_in_dim3A_16 : vector<16xi32>
        tpu.vector_store_idx %arg7[%add3A_638], %broadcast_in_dim3A_3 {add = true} : memref<8192xf32, #tpu.memory_space<vmem>>[vector<16xi32>], vector<16xf32>,
        %bitcast3A_639 = vector.bitcast %get3A_636 : vector<16xf32> to vector<16xi32>
        %add3A_640 = arith.constant 32767 : i32
        %add3A_641 = vector.broadcast %add3A_640 : i32 to vector<16xi32>
        %add3A_642 = arith.addi %bitcast3A_639, %add3A_641 : vector<16xi32>
        %shift_right_logical3A_643 = arith.constant 16 : i32
        %shift_right_logical3A_644 = vector.broadcast %shift_right_logical3A_643 : i32 to vector<16xi32>
        %shift_right_logical3A_645 = arith.shrui %bitcast3A_639, %shift_right_logical3A_644 : vector<16xi32>
        %and3A_646 = arith.constant 1 : i32
        %and3A_647 = vector.broadcast %and3A_646 : i32 to vector<16xi32>
        %and3A_648 = arith.andi %shift_right_logical3A_645, %and3A_647 : vector<16xi32>
        %add3A_649 = arith.addi %add3A_642, %and3A_648 : vector<16xi32>
        %and3A_650 = arith.constant -65536 : i32
        %and3A_651 = vector.broadcast %and3A_650 : i32 to vector<16xi32>
        %and3A_652 = arith.andi %add3A_649, %and3A_651 : vector<16xi32>
        %bitcast3A_653 = vector.bitcast %and3A_652 : vector<16xi32> to vector<16xf32>
        %mul3A_654 = arith.mulf %bitcast3A_653, %get3A_586 : vector<16xf32>
        %add3A_655 = arith.addf %scan3A_577, %mul3A_654 : vector<16xf32>
        %add3A_656 = arith.constant 3000 : i32
        %add3A_657 = arith.addi %add3A_656, %mul3A_584 : i32
        %get3A_658 = arith.index_cast %add3A_657 : i32 to index
        %get3A_659 = tpu.vector_load %arg5[%get3A_658] {strides = array<i32>} : memref<8016xf32, #tpu.memory_space<vmem>>, vector<16xf32>,
        %convert_element_type3A_660 = arith.fptosi %get3A_659 : vector<16xf32> to vector<16xi32>
        %add3A_661 = arith.addi %convert_element_type3A_660, %broadcast_in_dim3A_18 : vector<16xi32>
        tpu.vector_store_idx %arg7[%add3A_661], %broadcast_in_dim3A_3 {add = true} : memref<8192xf32, #tpu.memory_space<vmem>>[vector<16xi32>], vector<16xf32>,
        %bitcast3A_662 = vector.bitcast %get3A_659 : vector<16xf32> to vector<16xi32>
        %add3A_663 = arith.constant 32767 : i32
        %add3A_664 = vector.broadcast %add3A_663 : i32 to vector<16xi32>
        %add3A_665 = arith.addi %bitcast3A_662, %add3A_664 : vector<16xi32>
        %shift_right_logical3A_666 = arith.constant 16 : i32
        %shift_right_logical3A_667 = vector.broadcast %shift_right_logical3A_666 : i32 to vector<16xi32>
        %shift_right_logical3A_668 = arith.shrui %bitcast3A_662, %shift_right_logical3A_667 : vector<16xi32>
        %and3A_669 = arith.constant 1 : i32
        %and3A_670 = vector.broadcast %and3A_669 : i32 to vector<16xi32>
        %and3A_671 = arith.andi %shift_right_logical3A_668, %and3A_670 : vector<16xi32>
        %add3A_672 = arith.addi %add3A_665, %and3A_671 : vector<16xi32>
        %and3A_673 = arith.constant -65536 : i32
        %and3A_674 = vector.broadcast %and3A_673 : i32 to vector<16xi32>
        %and3A_675 = arith.andi %add3A_672, %and3A_674 : vector<16xi32>
        %bitcast3A_676 = vector.bitcast %and3A_675 : vector<16xi32> to vector<16xf32>
        %mul3A_677 = arith.mulf %bitcast3A_676, %get3A_586 : vector<16xf32>
        %add3A_678 = arith.addf %scan3A_578, %mul3A_677 : vector<16xf32>
        %add3A_679 = arith.constant 4000 : i32
        %add3A_680 = arith.addi %add3A_679, %mul3A_584 : i32
        %get3A_681 = arith.index_cast %add3A_680 : i32 to index
        %get3A_682 = tpu.vector_load %arg5[%get3A_681] {strides = array<i32>} : memref<8016xf32, #tpu.memory_space<vmem>>, vector<16xf32>,
        %convert_element_type3A_683 = arith.fptosi %get3A_682 : vector<16xf32> to vector<16xi32>
        %add3A_684 = arith.addi %convert_element_type3A_683, %broadcast_in_dim3A_20 : vector<16xi32>
        tpu.vector_store_idx %arg7[%add3A_684], %broadcast_in_dim3A_3 {add = true} : memref<8192xf32, #tpu.memory_space<vmem>>[vector<16xi32>], vector<16xf32>,
        %bitcast3A_685 = vector.bitcast %get3A_682 : vector<16xf32> to vector<16xi32>
        %add3A_686 = arith.constant 32767 : i32
        %add3A_687 = vector.broadcast %add3A_686 : i32 to vector<16xi32>
        %add3A_688 = arith.addi %bitcast3A_685, %add3A_687 : vector<16xi32>
        %shift_right_logical3A_689 = arith.constant 16 : i32
        %shift_right_logical3A_690 = vector.broadcast %shift_right_logical3A_689 : i32 to vector<16xi32>
        %shift_right_logical3A_691 = arith.shrui %bitcast3A_685, %shift_right_logical3A_690 : vector<16xi32>
        %and3A_692 = arith.constant 1 : i32
        %and3A_693 = vector.broadcast %and3A_692 : i32 to vector<16xi32>
        %and3A_694 = arith.andi %shift_right_logical3A_691, %and3A_693 : vector<16xi32>
        %add3A_695 = arith.addi %add3A_688, %and3A_694 : vector<16xi32>
        %and3A_696 = arith.constant -65536 : i32
        %and3A_697 = vector.broadcast %and3A_696 : i32 to vector<16xi32>
        %and3A_698 = arith.andi %add3A_695, %and3A_697 : vector<16xi32>
        %bitcast3A_699 = vector.bitcast %and3A_698 : vector<16xi32> to vector<16xf32>
        %mul3A_700 = arith.mulf %bitcast3A_699, %get3A_586 : vector<16xf32>
        %add3A_701 = arith.addf %scan3A_579, %mul3A_700 : vector<16xf32>
        %add3A_702 = arith.constant 5000 : i32
        %add3A_703 = arith.addi %add3A_702, %mul3A_584 : i32
        %get3A_704 = arith.index_cast %add3A_703 : i32 to index
        %get3A_705 = tpu.vector_load %arg5[%get3A_704] {strides = array<i32>} : memref<8016xf32, #tpu.memory_space<vmem>>, vector<16xf32>,
        %convert_element_type3A_706 = arith.fptosi %get3A_705 : vector<16xf32> to vector<16xi32>
        %add3A_707 = arith.addi %convert_element_type3A_706, %broadcast_in_dim3A_22 : vector<16xi32>
        tpu.vector_store_idx %arg7[%add3A_707], %broadcast_in_dim3A_3 {add = true} : memref<8192xf32, #tpu.memory_space<vmem>>[vector<16xi32>], vector<16xf32>,
        %bitcast3A_708 = vector.bitcast %get3A_705 : vector<16xf32> to vector<16xi32>
        %add3A_709 = arith.constant 32767 : i32
        %add3A_710 = vector.broadcast %add3A_709 : i32 to vector<16xi32>
        %add3A_711 = arith.addi %bitcast3A_708, %add3A_710 : vector<16xi32>
        %shift_right_logical3A_712 = arith.constant 16 : i32
        %shift_right_logical3A_713 = vector.broadcast %shift_right_logical3A_712 : i32 to vector<16xi32>
        %shift_right_logical3A_714 = arith.shrui %bitcast3A_708, %shift_right_logical3A_713 : vector<16xi32>
        %and3A_715 = arith.constant 1 : i32
        %and3A_716 = vector.broadcast %and3A_715 : i32 to vector<16xi32>
        %and3A_717 = arith.andi %shift_right_logical3A_714, %and3A_716 : vector<16xi32>
        %add3A_718 = arith.addi %add3A_711, %and3A_717 : vector<16xi32>
        %and3A_719 = arith.constant -65536 : i32
        %and3A_720 = vector.broadcast %and3A_719 : i32 to vector<16xi32>
        %and3A_721 = arith.andi %add3A_718, %and3A_720 : vector<16xi32>
        %bitcast3A_722 = vector.bitcast %and3A_721 : vector<16xi32> to vector<16xf32>
        %mul3A_723 = arith.mulf %bitcast3A_722, %get3A_586 : vector<16xf32>
        %add3A_724 = arith.addf %scan3A_580, %mul3A_723 : vector<16xf32>
        %add3A_725 = arith.constant 6000 : i32
        %add3A_726 = arith.addi %add3A_725, %mul3A_584 : i32
        %get3A_727 = arith.index_cast %add3A_726 : i32 to index
        %get3A_728 = tpu.vector_load %arg5[%get3A_727] {strides = array<i32>} : memref<8016xf32, #tpu.memory_space<vmem>>, vector<16xf32>,
        %convert_element_type3A_729 = arith.fptosi %get3A_728 : vector<16xf32> to vector<16xi32>
        %add3A_730 = arith.addi %convert_element_type3A_729, %broadcast_in_dim3A_24 : vector<16xi32>
        tpu.vector_store_idx %arg7[%add3A_730], %broadcast_in_dim3A_3 {add = true} : memref<8192xf32, #tpu.memory_space<vmem>>[vector<16xi32>], vector<16xf32>,
        %bitcast3A_731 = vector.bitcast %get3A_728 : vector<16xf32> to vector<16xi32>
        %add3A_732 = arith.constant 32767 : i32
        %add3A_733 = vector.broadcast %add3A_732 : i32 to vector<16xi32>
        %add3A_734 = arith.addi %bitcast3A_731, %add3A_733 : vector<16xi32>
        %shift_right_logical3A_735 = arith.constant 16 : i32
        %shift_right_logical3A_736 = vector.broadcast %shift_right_logical3A_735 : i32 to vector<16xi32>
        %shift_right_logical3A_737 = arith.shrui %bitcast3A_731, %shift_right_logical3A_736 : vector<16xi32>
        %and3A_738 = arith.constant 1 : i32
        %and3A_739 = vector.broadcast %and3A_738 : i32 to vector<16xi32>
        %and3A_740 = arith.andi %shift_right_logical3A_737, %and3A_739 : vector<16xi32>
        %add3A_741 = arith.addi %add3A_734, %and3A_740 : vector<16xi32>
        %and3A_742 = arith.constant -65536 : i32
        %and3A_743 = vector.broadcast %and3A_742 : i32 to vector<16xi32>
        %and3A_744 = arith.andi %add3A_741, %and3A_743 : vector<16xi32>
        %bitcast3A_745 = vector.bitcast %and3A_744 : vector<16xi32> to vector<16xf32>
        %mul3A_746 = arith.mulf %bitcast3A_745, %get3A_586 : vector<16xf32>
        %add3A_747 = arith.addf %scan3A_581, %mul3A_746 : vector<16xf32>
        %add3A_748 = arith.constant 7000 : i32
        %add3A_749 = arith.addi %add3A_748, %mul3A_584 : i32
        %get3A_750 = arith.index_cast %add3A_749 : i32 to index
        %get3A_751 = tpu.vector_load %arg5[%get3A_750] {strides = array<i32>} : memref<8016xf32, #tpu.memory_space<vmem>>, vector<16xf32>,
        %convert_element_type3A_752 = arith.fptosi %get3A_751 : vector<16xf32> to vector<16xi32>
        %add3A_753 = arith.addi %convert_element_type3A_752, %broadcast_in_dim3A_26 : vector<16xi32>
        tpu.vector_store_idx %arg7[%add3A_753], %broadcast_in_dim3A_3 {add = true} : memref<8192xf32, #tpu.memory_space<vmem>>[vector<16xi32>], vector<16xf32>,
        %bitcast3A_754 = vector.bitcast %get3A_751 : vector<16xf32> to vector<16xi32>
        %add3A_755 = arith.constant 32767 : i32
        %add3A_756 = vector.broadcast %add3A_755 : i32 to vector<16xi32>
        %add3A_757 = arith.addi %bitcast3A_754, %add3A_756 : vector<16xi32>
        %shift_right_logical3A_758 = arith.constant 16 : i32
        %shift_right_logical3A_759 = vector.broadcast %shift_right_logical3A_758 : i32 to vector<16xi32>
        %shift_right_logical3A_760 = arith.shrui %bitcast3A_754, %shift_right_logical3A_759 : vector<16xi32>
        %and3A_761 = arith.constant 1 : i32
        %and3A_762 = vector.broadcast %and3A_761 : i32 to vector<16xi32>
        %and3A_763 = arith.andi %shift_right_logical3A_760, %and3A_762 : vector<16xi32>
        %add3A_764 = arith.addi %add3A_757, %and3A_763 : vector<16xi32>
        %and3A_765 = arith.constant -65536 : i32
        %and3A_766 = vector.broadcast %and3A_765 : i32 to vector<16xi32>
        %and3A_767 = arith.andi %add3A_764, %and3A_766 : vector<16xi32>
        %bitcast3A_768 = vector.bitcast %and3A_767 : vector<16xi32> to vector<16xf32>
        %mul3A_769 = arith.mulf %bitcast3A_768, %get3A_586 : vector<16xf32>
        %add3A_770 = arith.addf %scan3A_582, %mul3A_769 : vector<16xf32>
        scf.yield %add3A_609, %add3A_632, %add3A_655, %add3A_678, %add3A_701, %add3A_724, %add3A_747, %add3A_770 : vector<16xf32>, vector<16xf32>, vector<16xf32>, vector<16xf32>, vector<16xf32>, vector<16xf32>, vector<16xf32>, vector<16xf32>
      }
      %scan3A_100 = arith.constant 62 : i32
      %get3A = arith.constant 992 : index
      %get3A_101 = tpu.vector_load %arg9[%get3A] {strides = array<i32>} : memref<1008xf32, #tpu.memory_space<vmem>>, vector<16xf32>,
      %get3A_102 = arith.constant 992 : index
      %get3A_103 = tpu.vector_load %arg5[%get3A_102] {strides = array<i32>} : memref<8016xf32, #tpu.memory_space<vmem>>, vector<16xf32>,
      %convert_element_type3A_104 = arith.fptosi %get3A_103 : vector<16xf32> to vector<16xi32>
      %add3A_105 = arith.addi %convert_element_type3A_104, %broadcast_in_dim3A_12 : vector<16xi32>
      tpu.vector_store_idx %arg7[%add3A_105], %broadcast_in_dim3A_3 masked %lt3A_7 {add = true} : memref<8192xf32, #tpu.memory_space<vmem>>[vector<16xi32>], vector<16xf32>, vector<16xi1>
      %bitcast3A = vector.bitcast %get3A_103 : vector<16xf32> to vector<16xi32>
      %add3A_106 = arith.constant 32767 : i32
      %add3A_107 = vector.broadcast %add3A_106 : i32 to vector<16xi32>
      %add3A_108 = arith.addi %bitcast3A, %add3A_107 : vector<16xi32>
      %shift_right_logical3A = arith.constant 16 : i32
      %shift_right_logical3A_109 = vector.broadcast %shift_right_logical3A : i32 to vector<16xi32>
      %shift_right_logical3A_110 = arith.shrui %bitcast3A, %shift_right_logical3A_109 : vector<16xi32>
      %and3A = arith.constant 1 : i32
      %and3A_111 = vector.broadcast %and3A : i32 to vector<16xi32>
      %and3A_112 = arith.andi %shift_right_logical3A_110, %and3A_111 : vector<16xi32>
      %add3A_113 = arith.addi %add3A_108, %and3A_112 : vector<16xi32>
      %and3A_114 = arith.constant -65536 : i32
      %and3A_115 = vector.broadcast %and3A_114 : i32 to vector<16xi32>
      %and3A_116 = arith.andi %add3A_113, %and3A_115 : vector<16xi32>
      %bitcast3A_117 = vector.bitcast %and3A_116 : vector<16xi32> to vector<16xf32>
      %mul3A_118 = arith.mulf %bitcast3A_117, %get3A_101 : vector<16xf32>
      %jit3A = arith.constant 0.000000e+00 : f32
      %broadcast_in_dim3A_119 = vector.broadcast %jit3A : f32 to vector<16xf32>
      %select_n3A = arith.select %lt3A_7, %mul3A_118, %broadcast_in_dim3A_119 : vector<16xi1>, vector<16xf32>
      %add3A_120 = arith.addf %scan3A_99#0, %select_n3A : vector<16xf32>
      %swap3A_121 = arith.constant 1008 : index
      %swap3A_122 = tpu.vector_load %arg7[%swap3A_121] {strides = array<i32>} : memref<8192xf32, #tpu.memory_space<vmem>>, vector<16xf32>,
      tpu.vector_store %arg7[%swap3A_121], %add3A_120 {strides = array<i32>} : memref<8192xf32, #tpu.memory_space<vmem>>, vector<16xf32>,
      %get3A_123 = arith.constant 1992 : index
      %get3A_124 = tpu.vector_load %arg5[%get3A_123] {strides = array<i32>} : memref<8016xf32, #tpu.memory_space<vmem>>, vector<16xf32>,
      %convert_element_type3A_125 = arith.fptosi %get3A_124 : vector<16xf32> to vector<16xi32>
      %add3A_126 = arith.addi %convert_element_type3A_125, %broadcast_in_dim3A_14 : vector<16xi32>
      tpu.vector_store_idx %arg7[%add3A_126], %broadcast_in_dim3A_3 masked %lt3A_7 {add = true} : memref<8192xf32, #tpu.memory_space<vmem>>[vector<16xi32>], vector<16xf32>, vector<16xi1>
      %bitcast3A_127 = vector.bitcast %get3A_124 : vector<16xf32> to vector<16xi32>
      %add3A_128 = arith.constant 32767 : i32
      %add3A_129 = vector.broadcast %add3A_128 : i32 to vector<16xi32>
      %add3A_130 = arith.addi %bitcast3A_127, %add3A_129 : vector<16xi32>
      %shift_right_logical3A_131 = arith.constant 16 : i32
      %shift_right_logical3A_132 = vector.broadcast %shift_right_logical3A_131 : i32 to vector<16xi32>
      %shift_right_logical3A_133 = arith.shrui %bitcast3A_127, %shift_right_logical3A_132 : vector<16xi32>
      %and3A_134 = arith.constant 1 : i32
      %and3A_135 = vector.broadcast %and3A_134 : i32 to vector<16xi32>
      %and3A_136 = arith.andi %shift_right_logical3A_133, %and3A_135 : vector<16xi32>
      %add3A_137 = arith.addi %add3A_130, %and3A_136 : vector<16xi32>
      %and3A_138 = arith.constant -65536 : i32
      %and3A_139 = vector.broadcast %and3A_138 : i32 to vector<16xi32>
      %and3A_140 = arith.andi %add3A_137, %and3A_139 : vector<16xi32>
      %bitcast3A_141 = vector.bitcast %and3A_140 : vector<16xi32> to vector<16xf32>
      %mul3A_142 = arith.mulf %bitcast3A_141, %get3A_101 : vector<16xf32>
      %jit3A_143 = arith.constant 0.000000e+00 : f32
      %broadcast_in_dim3A_144 = vector.broadcast %jit3A_143 : f32 to vector<16xf32>
      %select_n3A_145 = arith.select %lt3A_7, %mul3A_142, %broadcast_in_dim3A_144 : vector<16xi1>, vector<16xf32>
      %add3A_146 = arith.addf %scan3A_99#1, %select_n3A_145 : vector<16xf32>
      %swap3A_147 = arith.constant 2032 : index
      %swap3A_148 = tpu.vector_load %arg7[%swap3A_147] {strides = array<i32>} : memref<8192xf32, #tpu.memory_space<vmem>>, vector<16xf32>,
      tpu.vector_store %arg7[%swap3A_147], %add3A_146 {strides = array<i32>} : memref<8192xf32, #tpu.memory_space<vmem>>, vector<16xf32>,
      %get3A_149 = arith.constant 2992 : index
      %get3A_150 = tpu.vector_load %arg5[%get3A_149] {strides = array<i32>} : memref<8016xf32, #tpu.memory_space<vmem>>, vector<16xf32>,
      %convert_element_type3A_151 = arith.fptosi %get3A_150 : vector<16xf32> to vector<16xi32>
      %add3A_152 = arith.addi %convert_element_type3A_151, %broadcast_in_dim3A_16 : vector<16xi32>
      tpu.vector_store_idx %arg7[%add3A_152], %broadcast_in_dim3A_3 masked %lt3A_7 {add = true} : memref<8192xf32, #tpu.memory_space<vmem>>[vector<16xi32>], vector<16xf32>, vector<16xi1>
      %bitcast3A_153 = vector.bitcast %get3A_150 : vector<16xf32> to vector<16xi32>
      %add3A_154 = arith.constant 32767 : i32
      %add3A_155 = vector.broadcast %add3A_154 : i32 to vector<16xi32>
      %add3A_156 = arith.addi %bitcast3A_153, %add3A_155 : vector<16xi32>
      %shift_right_logical3A_157 = arith.constant 16 : i32
      %shift_right_logical3A_158 = vector.broadcast %shift_right_logical3A_157 : i32 to vector<16xi32>
      %shift_right_logical3A_159 = arith.shrui %bitcast3A_153, %shift_right_logical3A_158 : vector<16xi32>
      %and3A_160 = arith.constant 1 : i32
      %and3A_161 = vector.broadcast %and3A_160 : i32 to vector<16xi32>
      %and3A_162 = arith.andi %shift_right_logical3A_159, %and3A_161 : vector<16xi32>
      %add3A_163 = arith.addi %add3A_156, %and3A_162 : vector<16xi32>
      %and3A_164 = arith.constant -65536 : i32
      %and3A_165 = vector.broadcast %and3A_164 : i32 to vector<16xi32>
      %and3A_166 = arith.andi %add3A_163, %and3A_165 : vector<16xi32>
      %bitcast3A_167 = vector.bitcast %and3A_166 : vector<16xi32> to vector<16xf32>
      %mul3A_168 = arith.mulf %bitcast3A_167, %get3A_101 : vector<16xf32>
      %jit3A_169 = arith.constant 0.000000e+00 : f32
      %broadcast_in_dim3A_170 = vector.broadcast %jit3A_169 : f32 to vector<16xf32>
      %select_n3A_171 = arith.select %lt3A_7, %mul3A_168, %broadcast_in_dim3A_170 : vector<16xi1>, vector<16xf32>
      %add3A_172 = arith.addf %scan3A_99#2, %select_n3A_171 : vector<16xf32>
      %swap3A_173 = arith.constant 3056 : index
      %swap3A_174 = tpu.vector_load %arg7[%swap3A_173] {strides = array<i32>} : memref<8192xf32, #tpu.memory_space<vmem>>, vector<16xf32>,
      tpu.vector_store %arg7[%swap3A_173], %add3A_172 {strides = array<i32>} : memref<8192xf32, #tpu.memory_space<vmem>>, vector<16xf32>,
      %get3A_175 = arith.constant 3992 : index
      %get3A_176 = tpu.vector_load %arg5[%get3A_175] {strides = array<i32>} : memref<8016xf32, #tpu.memory_space<vmem>>, vector<16xf32>,
      %convert_element_type3A_177 = arith.fptosi %get3A_176 : vector<16xf32> to vector<16xi32>
      %add3A_178 = arith.addi %convert_element_type3A_177, %broadcast_in_dim3A_18 : vector<16xi32>
      tpu.vector_store_idx %arg7[%add3A_178], %broadcast_in_dim3A_3 masked %lt3A_7 {add = true} : memref<8192xf32, #tpu.memory_space<vmem>>[vector<16xi32>], vector<16xf32>, vector<16xi1>
      %bitcast3A_179 = vector.bitcast %get3A_176 : vector<16xf32> to vector<16xi32>
      %add3A_180 = arith.constant 32767 : i32
      %add3A_181 = vector.broadcast %add3A_180 : i32 to vector<16xi32>
      %add3A_182 = arith.addi %bitcast3A_179, %add3A_181 : vector<16xi32>
      %shift_right_logical3A_183 = arith.constant 16 : i32
      %shift_right_logical3A_184 = vector.broadcast %shift_right_logical3A_183 : i32 to vector<16xi32>
      %shift_right_logical3A_185 = arith.shrui %bitcast3A_179, %shift_right_logical3A_184 : vector<16xi32>
      %and3A_186 = arith.constant 1 : i32
      %and3A_187 = vector.broadcast %and3A_186 : i32 to vector<16xi32>
      %and3A_188 = arith.andi %shift_right_logical3A_185, %and3A_187 : vector<16xi32>
      %add3A_189 = arith.addi %add3A_182, %and3A_188 : vector<16xi32>
      %and3A_190 = arith.constant -65536 : i32
      %and3A_191 = vector.broadcast %and3A_190 : i32 to vector<16xi32>
      %and3A_192 = arith.andi %add3A_189, %and3A_191 : vector<16xi32>
      %bitcast3A_193 = vector.bitcast %and3A_192 : vector<16xi32> to vector<16xf32>
      %mul3A_194 = arith.mulf %bitcast3A_193, %get3A_101 : vector<16xf32>
      %jit3A_195 = arith.constant 0.000000e+00 : f32
      %broadcast_in_dim3A_196 = vector.broadcast %jit3A_195 : f32 to vector<16xf32>
      %select_n3A_197 = arith.select %lt3A_7, %mul3A_194, %broadcast_in_dim3A_196 : vector<16xi1>, vector<16xf32>
      %add3A_198 = arith.addf %scan3A_99#3, %select_n3A_197 : vector<16xf32>
      %swap3A_199 = arith.constant 4080 : index
      %swap3A_200 = tpu.vector_load %arg7[%swap3A_199] {strides = array<i32>} : memref<8192xf32, #tpu.memory_space<vmem>>, vector<16xf32>,
      tpu.vector_store %arg7[%swap3A_199], %add3A_198 {strides = array<i32>} : memref<8192xf32, #tpu.memory_space<vmem>>, vector<16xf32>,
      %get3A_201 = arith.constant 4992 : index
      %get3A_202 = tpu.vector_load %arg5[%get3A_201] {strides = array<i32>} : memref<8016xf32, #tpu.memory_space<vmem>>, vector<16xf32>,
      %convert_element_type3A_203 = arith.fptosi %get3A_202 : vector<16xf32> to vector<16xi32>
      %add3A_204 = arith.addi %convert_element_type3A_203, %broadcast_in_dim3A_20 : vector<16xi32>
      tpu.vector_store_idx %arg7[%add3A_204], %broadcast_in_dim3A_3 masked %lt3A_7 {add = true} : memref<8192xf32, #tpu.memory_space<vmem>>[vector<16xi32>], vector<16xf32>, vector<16xi1>
      %bitcast3A_205 = vector.bitcast %get3A_202 : vector<16xf32> to vector<16xi32>
      %add3A_206 = arith.constant 32767 : i32
      %add3A_207 = vector.broadcast %add3A_206 : i32 to vector<16xi32>
      %add3A_208 = arith.addi %bitcast3A_205, %add3A_207 : vector<16xi32>
      %shift_right_logical3A_209 = arith.constant 16 : i32
      %shift_right_logical3A_210 = vector.broadcast %shift_right_logical3A_209 : i32 to vector<16xi32>
      %shift_right_logical3A_211 = arith.shrui %bitcast3A_205, %shift_right_logical3A_210 : vector<16xi32>
      %and3A_212 = arith.constant 1 : i32
      %and3A_213 = vector.broadcast %and3A_212 : i32 to vector<16xi32>
      %and3A_214 = arith.andi %shift_right_logical3A_211, %and3A_213 : vector<16xi32>
      %add3A_215 = arith.addi %add3A_208, %and3A_214 : vector<16xi32>
      %and3A_216 = arith.constant -65536 : i32
      %and3A_217 = vector.broadcast %and3A_216 : i32 to vector<16xi32>
      %and3A_218 = arith.andi %add3A_215, %and3A_217 : vector<16xi32>
      %bitcast3A_219 = vector.bitcast %and3A_218 : vector<16xi32> to vector<16xf32>
      %mul3A_220 = arith.mulf %bitcast3A_219, %get3A_101 : vector<16xf32>
      %jit3A_221 = arith.constant 0.000000e+00 : f32
      %broadcast_in_dim3A_222 = vector.broadcast %jit3A_221 : f32 to vector<16xf32>
      %select_n3A_223 = arith.select %lt3A_7, %mul3A_220, %broadcast_in_dim3A_222 : vector<16xi1>, vector<16xf32>
      %add3A_224 = arith.addf %scan3A_99#4, %select_n3A_223 : vector<16xf32>
      %swap3A_225 = arith.constant 5104 : index
      %swap3A_226 = tpu.vector_load %arg7[%swap3A_225] {strides = array<i32>} : memref<8192xf32, #tpu.memory_space<vmem>>, vector<16xf32>,
      tpu.vector_store %arg7[%swap3A_225], %add3A_224 {strides = array<i32>} : memref<8192xf32, #tpu.memory_space<vmem>>, vector<16xf32>,
      %get3A_227 = arith.constant 5992 : index
      %get3A_228 = tpu.vector_load %arg5[%get3A_227] {strides = array<i32>} : memref<8016xf32, #tpu.memory_space<vmem>>, vector<16xf32>,
      %convert_element_type3A_229 = arith.fptosi %get3A_228 : vector<16xf32> to vector<16xi32>
      %add3A_230 = arith.addi %convert_element_type3A_229, %broadcast_in_dim3A_22 : vector<16xi32>
      tpu.vector_store_idx %arg7[%add3A_230], %broadcast_in_dim3A_3 masked %lt3A_7 {add = true} : memref<8192xf32, #tpu.memory_space<vmem>>[vector<16xi32>], vector<16xf32>, vector<16xi1>
      %bitcast3A_231 = vector.bitcast %get3A_228 : vector<16xf32> to vector<16xi32>
      %add3A_232 = arith.constant 32767 : i32
      %add3A_233 = vector.broadcast %add3A_232 : i32 to vector<16xi32>
      %add3A_234 = arith.addi %bitcast3A_231, %add3A_233 : vector<16xi32>
      %shift_right_logical3A_235 = arith.constant 16 : i32
      %shift_right_logical3A_236 = vector.broadcast %shift_right_logical3A_235 : i32 to vector<16xi32>
      %shift_right_logical3A_237 = arith.shrui %bitcast3A_231, %shift_right_logical3A_236 : vector<16xi32>
      %and3A_238 = arith.constant 1 : i32
      %and3A_239 = vector.broadcast %and3A_238 : i32 to vector<16xi32>
      %and3A_240 = arith.andi %shift_right_logical3A_237, %and3A_239 : vector<16xi32>
      %add3A_241 = arith.addi %add3A_234, %and3A_240 : vector<16xi32>
      %and3A_242 = arith.constant -65536 : i32
      %and3A_243 = vector.broadcast %and3A_242 : i32 to vector<16xi32>
      %and3A_244 = arith.andi %add3A_241, %and3A_243 : vector<16xi32>
      %bitcast3A_245 = vector.bitcast %and3A_244 : vector<16xi32> to vector<16xf32>
      %mul3A_246 = arith.mulf %bitcast3A_245, %get3A_101 : vector<16xf32>
      %jit3A_247 = arith.constant 0.000000e+00 : f32
      %broadcast_in_dim3A_248 = vector.broadcast %jit3A_247 : f32 to vector<16xf32>
      %select_n3A_249 = arith.select %lt3A_7, %mul3A_246, %broadcast_in_dim3A_248 : vector<16xi1>, vector<16xf32>
      %add3A_250 = arith.addf %scan3A_99#5, %select_n3A_249 : vector<16xf32>
      %swap3A_251 = arith.constant 6128 : index
      %swap3A_252 = tpu.vector_load %arg7[%swap3A_251] {strides = array<i32>} : memref<8192xf32, #tpu.memory_space<vmem>>, vector<16xf32>,
      tpu.vector_store %arg7[%swap3A_251], %add3A_250 {strides = array<i32>} : memref<8192xf32, #tpu.memory_space<vmem>>, vector<16xf32>,
      %get3A_253 = arith.constant 6992 : index
      %get3A_254 = tpu.vector_load %arg5[%get3A_253] {strides = array<i32>} : memref<8016xf32, #tpu.memory_space<vmem>>, vector<16xf32>,
      %convert_element_type3A_255 = arith.fptosi %get3A_254 : vector<16xf32> to vector<16xi32>
      %add3A_256 = arith.addi %convert_element_type3A_255, %broadcast_in_dim3A_24 : vector<16xi32>
      tpu.vector_store_idx %arg7[%add3A_256], %broadcast_in_dim3A_3 masked %lt3A_7 {add = true} : memref<8192xf32, #tpu.memory_space<vmem>>[vector<16xi32>], vector<16xf32>, vector<16xi1>
      %bitcast3A_257 = vector.bitcast %get3A_254 : vector<16xf32> to vector<16xi32>
      %add3A_258 = arith.constant 32767 : i32
      %add3A_259 = vector.broadcast %add3A_258 : i32 to vector<16xi32>
      %add3A_260 = arith.addi %bitcast3A_257, %add3A_259 : vector<16xi32>
      %shift_right_logical3A_261 = arith.constant 16 : i32
      %shift_right_logical3A_262 = vector.broadcast %shift_right_logical3A_261 : i32 to vector<16xi32>
      %shift_right_logical3A_263 = arith.shrui %bitcast3A_257, %shift_right_logical3A_262 : vector<16xi32>
      %and3A_264 = arith.constant 1 : i32
      %and3A_265 = vector.broadcast %and3A_264 : i32 to vector<16xi32>
      %and3A_266 = arith.andi %shift_right_logical3A_263, %and3A_265 : vector<16xi32>
      %add3A_267 = arith.addi %add3A_260, %and3A_266 : vector<16xi32>
      %and3A_268 = arith.constant -65536 : i32
      %and3A_269 = vector.broadcast %and3A_268 : i32 to vector<16xi32>
      %and3A_270 = arith.andi %add3A_267, %and3A_269 : vector<16xi32>
      %bitcast3A_271 = vector.bitcast %and3A_270 : vector<16xi32> to vector<16xf32>
      %mul3A_272 = arith.mulf %bitcast3A_271, %get3A_101 : vector<16xf32>
      %jit3A_273 = arith.constant 0.000000e+00 : f32
      %broadcast_in_dim3A_274 = vector.broadcast %jit3A_273 : f32 to vector<16xf32>
      %select_n3A_275 = arith.select %lt3A_7, %mul3A_272, %broadcast_in_dim3A_274 : vector<16xi1>, vector<16xf32>
      %add3A_276 = arith.addf %scan3A_99#6, %select_n3A_275 : vector<16xf32>
      %swap3A_277 = arith.constant 7152 : index
      %swap3A_278 = tpu.vector_load %arg7[%swap3A_277] {strides = array<i32>} : memref<8192xf32, #tpu.memory_space<vmem>>, vector<16xf32>,
      tpu.vector_store %arg7[%swap3A_277], %add3A_276 {strides = array<i32>} : memref<8192xf32, #tpu.memory_space<vmem>>, vector<16xf32>,
      %get3A_279 = arith.constant 7992 : index
      %get3A_280 = tpu.vector_load %arg5[%get3A_279] {strides = array<i32>} : memref<8016xf32, #tpu.memory_space<vmem>>, vector<16xf32>,
      %convert_element_type3A_281 = arith.fptosi %get3A_280 : vector<16xf32> to vector<16xi32>
      %add3A_282 = arith.addi %convert_element_type3A_281, %broadcast_in_dim3A_26 : vector<16xi32>
      tpu.vector_store_idx %arg7[%add3A_282], %broadcast_in_dim3A_3 masked %lt3A_7 {add = true} : memref<8192xf32, #tpu.memory_space<vmem>>[vector<16xi32>], vector<16xf32>, vector<16xi1>
      %bitcast3A_283 = vector.bitcast %get3A_280 : vector<16xf32> to vector<16xi32>
      %add3A_284 = arith.constant 32767 : i32
      %add3A_285 = vector.broadcast %add3A_284 : i32 to vector<16xi32>
      %add3A_286 = arith.addi %bitcast3A_283, %add3A_285 : vector<16xi32>
      %shift_right_logical3A_287 = arith.constant 16 : i32
      %shift_right_logical3A_288 = vector.broadcast %shift_right_logical3A_287 : i32 to vector<16xi32>
      %shift_right_logical3A_289 = arith.shrui %bitcast3A_283, %shift_right_logical3A_288 : vector<16xi32>
      %and3A_290 = arith.constant 1 : i32
      %and3A_291 = vector.broadcast %and3A_290 : i32 to vector<16xi32>
      %and3A_292 = arith.andi %shift_right_logical3A_289, %and3A_291 : vector<16xi32>
      %add3A_293 = arith.addi %add3A_286, %and3A_292 : vector<16xi32>
      %and3A_294 = arith.constant -65536 : i32
      %and3A_295 = vector.broadcast %and3A_294 : i32 to vector<16xi32>
      %and3A_296 = arith.andi %add3A_293, %and3A_295 : vector<16xi32>
      %bitcast3A_297 = vector.bitcast %and3A_296 : vector<16xi32> to vector<16xf32>
      %mul3A_298 = arith.mulf %bitcast3A_297, %get3A_101 : vector<16xf32>
      %jit3A_299 = arith.constant 0.000000e+00 : f32
      %broadcast_in_dim3A_300 = vector.broadcast %jit3A_299 : f32 to vector<16xf32>
      %select_n3A_301 = arith.select %lt3A_7, %mul3A_298, %broadcast_in_dim3A_300 : vector<16xi1>, vector<16xf32>
      %add3A_302 = arith.addf %scan3A_99#7, %select_n3A_301 : vector<16xf32>
      %swap3A_303 = arith.constant 8176 : index
      %swap3A_304 = tpu.vector_load %arg7[%swap3A_303] {strides = array<i32>} : memref<8192xf32, #tpu.memory_space<vmem>>, vector<16xf32>,
      tpu.vector_store %arg7[%swap3A_303], %add3A_302 {strides = array<i32>} : memref<8192xf32, #tpu.memory_space<vmem>>, vector<16xf32>,
      %mul3A_305 = arith.constant 8 : i32
      %mul3A_306 = arith.muli %add3A_72, %mul3A_305 : i32
      %add3A_307 = arith.addi %mul3A_2, %mul3A_306 : i32
      %mul3A_308 = arith.constant 1024 : i32
      %mul3A_309 = arith.muli %add3A_307, %mul3A_308 : i32
      %dma_start3A_310 = tpu.memref_slice %arg4[%mul3A_309] : memref<2097152xf32, #tpu.memory_space<hbm>> -> memref<8192xf32, #tpu.memory_space<hbm>>
      %dma_start3A_311 = tpu.memref_slice %arg4[%mul3A_309] : memref<2097152xf32, #tpu.memory_space<hbm>> -> memref<8192xf32, #tpu.memory_space<hbm>>
      tpu.enqueue_dma source(%arg7 : memref<8192xf32, #tpu.memory_space<vmem>>) target(%dma_start3A_311 : memref<8192xf32, #tpu.memory_space<hbm>>) target_semaphore(%arg12 : memref<!tpu.dma_semaphore, #tpu.memory_space<semaphore_mem>>)
      %le3A = arith.constant 5 : i32
      %le3A_312 = arith.cmpi sle, %add3A_72, %le3A : i32
      %convert_element_type3A_313 = arith.extui %le3A_312 : i1 to i32
      %cond3A_314 = arith.constant 0 : i32
      %cond3A_315 = arith.cmpi ne, %convert_element_type3A_313, %cond3A_314 : i32
      scf.if %cond3A_315 {
        %add3A_574 = arith.constant 2 : i32
        %add3A_575 = arith.addi %add3A_72, %add3A_574 : i32
        %add3A_576 = arith.constant 2048 : i32
        %add3A_577 = arith.addi %add3A_576, %mul3A_2 : i32
        %mul3A_578 = arith.constant 8 : i32
        %mul3A_579 = arith.muli %add3A_575, %mul3A_578 : i32
        %add3A_580 = arith.addi %add3A_577, %mul3A_579 : i32
        %mul3A_581 = arith.constant 1000 : i32
        %mul3A_582 = arith.muli %add3A_580, %mul3A_581 : i32
        %dma_start3A_583 = arith.constant 0 : i32
        %dma_start3A_584 = tpu.memref_slice %arg5[%dma_start3A_583] : memref<8016xf32, #tpu.memory_space<vmem>> -> memref<8000xf32, #tpu.memory_space<vmem>>
        %dma_start3A_585 = tpu.memref_slice %arg2[%mul3A_582] : memref<4096000xf32, #tpu.memory_space<hbm>> -> memref<8000xf32, #tpu.memory_space<hbm>>
        %dma_start3A_586 = arith.constant 0 : i32
        %dma_start3A_587 = tpu.memref_slice %arg5[%dma_start3A_586] : memref<8016xf32, #tpu.memory_space<vmem>> -> memref<8000xf32, #tpu.memory_space<vmem>>
        %dma_start3A_588 = tpu.memref_slice %arg2[%mul3A_582] : memref<4096000xf32, #tpu.memory_space<hbm>> -> memref<8000xf32, #tpu.memory_space<hbm>>
        tpu.enqueue_dma source(%dma_start3A_588 : memref<8000xf32, #tpu.memory_space<hbm>>) target(%dma_start3A_587 : memref<8000xf32, #tpu.memory_space<vmem>>) target_semaphore(%arg10 : memref<!tpu.dma_semaphore, #tpu.memory_space<semaphore_mem>>)
      } else {
      }
      %mul3A_316 = arith.constant 2 : i32
      %mul3A_317 = arith.muli %mul3A_316, %scan3A_67 : i32
      %add3A_318 = arith.constant 1 : i32
      %add3A_319 = arith.addi %mul3A_317, %add3A_318 : i32
      %add3A_320 = arith.constant 2048 : i32
      %add3A_321 = arith.addi %add3A_320, %mul3A_2 : i32
      %mul3A_322 = arith.constant 8 : i32
      %mul3A_323 = arith.muli %add3A_319, %mul3A_322 : i32
      %add3A_324 = arith.addi %add3A_321, %mul3A_323 : i32
      %mul3A_325 = arith.constant 1000 : i32
      %mul3A_326 = arith.muli %add3A_324, %mul3A_325 : i32
      %dma_wait3A_327 = arith.constant 0 : i32
      %dma_wait3A_328 = tpu.memref_slice %arg6[%dma_wait3A_327] : memref<8016xf32, #tpu.memory_space<vmem>> -> memref<8000xf32, #tpu.memory_space<vmem>>
      %dma_wait3A_329 = tpu.memref_slice %arg2[%mul3A_326] : memref<4096000xf32, #tpu.memory_space<hbm>> -> memref<8000xf32, #tpu.memory_space<hbm>>
      %dma_wait3A_330 = arith.constant 0 : i32
      %dma_wait3A_331 = tpu.memref_slice %arg6[%dma_wait3A_330] : memref<8016xf32, #tpu.memory_space<vmem>> -> memref<8000xf32, #tpu.memory_space<vmem>>
      %dma_wait3A_332 = tpu.memref_slice %arg2[%mul3A_326] : memref<4096000xf32, #tpu.memory_space<hbm>> -> memref<8000xf32, #tpu.memory_space<hbm>>
      tpu.wait_dma2 semaphore(%arg11 : memref<!tpu.dma_semaphore, #tpu.memory_space<semaphore_mem>>) src(%dma_wait3A_332 : memref<8000xf32, #tpu.memory_space<hbm>>) dst(%dma_wait3A_331 : memref<8000xf32, #tpu.memory_space<vmem>>)
      %ge3A_333 = arith.constant 2 : i32
      %ge3A_334 = arith.cmpi sge, %add3A_319, %ge3A_333 : i32
      %convert_element_type3A_335 = arith.extui %ge3A_334 : i1 to i32
      %cond3A_336 = arith.constant 0 : i32
      %cond3A_337 = arith.cmpi ne, %convert_element_type3A_335, %cond3A_336 : i32
      scf.if %cond3A_337 {
        %mul3A_574 = arith.constant 8 : i32
        %mul3A_575 = arith.muli %add3A_319, %mul3A_574 : i32
        %add3A_576 = arith.addi %mul3A_2, %mul3A_575 : i32
        %mul3A_577 = arith.constant 1024 : i32
        %mul3A_578 = arith.muli %add3A_576, %mul3A_577 : i32
        %dma_wait3A_579 = tpu.memref_slice %arg4[%mul3A_578] : memref<2097152xf32, #tpu.memory_space<hbm>> -> memref<8192xf32, #tpu.memory_space<hbm>>
        %dma_wait3A_580 = tpu.memref_slice %arg4[%mul3A_578] : memref<2097152xf32, #tpu.memory_space<hbm>> -> memref<8192xf32, #tpu.memory_space<hbm>>
        tpu.wait_dma2 semaphore(%arg13 : memref<!tpu.dma_semaphore, #tpu.memory_space<semaphore_mem>>) src(%arg8 : memref<8192xf32, #tpu.memory_space<vmem>>) dst(%dma_wait3A_580 : memref<8192xf32, #tpu.memory_space<hbm>>)
      } else {
      }
      %scan3A_338 = arith.constant 0 : i32
      %scan3A_339 = arith.constant 0 : i32
      %scan3A_340 = arith.constant 63 : i32
      %scan3A_341 = arith.addi %scan3A_339, %scan3A_340 : i32
      %scan3A_342 = arith.constant 1 : i32
      %scan3A_343 = scf.for %scan3A_574 = %scan3A_339 to %scan3A_341 step %scan3A_342 iter_args(%scan3A_575 = %scan3A_338) -> (i32)  : i32 {
        %mul3A_576 = arith.constant 16 : i32
        %mul3A_577 = arith.muli %scan3A_574, %mul3A_576 : i32
        %add3A_578 = arith.constant 0 : i32
        %add3A_579 = arith.addi %add3A_578, %mul3A_577 : i32
        %swap3A_580 = arith.index_cast %add3A_579 : i32 to index
        %swap3A_581 = tpu.vector_load %arg8[%swap3A_580] {strides = array<i32>} : memref<8192xf32, #tpu.memory_space<vmem>>, vector<16xf32>,
        tpu.vector_store %arg8[%swap3A_580], %broadcast_in_dim3A_5 {strides = array<i32>} : memref<8192xf32, #tpu.memory_space<vmem>>, vector<16xf32>,
        %mul3A_582 = arith.constant 16 : i32
        %mul3A_583 = arith.muli %scan3A_574, %mul3A_582 : i32
        %add3A_584 = arith.constant 1024 : i32
        %add3A_585 = arith.addi %add3A_584, %mul3A_583 : i32
        %swap3A_586 = arith.index_cast %add3A_585 : i32 to index
        %swap3A_587 = tpu.vector_load %arg8[%swap3A_586] {strides = array<i32>} : memref<8192xf32, #tpu.memory_space<vmem>>, vector<16xf32>,
        tpu.vector_store %arg8[%swap3A_586], %broadcast_in_dim3A_5 {strides = array<i32>} : memref<8192xf32, #tpu.memory_space<vmem>>, vector<16xf32>,
        %mul3A_588 = arith.constant 16 : i32
        %mul3A_589 = arith.muli %scan3A_574, %mul3A_588 : i32
        %add3A_590 = arith.constant 2048 : i32
        %add3A_591 = arith.addi %add3A_590, %mul3A_589 : i32
        %swap3A_592 = arith.index_cast %add3A_591 : i32 to index
        %swap3A_593 = tpu.vector_load %arg8[%swap3A_592] {strides = array<i32>} : memref<8192xf32, #tpu.memory_space<vmem>>, vector<16xf32>,
        tpu.vector_store %arg8[%swap3A_592], %broadcast_in_dim3A_5 {strides = array<i32>} : memref<8192xf32, #tpu.memory_space<vmem>>, vector<16xf32>,
        %mul3A_594 = arith.constant 16 : i32
        %mul3A_595 = arith.muli %scan3A_574, %mul3A_594 : i32
        %add3A_596 = arith.constant 3072 : i32
        %add3A_597 = arith.addi %add3A_596, %mul3A_595 : i32
        %swap3A_598 = arith.index_cast %add3A_597 : i32 to index
        %swap3A_599 = tpu.vector_load %arg8[%swap3A_598] {strides = array<i32>} : memref<8192xf32, #tpu.memory_space<vmem>>, vector<16xf32>,
        tpu.vector_store %arg8[%swap3A_598], %broadcast_in_dim3A_5 {strides = array<i32>} : memref<8192xf32, #tpu.memory_space<vmem>>, vector<16xf32>,
        %mul3A_600 = arith.constant 16 : i32
        %mul3A_601 = arith.muli %scan3A_574, %mul3A_600 : i32
        %add3A_602 = arith.constant 4096 : i32
        %add3A_603 = arith.addi %add3A_602, %mul3A_601 : i32
        %swap3A_604 = arith.index_cast %add3A_603 : i32 to index
        %swap3A_605 = tpu.vector_load %arg8[%swap3A_604] {strides = array<i32>} : memref<8192xf32, #tpu.memory_space<vmem>>, vector<16xf32>,
        tpu.vector_store %arg8[%swap3A_604], %broadcast_in_dim3A_5 {strides = array<i32>} : memref<8192xf32, #tpu.memory_space<vmem>>, vector<16xf32>,
        %mul3A_606 = arith.constant 16 : i32
        %mul3A_607 = arith.muli %scan3A_574, %mul3A_606 : i32
        %add3A_608 = arith.constant 5120 : i32
        %add3A_609 = arith.addi %add3A_608, %mul3A_607 : i32
        %swap3A_610 = arith.index_cast %add3A_609 : i32 to index
        %swap3A_611 = tpu.vector_load %arg8[%swap3A_610] {strides = array<i32>} : memref<8192xf32, #tpu.memory_space<vmem>>, vector<16xf32>,
        tpu.vector_store %arg8[%swap3A_610], %broadcast_in_dim3A_5 {strides = array<i32>} : memref<8192xf32, #tpu.memory_space<vmem>>, vector<16xf32>,
        %mul3A_612 = arith.constant 16 : i32
        %mul3A_613 = arith.muli %scan3A_574, %mul3A_612 : i32
        %add3A_614 = arith.constant 6144 : i32
        %add3A_615 = arith.addi %add3A_614, %mul3A_613 : i32
        %swap3A_616 = arith.index_cast %add3A_615 : i32 to index
        %swap3A_617 = tpu.vector_load %arg8[%swap3A_616] {strides = array<i32>} : memref<8192xf32, #tpu.memory_space<vmem>>, vector<16xf32>,
        tpu.vector_store %arg8[%swap3A_616], %broadcast_in_dim3A_5 {strides = array<i32>} : memref<8192xf32, #tpu.memory_space<vmem>>, vector<16xf32>,
        %mul3A_618 = arith.constant 16 : i32
        %mul3A_619 = arith.muli %scan3A_574, %mul3A_618 : i32
        %add3A_620 = arith.constant 7168 : i32
        %add3A_621 = arith.addi %add3A_620, %mul3A_619 : i32
        %swap3A_622 = arith.index_cast %add3A_621 : i32 to index
        %swap3A_623 = tpu.vector_load %arg8[%swap3A_622] {strides = array<i32>} : memref<8192xf32, #tpu.memory_space<vmem>>, vector<16xf32>,
        tpu.vector_store %arg8[%swap3A_622], %broadcast_in_dim3A_5 {strides = array<i32>} : memref<8192xf32, #tpu.memory_space<vmem>>, vector<16xf32>,
        %scan3A_624 = arith.constant 0 : i32
        scf.yield %scan3A_624 : i32
      }
      %scan3A_344 = arith.constant 63 : i32
      %scan3A_345 = arith.constant 0 : i32
      %scan3A_346 = arith.constant 62 : i32
      %scan3A_347 = arith.addi %scan3A_345, %scan3A_346 : i32
      %scan3A_348 = arith.constant 1 : i32
      %scan3A_349:8 = scf.for %scan3A_574 = %scan3A_345 to %scan3A_347 step %scan3A_348 iter_args(%scan3A_575 = %broadcast_in_dim3A_5, %scan3A_576 = %broadcast_in_dim3A_5, %scan3A_577 = %broadcast_in_dim3A_5, %scan3A_578 = %broadcast_in_dim3A_5, %scan3A_579 = %broadcast_in_dim3A_5, %scan3A_580 = %broadcast_in_dim3A_5, %scan3A_581 = %broadcast_in_dim3A_5, %scan3A_582 = %broadcast_in_dim3A_5) -> (vector<16xf32>, vector<16xf32>, vector<16xf32>, vector<16xf32>, vector<16xf32>, vector<16xf32>, vector<16xf32>, vector<16xf32>)  : i32 {
        %mul3A_583 = arith.constant 16 : i32
        %mul3A_584 = arith.muli %scan3A_574, %mul3A_583 : i32
        %get3A_585 = arith.index_cast %mul3A_584 : i32 to index
        %get3A_586 = tpu.vector_load %arg9[%get3A_585] {strides = array<i32>} : memref<1008xf32, #tpu.memory_space<vmem>>, vector<16xf32>,
        %add3A_587 = arith.constant 0 : i32
        %add3A_588 = arith.addi %add3A_587, %mul3A_584 : i32
        %get3A_589 = arith.index_cast %add3A_588 : i32 to index
        %get3A_590 = tpu.vector_load %arg6[%get3A_589] {strides = array<i32>} : memref<8016xf32, #tpu.memory_space<vmem>>, vector<16xf32>,
        %convert_element_type3A_591 = arith.fptosi %get3A_590 : vector<16xf32> to vector<16xi32>
        %add3A_592 = arith.addi %convert_element_type3A_591, %broadcast_in_dim3A_12 : vector<16xi32>
        tpu.vector_store_idx %arg8[%add3A_592], %broadcast_in_dim3A_3 {add = true} : memref<8192xf32, #tpu.memory_space<vmem>>[vector<16xi32>], vector<16xf32>,
        %bitcast3A_593 = vector.bitcast %get3A_590 : vector<16xf32> to vector<16xi32>
        %add3A_594 = arith.constant 32767 : i32
        %add3A_595 = vector.broadcast %add3A_594 : i32 to vector<16xi32>
        %add3A_596 = arith.addi %bitcast3A_593, %add3A_595 : vector<16xi32>
        %shift_right_logical3A_597 = arith.constant 16 : i32
        %shift_right_logical3A_598 = vector.broadcast %shift_right_logical3A_597 : i32 to vector<16xi32>
        %shift_right_logical3A_599 = arith.shrui %bitcast3A_593, %shift_right_logical3A_598 : vector<16xi32>
        %and3A_600 = arith.constant 1 : i32
        %and3A_601 = vector.broadcast %and3A_600 : i32 to vector<16xi32>
        %and3A_602 = arith.andi %shift_right_logical3A_599, %and3A_601 : vector<16xi32>
        %add3A_603 = arith.addi %add3A_596, %and3A_602 : vector<16xi32>
        %and3A_604 = arith.constant -65536 : i32
        %and3A_605 = vector.broadcast %and3A_604 : i32 to vector<16xi32>
        %and3A_606 = arith.andi %add3A_603, %and3A_605 : vector<16xi32>
        %bitcast3A_607 = vector.bitcast %and3A_606 : vector<16xi32> to vector<16xf32>
        %mul3A_608 = arith.mulf %bitcast3A_607, %get3A_586 : vector<16xf32>
        %add3A_609 = arith.addf %scan3A_575, %mul3A_608 : vector<16xf32>
        %add3A_610 = arith.constant 1000 : i32
        %add3A_611 = arith.addi %add3A_610, %mul3A_584 : i32
        %get3A_612 = arith.index_cast %add3A_611 : i32 to index
        %get3A_613 = tpu.vector_load %arg6[%get3A_612] {strides = array<i32>} : memref<8016xf32, #tpu.memory_space<vmem>>, vector<16xf32>,
        %convert_element_type3A_614 = arith.fptosi %get3A_613 : vector<16xf32> to vector<16xi32>
        %add3A_615 = arith.addi %convert_element_type3A_614, %broadcast_in_dim3A_14 : vector<16xi32>
        tpu.vector_store_idx %arg8[%add3A_615], %broadcast_in_dim3A_3 {add = true} : memref<8192xf32, #tpu.memory_space<vmem>>[vector<16xi32>], vector<16xf32>,
        %bitcast3A_616 = vector.bitcast %get3A_613 : vector<16xf32> to vector<16xi32>
        %add3A_617 = arith.constant 32767 : i32
        %add3A_618 = vector.broadcast %add3A_617 : i32 to vector<16xi32>
        %add3A_619 = arith.addi %bitcast3A_616, %add3A_618 : vector<16xi32>
        %shift_right_logical3A_620 = arith.constant 16 : i32
        %shift_right_logical3A_621 = vector.broadcast %shift_right_logical3A_620 : i32 to vector<16xi32>
        %shift_right_logical3A_622 = arith.shrui %bitcast3A_616, %shift_right_logical3A_621 : vector<16xi32>
        %and3A_623 = arith.constant 1 : i32
        %and3A_624 = vector.broadcast %and3A_623 : i32 to vector<16xi32>
        %and3A_625 = arith.andi %shift_right_logical3A_622, %and3A_624 : vector<16xi32>
        %add3A_626 = arith.addi %add3A_619, %and3A_625 : vector<16xi32>
        %and3A_627 = arith.constant -65536 : i32
        %and3A_628 = vector.broadcast %and3A_627 : i32 to vector<16xi32>
        %and3A_629 = arith.andi %add3A_626, %and3A_628 : vector<16xi32>
        %bitcast3A_630 = vector.bitcast %and3A_629 : vector<16xi32> to vector<16xf32>
        %mul3A_631 = arith.mulf %bitcast3A_630, %get3A_586 : vector<16xf32>
        %add3A_632 = arith.addf %scan3A_576, %mul3A_631 : vector<16xf32>
        %add3A_633 = arith.constant 2000 : i32
        %add3A_634 = arith.addi %add3A_633, %mul3A_584 : i32
        %get3A_635 = arith.index_cast %add3A_634 : i32 to index
        %get3A_636 = tpu.vector_load %arg6[%get3A_635] {strides = array<i32>} : memref<8016xf32, #tpu.memory_space<vmem>>, vector<16xf32>,
        %convert_element_type3A_637 = arith.fptosi %get3A_636 : vector<16xf32> to vector<16xi32>
        %add3A_638 = arith.addi %convert_element_type3A_637, %broadcast_in_dim3A_16 : vector<16xi32>
        tpu.vector_store_idx %arg8[%add3A_638], %broadcast_in_dim3A_3 {add = true} : memref<8192xf32, #tpu.memory_space<vmem>>[vector<16xi32>], vector<16xf32>,
        %bitcast3A_639 = vector.bitcast %get3A_636 : vector<16xf32> to vector<16xi32>
        %add3A_640 = arith.constant 32767 : i32
        %add3A_641 = vector.broadcast %add3A_640 : i32 to vector<16xi32>
        %add3A_642 = arith.addi %bitcast3A_639, %add3A_641 : vector<16xi32>
        %shift_right_logical3A_643 = arith.constant 16 : i32
        %shift_right_logical3A_644 = vector.broadcast %shift_right_logical3A_643 : i32 to vector<16xi32>
        %shift_right_logical3A_645 = arith.shrui %bitcast3A_639, %shift_right_logical3A_644 : vector<16xi32>
        %and3A_646 = arith.constant 1 : i32
        %and3A_647 = vector.broadcast %and3A_646 : i32 to vector<16xi32>
        %and3A_648 = arith.andi %shift_right_logical3A_645, %and3A_647 : vector<16xi32>
        %add3A_649 = arith.addi %add3A_642, %and3A_648 : vector<16xi32>
        %and3A_650 = arith.constant -65536 : i32
        %and3A_651 = vector.broadcast %and3A_650 : i32 to vector<16xi32>
        %and3A_652 = arith.andi %add3A_649, %and3A_651 : vector<16xi32>
        %bitcast3A_653 = vector.bitcast %and3A_652 : vector<16xi32> to vector<16xf32>
        %mul3A_654 = arith.mulf %bitcast3A_653, %get3A_586 : vector<16xf32>
        %add3A_655 = arith.addf %scan3A_577, %mul3A_654 : vector<16xf32>
        %add3A_656 = arith.constant 3000 : i32
        %add3A_657 = arith.addi %add3A_656, %mul3A_584 : i32
        %get3A_658 = arith.index_cast %add3A_657 : i32 to index
        %get3A_659 = tpu.vector_load %arg6[%get3A_658] {strides = array<i32>} : memref<8016xf32, #tpu.memory_space<vmem>>, vector<16xf32>,
        %convert_element_type3A_660 = arith.fptosi %get3A_659 : vector<16xf32> to vector<16xi32>
        %add3A_661 = arith.addi %convert_element_type3A_660, %broadcast_in_dim3A_18 : vector<16xi32>
        tpu.vector_store_idx %arg8[%add3A_661], %broadcast_in_dim3A_3 {add = true} : memref<8192xf32, #tpu.memory_space<vmem>>[vector<16xi32>], vector<16xf32>,
        %bitcast3A_662 = vector.bitcast %get3A_659 : vector<16xf32> to vector<16xi32>
        %add3A_663 = arith.constant 32767 : i32
        %add3A_664 = vector.broadcast %add3A_663 : i32 to vector<16xi32>
        %add3A_665 = arith.addi %bitcast3A_662, %add3A_664 : vector<16xi32>
        %shift_right_logical3A_666 = arith.constant 16 : i32
        %shift_right_logical3A_667 = vector.broadcast %shift_right_logical3A_666 : i32 to vector<16xi32>
        %shift_right_logical3A_668 = arith.shrui %bitcast3A_662, %shift_right_logical3A_667 : vector<16xi32>
        %and3A_669 = arith.constant 1 : i32
        %and3A_670 = vector.broadcast %and3A_669 : i32 to vector<16xi32>
        %and3A_671 = arith.andi %shift_right_logical3A_668, %and3A_670 : vector<16xi32>
        %add3A_672 = arith.addi %add3A_665, %and3A_671 : vector<16xi32>
        %and3A_673 = arith.constant -65536 : i32
        %and3A_674 = vector.broadcast %and3A_673 : i32 to vector<16xi32>
        %and3A_675 = arith.andi %add3A_672, %and3A_674 : vector<16xi32>
        %bitcast3A_676 = vector.bitcast %and3A_675 : vector<16xi32> to vector<16xf32>
        %mul3A_677 = arith.mulf %bitcast3A_676, %get3A_586 : vector<16xf32>
        %add3A_678 = arith.addf %scan3A_578, %mul3A_677 : vector<16xf32>
        %add3A_679 = arith.constant 4000 : i32
        %add3A_680 = arith.addi %add3A_679, %mul3A_584 : i32
        %get3A_681 = arith.index_cast %add3A_680 : i32 to index
        %get3A_682 = tpu.vector_load %arg6[%get3A_681] {strides = array<i32>} : memref<8016xf32, #tpu.memory_space<vmem>>, vector<16xf32>,
        %convert_element_type3A_683 = arith.fptosi %get3A_682 : vector<16xf32> to vector<16xi32>
        %add3A_684 = arith.addi %convert_element_type3A_683, %broadcast_in_dim3A_20 : vector<16xi32>
        tpu.vector_store_idx %arg8[%add3A_684], %broadcast_in_dim3A_3 {add = true} : memref<8192xf32, #tpu.memory_space<vmem>>[vector<16xi32>], vector<16xf32>,
        %bitcast3A_685 = vector.bitcast %get3A_682 : vector<16xf32> to vector<16xi32>
        %add3A_686 = arith.constant 32767 : i32
        %add3A_687 = vector.broadcast %add3A_686 : i32 to vector<16xi32>
        %add3A_688 = arith.addi %bitcast3A_685, %add3A_687 : vector<16xi32>
        %shift_right_logical3A_689 = arith.constant 16 : i32
        %shift_right_logical3A_690 = vector.broadcast %shift_right_logical3A_689 : i32 to vector<16xi32>
        %shift_right_logical3A_691 = arith.shrui %bitcast3A_685, %shift_right_logical3A_690 : vector<16xi32>
        %and3A_692 = arith.constant 1 : i32
        %and3A_693 = vector.broadcast %and3A_692 : i32 to vector<16xi32>
        %and3A_694 = arith.andi %shift_right_logical3A_691, %and3A_693 : vector<16xi32>
        %add3A_695 = arith.addi %add3A_688, %and3A_694 : vector<16xi32>
        %and3A_696 = arith.constant -65536 : i32
        %and3A_697 = vector.broadcast %and3A_696 : i32 to vector<16xi32>
        %and3A_698 = arith.andi %add3A_695, %and3A_697 : vector<16xi32>
        %bitcast3A_699 = vector.bitcast %and3A_698 : vector<16xi32> to vector<16xf32>
        %mul3A_700 = arith.mulf %bitcast3A_699, %get3A_586 : vector<16xf32>
        %add3A_701 = arith.addf %scan3A_579, %mul3A_700 : vector<16xf32>
        %add3A_702 = arith.constant 5000 : i32
        %add3A_703 = arith.addi %add3A_702, %mul3A_584 : i32
        %get3A_704 = arith.index_cast %add3A_703 : i32 to index
        %get3A_705 = tpu.vector_load %arg6[%get3A_704] {strides = array<i32>} : memref<8016xf32, #tpu.memory_space<vmem>>, vector<16xf32>,
        %convert_element_type3A_706 = arith.fptosi %get3A_705 : vector<16xf32> to vector<16xi32>
        %add3A_707 = arith.addi %convert_element_type3A_706, %broadcast_in_dim3A_22 : vector<16xi32>
        tpu.vector_store_idx %arg8[%add3A_707], %broadcast_in_dim3A_3 {add = true} : memref<8192xf32, #tpu.memory_space<vmem>>[vector<16xi32>], vector<16xf32>,
        %bitcast3A_708 = vector.bitcast %get3A_705 : vector<16xf32> to vector<16xi32>
        %add3A_709 = arith.constant 32767 : i32
        %add3A_710 = vector.broadcast %add3A_709 : i32 to vector<16xi32>
        %add3A_711 = arith.addi %bitcast3A_708, %add3A_710 : vector<16xi32>
        %shift_right_logical3A_712 = arith.constant 16 : i32
        %shift_right_logical3A_713 = vector.broadcast %shift_right_logical3A_712 : i32 to vector<16xi32>
        %shift_right_logical3A_714 = arith.shrui %bitcast3A_708, %shift_right_logical3A_713 : vector<16xi32>
        %and3A_715 = arith.constant 1 : i32
        %and3A_716 = vector.broadcast %and3A_715 : i32 to vector<16xi32>
        %and3A_717 = arith.andi %shift_right_logical3A_714, %and3A_716 : vector<16xi32>
        %add3A_718 = arith.addi %add3A_711, %and3A_717 : vector<16xi32>
        %and3A_719 = arith.constant -65536 : i32
        %and3A_720 = vector.broadcast %and3A_719 : i32 to vector<16xi32>
        %and3A_721 = arith.andi %add3A_718, %and3A_720 : vector<16xi32>
        %bitcast3A_722 = vector.bitcast %and3A_721 : vector<16xi32> to vector<16xf32>
        %mul3A_723 = arith.mulf %bitcast3A_722, %get3A_586 : vector<16xf32>
        %add3A_724 = arith.addf %scan3A_580, %mul3A_723 : vector<16xf32>
        %add3A_725 = arith.constant 6000 : i32
        %add3A_726 = arith.addi %add3A_725, %mul3A_584 : i32
        %get3A_727 = arith.index_cast %add3A_726 : i32 to index
        %get3A_728 = tpu.vector_load %arg6[%get3A_727] {strides = array<i32>} : memref<8016xf32, #tpu.memory_space<vmem>>, vector<16xf32>,
        %convert_element_type3A_729 = arith.fptosi %get3A_728 : vector<16xf32> to vector<16xi32>
        %add3A_730 = arith.addi %convert_element_type3A_729, %broadcast_in_dim3A_24 : vector<16xi32>
        tpu.vector_store_idx %arg8[%add3A_730], %broadcast_in_dim3A_3 {add = true} : memref<8192xf32, #tpu.memory_space<vmem>>[vector<16xi32>], vector<16xf32>,
        %bitcast3A_731 = vector.bitcast %get3A_728 : vector<16xf32> to vector<16xi32>
        %add3A_732 = arith.constant 32767 : i32
        %add3A_733 = vector.broadcast %add3A_732 : i32 to vector<16xi32>
        %add3A_734 = arith.addi %bitcast3A_731, %add3A_733 : vector<16xi32>
        %shift_right_logical3A_735 = arith.constant 16 : i32
        %shift_right_logical3A_736 = vector.broadcast %shift_right_logical3A_735 : i32 to vector<16xi32>
        %shift_right_logical3A_737 = arith.shrui %bitcast3A_731, %shift_right_logical3A_736 : vector<16xi32>
        %and3A_738 = arith.constant 1 : i32
        %and3A_739 = vector.broadcast %and3A_738 : i32 to vector<16xi32>
        %and3A_740 = arith.andi %shift_right_logical3A_737, %and3A_739 : vector<16xi32>
        %add3A_741 = arith.addi %add3A_734, %and3A_740 : vector<16xi32>
        %and3A_742 = arith.constant -65536 : i32
        %and3A_743 = vector.broadcast %and3A_742 : i32 to vector<16xi32>
        %and3A_744 = arith.andi %add3A_741, %and3A_743 : vector<16xi32>
        %bitcast3A_745 = vector.bitcast %and3A_744 : vector<16xi32> to vector<16xf32>
        %mul3A_746 = arith.mulf %bitcast3A_745, %get3A_586 : vector<16xf32>
        %add3A_747 = arith.addf %scan3A_581, %mul3A_746 : vector<16xf32>
        %add3A_748 = arith.constant 7000 : i32
        %add3A_749 = arith.addi %add3A_748, %mul3A_584 : i32
        %get3A_750 = arith.index_cast %add3A_749 : i32 to index
        %get3A_751 = tpu.vector_load %arg6[%get3A_750] {strides = array<i32>} : memref<8016xf32, #tpu.memory_space<vmem>>, vector<16xf32>,
        %convert_element_type3A_752 = arith.fptosi %get3A_751 : vector<16xf32> to vector<16xi32>
        %add3A_753 = arith.addi %convert_element_type3A_752, %broadcast_in_dim3A_26 : vector<16xi32>
        tpu.vector_store_idx %arg8[%add3A_753], %broadcast_in_dim3A_3 {add = true} : memref<8192xf32, #tpu.memory_space<vmem>>[vector<16xi32>], vector<16xf32>,
        %bitcast3A_754 = vector.bitcast %get3A_751 : vector<16xf32> to vector<16xi32>
        %add3A_755 = arith.constant 32767 : i32
        %add3A_756 = vector.broadcast %add3A_755 : i32 to vector<16xi32>
        %add3A_757 = arith.addi %bitcast3A_754, %add3A_756 : vector<16xi32>
        %shift_right_logical3A_758 = arith.constant 16 : i32
        %shift_right_logical3A_759 = vector.broadcast %shift_right_logical3A_758 : i32 to vector<16xi32>
        %shift_right_logical3A_760 = arith.shrui %bitcast3A_754, %shift_right_logical3A_759 : vector<16xi32>
        %and3A_761 = arith.constant 1 : i32
        %and3A_762 = vector.broadcast %and3A_761 : i32 to vector<16xi32>
        %and3A_763 = arith.andi %shift_right_logical3A_760, %and3A_762 : vector<16xi32>
        %add3A_764 = arith.addi %add3A_757, %and3A_763 : vector<16xi32>
        %and3A_765 = arith.constant -65536 : i32
        %and3A_766 = vector.broadcast %and3A_765 : i32 to vector<16xi32>
        %and3A_767 = arith.andi %add3A_764, %and3A_766 : vector<16xi32>
        %bitcast3A_768 = vector.bitcast %and3A_767 : vector<16xi32> to vector<16xf32>
        %mul3A_769 = arith.mulf %bitcast3A_768, %get3A_586 : vector<16xf32>
        %add3A_770 = arith.addf %scan3A_582, %mul3A_769 : vector<16xf32>
        scf.yield %add3A_609, %add3A_632, %add3A_655, %add3A_678, %add3A_701, %add3A_724, %add3A_747, %add3A_770 : vector<16xf32>, vector<16xf32>, vector<16xf32>, vector<16xf32>, vector<16xf32>, vector<16xf32>, vector<16xf32>, vector<16xf32>
      }
      %scan3A_350 = arith.constant 62 : i32
      %get3A_351 = arith.constant 992 : index
      %get3A_352 = tpu.vector_load %arg9[%get3A_351] {strides = array<i32>} : memref<1008xf32, #tpu.memory_space<vmem>>, vector<16xf32>,
      %get3A_353 = arith.constant 992 : index
      %get3A_354 = tpu.vector_load %arg6[%get3A_353] {strides = array<i32>} : memref<8016xf32, #tpu.memory_space<vmem>>, vector<16xf32>,
      %convert_element_type3A_355 = arith.fptosi %get3A_354 : vector<16xf32> to vector<16xi32>
      %add3A_356 = arith.addi %convert_element_type3A_355, %broadcast_in_dim3A_12 : vector<16xi32>
      tpu.vector_store_idx %arg8[%add3A_356], %broadcast_in_dim3A_3 masked %lt3A_7 {add = true} : memref<8192xf32, #tpu.memory_space<vmem>>[vector<16xi32>], vector<16xf32>, vector<16xi1>
      %bitcast3A_357 = vector.bitcast %get3A_354 : vector<16xf32> to vector<16xi32>
      %add3A_358 = arith.constant 32767 : i32
      %add3A_359 = vector.broadcast %add3A_358 : i32 to vector<16xi32>
      %add3A_360 = arith.addi %bitcast3A_357, %add3A_359 : vector<16xi32>
      %shift_right_logical3A_361 = arith.constant 16 : i32
      %shift_right_logical3A_362 = vector.broadcast %shift_right_logical3A_361 : i32 to vector<16xi32>
      %shift_right_logical3A_363 = arith.shrui %bitcast3A_357, %shift_right_logical3A_362 : vector<16xi32>
      %and3A_364 = arith.constant 1 : i32
      %and3A_365 = vector.broadcast %and3A_364 : i32 to vector<16xi32>
      %and3A_366 = arith.andi %shift_right_logical3A_363, %and3A_365 : vector<16xi32>
      %add3A_367 = arith.addi %add3A_360, %and3A_366 : vector<16xi32>
      %and3A_368 = arith.constant -65536 : i32
      %and3A_369 = vector.broadcast %and3A_368 : i32 to vector<16xi32>
      %and3A_370 = arith.andi %add3A_367, %and3A_369 : vector<16xi32>
      %bitcast3A_371 = vector.bitcast %and3A_370 : vector<16xi32> to vector<16xf32>
      %mul3A_372 = arith.mulf %bitcast3A_371, %get3A_352 : vector<16xf32>
      %jit3A_373 = arith.constant 0.000000e+00 : f32
      %broadcast_in_dim3A_374 = vector.broadcast %jit3A_373 : f32 to vector<16xf32>
      %select_n3A_375 = arith.select %lt3A_7, %mul3A_372, %broadcast_in_dim3A_374 : vector<16xi1>, vector<16xf32>
      %add3A_376 = arith.addf %scan3A_349#0, %select_n3A_375 : vector<16xf32>
      %swap3A_377 = arith.constant 1008 : index
      %swap3A_378 = tpu.vector_load %arg8[%swap3A_377] {strides = array<i32>} : memref<8192xf32, #tpu.memory_space<vmem>>, vector<16xf32>,
      tpu.vector_store %arg8[%swap3A_377], %add3A_376 {strides = array<i32>} : memref<8192xf32, #tpu.memory_space<vmem>>, vector<16xf32>,
      %get3A_379 = arith.constant 1992 : index
      %get3A_380 = tpu.vector_load %arg6[%get3A_379] {strides = array<i32>} : memref<8016xf32, #tpu.memory_space<vmem>>, vector<16xf32>,
      %convert_element_type3A_381 = arith.fptosi %get3A_380 : vector<16xf32> to vector<16xi32>
      %add3A_382 = arith.addi %convert_element_type3A_381, %broadcast_in_dim3A_14 : vector<16xi32>
      tpu.vector_store_idx %arg8[%add3A_382], %broadcast_in_dim3A_3 masked %lt3A_7 {add = true} : memref<8192xf32, #tpu.memory_space<vmem>>[vector<16xi32>], vector<16xf32>, vector<16xi1>
      %bitcast3A_383 = vector.bitcast %get3A_380 : vector<16xf32> to vector<16xi32>
      %add3A_384 = arith.constant 32767 : i32
      %add3A_385 = vector.broadcast %add3A_384 : i32 to vector<16xi32>
      %add3A_386 = arith.addi %bitcast3A_383, %add3A_385 : vector<16xi32>
      %shift_right_logical3A_387 = arith.constant 16 : i32
      %shift_right_logical3A_388 = vector.broadcast %shift_right_logical3A_387 : i32 to vector<16xi32>
      %shift_right_logical3A_389 = arith.shrui %bitcast3A_383, %shift_right_logical3A_388 : vector<16xi32>
      %and3A_390 = arith.constant 1 : i32
      %and3A_391 = vector.broadcast %and3A_390 : i32 to vector<16xi32>
      %and3A_392 = arith.andi %shift_right_logical3A_389, %and3A_391 : vector<16xi32>
      %add3A_393 = arith.addi %add3A_386, %and3A_392 : vector<16xi32>
      %and3A_394 = arith.constant -65536 : i32
      %and3A_395 = vector.broadcast %and3A_394 : i32 to vector<16xi32>
      %and3A_396 = arith.andi %add3A_393, %and3A_395 : vector<16xi32>
      %bitcast3A_397 = vector.bitcast %and3A_396 : vector<16xi32> to vector<16xf32>
      %mul3A_398 = arith.mulf %bitcast3A_397, %get3A_352 : vector<16xf32>
      %jit3A_399 = arith.constant 0.000000e+00 : f32
      %broadcast_in_dim3A_400 = vector.broadcast %jit3A_399 : f32 to vector<16xf32>
      %select_n3A_401 = arith.select %lt3A_7, %mul3A_398, %broadcast_in_dim3A_400 : vector<16xi1>, vector<16xf32>
      %add3A_402 = arith.addf %scan3A_349#1, %select_n3A_401 : vector<16xf32>
      %swap3A_403 = arith.constant 2032 : index
      %swap3A_404 = tpu.vector_load %arg8[%swap3A_403] {strides = array<i32>} : memref<8192xf32, #tpu.memory_space<vmem>>, vector<16xf32>,
      tpu.vector_store %arg8[%swap3A_403], %add3A_402 {strides = array<i32>} : memref<8192xf32, #tpu.memory_space<vmem>>, vector<16xf32>,
      %get3A_405 = arith.constant 2992 : index
      %get3A_406 = tpu.vector_load %arg6[%get3A_405] {strides = array<i32>} : memref<8016xf32, #tpu.memory_space<vmem>>, vector<16xf32>,
      %convert_element_type3A_407 = arith.fptosi %get3A_406 : vector<16xf32> to vector<16xi32>
      %add3A_408 = arith.addi %convert_element_type3A_407, %broadcast_in_dim3A_16 : vector<16xi32>
      tpu.vector_store_idx %arg8[%add3A_408], %broadcast_in_dim3A_3 masked %lt3A_7 {add = true} : memref<8192xf32, #tpu.memory_space<vmem>>[vector<16xi32>], vector<16xf32>, vector<16xi1>
      %bitcast3A_409 = vector.bitcast %get3A_406 : vector<16xf32> to vector<16xi32>
      %add3A_410 = arith.constant 32767 : i32
      %add3A_411 = vector.broadcast %add3A_410 : i32 to vector<16xi32>
      %add3A_412 = arith.addi %bitcast3A_409, %add3A_411 : vector<16xi32>
      %shift_right_logical3A_413 = arith.constant 16 : i32
      %shift_right_logical3A_414 = vector.broadcast %shift_right_logical3A_413 : i32 to vector<16xi32>
      %shift_right_logical3A_415 = arith.shrui %bitcast3A_409, %shift_right_logical3A_414 : vector<16xi32>
      %and3A_416 = arith.constant 1 : i32
      %and3A_417 = vector.broadcast %and3A_416 : i32 to vector<16xi32>
      %and3A_418 = arith.andi %shift_right_logical3A_415, %and3A_417 : vector<16xi32>
      %add3A_419 = arith.addi %add3A_412, %and3A_418 : vector<16xi32>
      %and3A_420 = arith.constant -65536 : i32
      %and3A_421 = vector.broadcast %and3A_420 : i32 to vector<16xi32>
      %and3A_422 = arith.andi %add3A_419, %and3A_421 : vector<16xi32>
      %bitcast3A_423 = vector.bitcast %and3A_422 : vector<16xi32> to vector<16xf32>
      %mul3A_424 = arith.mulf %bitcast3A_423, %get3A_352 : vector<16xf32>
      %jit3A_425 = arith.constant 0.000000e+00 : f32
      %broadcast_in_dim3A_426 = vector.broadcast %jit3A_425 : f32 to vector<16xf32>
      %select_n3A_427 = arith.select %lt3A_7, %mul3A_424, %broadcast_in_dim3A_426 : vector<16xi1>, vector<16xf32>
      %add3A_428 = arith.addf %scan3A_349#2, %select_n3A_427 : vector<16xf32>
      %swap3A_429 = arith.constant 3056 : index
      %swap3A_430 = tpu.vector_load %arg8[%swap3A_429] {strides = array<i32>} : memref<8192xf32, #tpu.memory_space<vmem>>, vector<16xf32>,
      tpu.vector_store %arg8[%swap3A_429], %add3A_428 {strides = array<i32>} : memref<8192xf32, #tpu.memory_space<vmem>>, vector<16xf32>,
      %get3A_431 = arith.constant 3992 : index
      %get3A_432 = tpu.vector_load %arg6[%get3A_431] {strides = array<i32>} : memref<8016xf32, #tpu.memory_space<vmem>>, vector<16xf32>,
      %convert_element_type3A_433 = arith.fptosi %get3A_432 : vector<16xf32> to vector<16xi32>
      %add3A_434 = arith.addi %convert_element_type3A_433, %broadcast_in_dim3A_18 : vector<16xi32>
      tpu.vector_store_idx %arg8[%add3A_434], %broadcast_in_dim3A_3 masked %lt3A_7 {add = true} : memref<8192xf32, #tpu.memory_space<vmem>>[vector<16xi32>], vector<16xf32>, vector<16xi1>
      %bitcast3A_435 = vector.bitcast %get3A_432 : vector<16xf32> to vector<16xi32>
      %add3A_436 = arith.constant 32767 : i32
      %add3A_437 = vector.broadcast %add3A_436 : i32 to vector<16xi32>
      %add3A_438 = arith.addi %bitcast3A_435, %add3A_437 : vector<16xi32>
      %shift_right_logical3A_439 = arith.constant 16 : i32
      %shift_right_logical3A_440 = vector.broadcast %shift_right_logical3A_439 : i32 to vector<16xi32>
      %shift_right_logical3A_441 = arith.shrui %bitcast3A_435, %shift_right_logical3A_440 : vector<16xi32>
      %and3A_442 = arith.constant 1 : i32
      %and3A_443 = vector.broadcast %and3A_442 : i32 to vector<16xi32>
      %and3A_444 = arith.andi %shift_right_logical3A_441, %and3A_443 : vector<16xi32>
      %add3A_445 = arith.addi %add3A_438, %and3A_444 : vector<16xi32>
      %and3A_446 = arith.constant -65536 : i32
      %and3A_447 = vector.broadcast %and3A_446 : i32 to vector<16xi32>
      %and3A_448 = arith.andi %add3A_445, %and3A_447 : vector<16xi32>
      %bitcast3A_449 = vector.bitcast %and3A_448 : vector<16xi32> to vector<16xf32>
      %mul3A_450 = arith.mulf %bitcast3A_449, %get3A_352 : vector<16xf32>
      %jit3A_451 = arith.constant 0.000000e+00 : f32
      %broadcast_in_dim3A_452 = vector.broadcast %jit3A_451 : f32 to vector<16xf32>
      %select_n3A_453 = arith.select %lt3A_7, %mul3A_450, %broadcast_in_dim3A_452 : vector<16xi1>, vector<16xf32>
      %add3A_454 = arith.addf %scan3A_349#3, %select_n3A_453 : vector<16xf32>
      %swap3A_455 = arith.constant 4080 : index
      %swap3A_456 = tpu.vector_load %arg8[%swap3A_455] {strides = array<i32>} : memref<8192xf32, #tpu.memory_space<vmem>>, vector<16xf32>,
      tpu.vector_store %arg8[%swap3A_455], %add3A_454 {strides = array<i32>} : memref<8192xf32, #tpu.memory_space<vmem>>, vector<16xf32>,
      %get3A_457 = arith.constant 4992 : index
      %get3A_458 = tpu.vector_load %arg6[%get3A_457] {strides = array<i32>} : memref<8016xf32, #tpu.memory_space<vmem>>, vector<16xf32>,
      %convert_element_type3A_459 = arith.fptosi %get3A_458 : vector<16xf32> to vector<16xi32>
      %add3A_460 = arith.addi %convert_element_type3A_459, %broadcast_in_dim3A_20 : vector<16xi32>
      tpu.vector_store_idx %arg8[%add3A_460], %broadcast_in_dim3A_3 masked %lt3A_7 {add = true} : memref<8192xf32, #tpu.memory_space<vmem>>[vector<16xi32>], vector<16xf32>, vector<16xi1>
      %bitcast3A_461 = vector.bitcast %get3A_458 : vector<16xf32> to vector<16xi32>
      %add3A_462 = arith.constant 32767 : i32
      %add3A_463 = vector.broadcast %add3A_462 : i32 to vector<16xi32>
      %add3A_464 = arith.addi %bitcast3A_461, %add3A_463 : vector<16xi32>
      %shift_right_logical3A_465 = arith.constant 16 : i32
      %shift_right_logical3A_466 = vector.broadcast %shift_right_logical3A_465 : i32 to vector<16xi32>
      %shift_right_logical3A_467 = arith.shrui %bitcast3A_461, %shift_right_logical3A_466 : vector<16xi32>
      %and3A_468 = arith.constant 1 : i32
      %and3A_469 = vector.broadcast %and3A_468 : i32 to vector<16xi32>
      %and3A_470 = arith.andi %shift_right_logical3A_467, %and3A_469 : vector<16xi32>
      %add3A_471 = arith.addi %add3A_464, %and3A_470 : vector<16xi32>
      %and3A_472 = arith.constant -65536 : i32
      %and3A_473 = vector.broadcast %and3A_472 : i32 to vector<16xi32>
      %and3A_474 = arith.andi %add3A_471, %and3A_473 : vector<16xi32>
      %bitcast3A_475 = vector.bitcast %and3A_474 : vector<16xi32> to vector<16xf32>
      %mul3A_476 = arith.mulf %bitcast3A_475, %get3A_352 : vector<16xf32>
      %jit3A_477 = arith.constant 0.000000e+00 : f32
      %broadcast_in_dim3A_478 = vector.broadcast %jit3A_477 : f32 to vector<16xf32>
      %select_n3A_479 = arith.select %lt3A_7, %mul3A_476, %broadcast_in_dim3A_478 : vector<16xi1>, vector<16xf32>
      %add3A_480 = arith.addf %scan3A_349#4, %select_n3A_479 : vector<16xf32>
      %swap3A_481 = arith.constant 5104 : index
      %swap3A_482 = tpu.vector_load %arg8[%swap3A_481] {strides = array<i32>} : memref<8192xf32, #tpu.memory_space<vmem>>, vector<16xf32>,
      tpu.vector_store %arg8[%swap3A_481], %add3A_480 {strides = array<i32>} : memref<8192xf32, #tpu.memory_space<vmem>>, vector<16xf32>,
      %get3A_483 = arith.constant 5992 : index
      %get3A_484 = tpu.vector_load %arg6[%get3A_483] {strides = array<i32>} : memref<8016xf32, #tpu.memory_space<vmem>>, vector<16xf32>,
      %convert_element_type3A_485 = arith.fptosi %get3A_484 : vector<16xf32> to vector<16xi32>
      %add3A_486 = arith.addi %convert_element_type3A_485, %broadcast_in_dim3A_22 : vector<16xi32>
      tpu.vector_store_idx %arg8[%add3A_486], %broadcast_in_dim3A_3 masked %lt3A_7 {add = true} : memref<8192xf32, #tpu.memory_space<vmem>>[vector<16xi32>], vector<16xf32>, vector<16xi1>
      %bitcast3A_487 = vector.bitcast %get3A_484 : vector<16xf32> to vector<16xi32>
      %add3A_488 = arith.constant 32767 : i32
      %add3A_489 = vector.broadcast %add3A_488 : i32 to vector<16xi32>
      %add3A_490 = arith.addi %bitcast3A_487, %add3A_489 : vector<16xi32>
      %shift_right_logical3A_491 = arith.constant 16 : i32
      %shift_right_logical3A_492 = vector.broadcast %shift_right_logical3A_491 : i32 to vector<16xi32>
      %shift_right_logical3A_493 = arith.shrui %bitcast3A_487, %shift_right_logical3A_492 : vector<16xi32>
      %and3A_494 = arith.constant 1 : i32
      %and3A_495 = vector.broadcast %and3A_494 : i32 to vector<16xi32>
      %and3A_496 = arith.andi %shift_right_logical3A_493, %and3A_495 : vector<16xi32>
      %add3A_497 = arith.addi %add3A_490, %and3A_496 : vector<16xi32>
      %and3A_498 = arith.constant -65536 : i32
      %and3A_499 = vector.broadcast %and3A_498 : i32 to vector<16xi32>
      %and3A_500 = arith.andi %add3A_497, %and3A_499 : vector<16xi32>
      %bitcast3A_501 = vector.bitcast %and3A_500 : vector<16xi32> to vector<16xf32>
      %mul3A_502 = arith.mulf %bitcast3A_501, %get3A_352 : vector<16xf32>
      %jit3A_503 = arith.constant 0.000000e+00 : f32
      %broadcast_in_dim3A_504 = vector.broadcast %jit3A_503 : f32 to vector<16xf32>
      %select_n3A_505 = arith.select %lt3A_7, %mul3A_502, %broadcast_in_dim3A_504 : vector<16xi1>, vector<16xf32>
      %add3A_506 = arith.addf %scan3A_349#5, %select_n3A_505 : vector<16xf32>
      %swap3A_507 = arith.constant 6128 : index
      %swap3A_508 = tpu.vector_load %arg8[%swap3A_507] {strides = array<i32>} : memref<8192xf32, #tpu.memory_space<vmem>>, vector<16xf32>,
      tpu.vector_store %arg8[%swap3A_507], %add3A_506 {strides = array<i32>} : memref<8192xf32, #tpu.memory_space<vmem>>, vector<16xf32>,
      %get3A_509 = arith.constant 6992 : index
      %get3A_510 = tpu.vector_load %arg6[%get3A_509] {strides = array<i32>} : memref<8016xf32, #tpu.memory_space<vmem>>, vector<16xf32>,
      %convert_element_type3A_511 = arith.fptosi %get3A_510 : vector<16xf32> to vector<16xi32>
      %add3A_512 = arith.addi %convert_element_type3A_511, %broadcast_in_dim3A_24 : vector<16xi32>
      tpu.vector_store_idx %arg8[%add3A_512], %broadcast_in_dim3A_3 masked %lt3A_7 {add = true} : memref<8192xf32, #tpu.memory_space<vmem>>[vector<16xi32>], vector<16xf32>, vector<16xi1>
      %bitcast3A_513 = vector.bitcast %get3A_510 : vector<16xf32> to vector<16xi32>
      %add3A_514 = arith.constant 32767 : i32
      %add3A_515 = vector.broadcast %add3A_514 : i32 to vector<16xi32>
      %add3A_516 = arith.addi %bitcast3A_513, %add3A_515 : vector<16xi32>
      %shift_right_logical3A_517 = arith.constant 16 : i32
      %shift_right_logical3A_518 = vector.broadcast %shift_right_logical3A_517 : i32 to vector<16xi32>
      %shift_right_logical3A_519 = arith.shrui %bitcast3A_513, %shift_right_logical3A_518 : vector<16xi32>
      %and3A_520 = arith.constant 1 : i32
      %and3A_521 = vector.broadcast %and3A_520 : i32 to vector<16xi32>
      %and3A_522 = arith.andi %shift_right_logical3A_519, %and3A_521 : vector<16xi32>
      %add3A_523 = arith.addi %add3A_516, %and3A_522 : vector<16xi32>
      %and3A_524 = arith.constant -65536 : i32
      %and3A_525 = vector.broadcast %and3A_524 : i32 to vector<16xi32>
      %and3A_526 = arith.andi %add3A_523, %and3A_525 : vector<16xi32>
      %bitcast3A_527 = vector.bitcast %and3A_526 : vector<16xi32> to vector<16xf32>
      %mul3A_528 = arith.mulf %bitcast3A_527, %get3A_352 : vector<16xf32>
      %jit3A_529 = arith.constant 0.000000e+00 : f32
      %broadcast_in_dim3A_530 = vector.broadcast %jit3A_529 : f32 to vector<16xf32>
      %select_n3A_531 = arith.select %lt3A_7, %mul3A_528, %broadcast_in_dim3A_530 : vector<16xi1>, vector<16xf32>
      %add3A_532 = arith.addf %scan3A_349#6, %select_n3A_531 : vector<16xf32>
      %swap3A_533 = arith.constant 7152 : index
      %swap3A_534 = tpu.vector_load %arg8[%swap3A_533] {strides = array<i32>} : memref<8192xf32, #tpu.memory_space<vmem>>, vector<16xf32>,
      tpu.vector_store %arg8[%swap3A_533], %add3A_532 {strides = array<i32>} : memref<8192xf32, #tpu.memory_space<vmem>>, vector<16xf32>,
      %get3A_535 = arith.constant 7992 : index
      %get3A_536 = tpu.vector_load %arg6[%get3A_535] {strides = array<i32>} : memref<8016xf32, #tpu.memory_space<vmem>>, vector<16xf32>,
      %convert_element_type3A_537 = arith.fptosi %get3A_536 : vector<16xf32> to vector<16xi32>
      %add3A_538 = arith.addi %convert_element_type3A_537, %broadcast_in_dim3A_26 : vector<16xi32>
      tpu.vector_store_idx %arg8[%add3A_538], %broadcast_in_dim3A_3 masked %lt3A_7 {add = true} : memref<8192xf32, #tpu.memory_space<vmem>>[vector<16xi32>], vector<16xf32>, vector<16xi1>
      %bitcast3A_539 = vector.bitcast %get3A_536 : vector<16xf32> to vector<16xi32>
      %add3A_540 = arith.constant 32767 : i32
      %add3A_541 = vector.broadcast %add3A_540 : i32 to vector<16xi32>
      %add3A_542 = arith.addi %bitcast3A_539, %add3A_541 : vector<16xi32>
      %shift_right_logical3A_543 = arith.constant 16 : i32
      %shift_right_logical3A_544 = vector.broadcast %shift_right_logical3A_543 : i32 to vector<16xi32>
      %shift_right_logical3A_545 = arith.shrui %bitcast3A_539, %shift_right_logical3A_544 : vector<16xi32>
      %and3A_546 = arith.constant 1 : i32
      %and3A_547 = vector.broadcast %and3A_546 : i32 to vector<16xi32>
      %and3A_548 = arith.andi %shift_right_logical3A_545, %and3A_547 : vector<16xi32>
      %add3A_549 = arith.addi %add3A_542, %and3A_548 : vector<16xi32>
      %and3A_550 = arith.constant -65536 : i32
      %and3A_551 = vector.broadcast %and3A_550 : i32 to vector<16xi32>
      %and3A_552 = arith.andi %add3A_549, %and3A_551 : vector<16xi32>
      %bitcast3A_553 = vector.bitcast %and3A_552 : vector<16xi32> to vector<16xf32>
      %mul3A_554 = arith.mulf %bitcast3A_553, %get3A_352 : vector<16xf32>
      %jit3A_555 = arith.constant 0.000000e+00 : f32
      %broadcast_in_dim3A_556 = vector.broadcast %jit3A_555 : f32 to vector<16xf32>
      %select_n3A_557 = arith.select %lt3A_7, %mul3A_554, %broadcast_in_dim3A_556 : vector<16xi1>, vector<16xf32>
      %add3A_558 = arith.addf %scan3A_349#7, %select_n3A_557 : vector<16xf32>
      %swap3A_559 = arith.constant 8176 : index
      %swap3A_560 = tpu.vector_load %arg8[%swap3A_559] {strides = array<i32>} : memref<8192xf32, #tpu.memory_space<vmem>>, vector<16xf32>,
      tpu.vector_store %arg8[%swap3A_559], %add3A_558 {strides = array<i32>} : memref<8192xf32, #tpu.memory_space<vmem>>, vector<16xf32>,
      %mul3A_561 = arith.constant 8 : i32
      %mul3A_562 = arith.muli %add3A_319, %mul3A_561 : i32
      %add3A_563 = arith.addi %mul3A_2, %mul3A_562 : i32
      %mul3A_564 = arith.constant 1024 : i32
      %mul3A_565 = arith.muli %add3A_563, %mul3A_564 : i32
      %dma_start3A_566 = tpu.memref_slice %arg4[%mul3A_565] : memref<2097152xf32, #tpu.memory_space<hbm>> -> memref<8192xf32, #tpu.memory_space<hbm>>
      %dma_start3A_567 = tpu.memref_slice %arg4[%mul3A_565] : memref<2097152xf32, #tpu.memory_space<hbm>> -> memref<8192xf32, #tpu.memory_space<hbm>>
      tpu.enqueue_dma source(%arg8 : memref<8192xf32, #tpu.memory_space<vmem>>) target(%dma_start3A_567 : memref<8192xf32, #tpu.memory_space<hbm>>) target_semaphore(%arg13 : memref<!tpu.dma_semaphore, #tpu.memory_space<semaphore_mem>>)
      %le3A_568 = arith.constant 5 : i32
      %le3A_569 = arith.cmpi sle, %add3A_319, %le3A_568 : i32
      %convert_element_type3A_570 = arith.extui %le3A_569 : i1 to i32
      %cond3A_571 = arith.constant 0 : i32
      %cond3A_572 = arith.cmpi ne, %convert_element_type3A_570, %cond3A_571 : i32
      scf.if %cond3A_572 {
        %add3A_574 = arith.constant 2 : i32
        %add3A_575 = arith.addi %add3A_319, %add3A_574 : i32
        %add3A_576 = arith.constant 2048 : i32
        %add3A_577 = arith.addi %add3A_576, %mul3A_2 : i32
        %mul3A_578 = arith.constant 8 : i32
        %mul3A_579 = arith.muli %add3A_575, %mul3A_578 : i32
        %add3A_580 = arith.addi %add3A_577, %mul3A_579 : i32
        %mul3A_581 = arith.constant 1000 : i32
        %mul3A_582 = arith.muli %add3A_580, %mul3A_581 : i32
        %dma_start3A_583 = arith.constant 0 : i32
        %dma_start3A_584 = tpu.memref_slice %arg6[%dma_start3A_583] : memref<8016xf32, #tpu.memory_space<vmem>> -> memref<8000xf32, #tpu.memory_space<vmem>>
        %dma_start3A_585 = tpu.memref_slice %arg2[%mul3A_582] : memref<4096000xf32, #tpu.memory_space<hbm>> -> memref<8000xf32, #tpu.memory_space<hbm>>
        %dma_start3A_586 = arith.constant 0 : i32
        %dma_start3A_587 = tpu.memref_slice %arg6[%dma_start3A_586] : memref<8016xf32, #tpu.memory_space<vmem>> -> memref<8000xf32, #tpu.memory_space<vmem>>
        %dma_start3A_588 = tpu.memref_slice %arg2[%mul3A_582] : memref<4096000xf32, #tpu.memory_space<hbm>> -> memref<8000xf32, #tpu.memory_space<hbm>>
        tpu.enqueue_dma source(%dma_start3A_588 : memref<8000xf32, #tpu.memory_space<hbm>>) target(%dma_start3A_587 : memref<8000xf32, #tpu.memory_space<vmem>>) target_semaphore(%arg11 : memref<!tpu.dma_semaphore, #tpu.memory_space<semaphore_mem>>)
      } else {
      }
      %scan3A_573 = arith.constant 0 : i32
      scf.yield %scan3A_573 : i32
    }
    %scan3A_55 = arith.constant 4 : i32
    %add3A_56 = arith.constant 48 : i32
    %add3A_57 = arith.addi %mul3A_2, %add3A_56 : i32
    %mul3A_58 = arith.constant 1024 : i32
    %mul3A_59 = arith.muli %add3A_57, %mul3A_58 : i32
    %dma_wait3A = tpu.memref_slice %arg4[%mul3A_59] : memref<2097152xf32, #tpu.memory_space<hbm>> -> memref<8192xf32, #tpu.memory_space<hbm>>
    %dma_wait3A_60 = tpu.memref_slice %arg4[%mul3A_59] : memref<2097152xf32, #tpu.memory_space<hbm>> -> memref<8192xf32, #tpu.memory_space<hbm>>
    tpu.wait_dma2 semaphore(%arg12 : memref<!tpu.dma_semaphore, #tpu.memory_space<semaphore_mem>>) src(%arg7 : memref<8192xf32, #tpu.memory_space<vmem>>) dst(%dma_wait3A_60 : memref<8192xf32, #tpu.memory_space<hbm>>)
    %add3A_61 = arith.constant 56 : i32
    %add3A_62 = arith.addi %mul3A_2, %add3A_61 : i32
    %mul3A_63 = arith.constant 1024 : i32
    %mul3A_64 = arith.muli %add3A_62, %mul3A_63 : i32
    %dma_wait3A_65 = tpu.memref_slice %arg4[%mul3A_64] : memref<2097152xf32, #tpu.memory_space<hbm>> -> memref<8192xf32, #tpu.memory_space<hbm>>
    %dma_wait3A_66 = tpu.memref_slice %arg4[%mul3A_64] : memref<2097152xf32, #tpu.memory_space<hbm>> -> memref<8192xf32, #tpu.memory_space<hbm>>
    tpu.wait_dma2 semaphore(%arg13 : memref<!tpu.dma_semaphore, #tpu.memory_space<semaphore_mem>>) src(%arg8 : memref<8192xf32, #tpu.memory_space<vmem>>) dst(%dma_wait3A_66 : memref<8192xf32, #tpu.memory_space<hbm>>)
    return
  }
}

module attributes {stable_mosaic.version = 14 : i64} {
  func.func @_tc_finish_body(%arg0: i32, %arg1: memref<64x8x8x128xf32, #tpu.memory_space<vmem>>, %arg2: memref<1024x64xf32, #tpu.memory_space<vmem>>, %arg3: memref<512xf32, #tpu.memory_space<vmem>>) attributes {dimension_semantics = [#tpu.dimension_semantics<arbitrary>], iteration_bounds = array<i64: 4>, scalar_prefetch = 0 : i64, scratch_operands = 0 : i64, tpu.core_type = #tpu.core_type<tc>, window_params = [{transform_indices = @transform_0, window_bounds = array<i64: 64, 8, 8, 128>}, {pipeline_mode = #tpu.pipeline_mode<synchronous>, transform_indices = @transform_1, window_bounds = array<i64: 1024, 64>}, {transform_indices = @transform_2, window_bounds = array<i64: 512>}]} {
    %get3A = arith.constant 0 : index
    %get3A_0 = arith.constant 0 : index
    %get3A_1 = vector.load %arg2[%get3A, %get3A_0] : memref<1024x64xf32, #tpu.memory_space<vmem>>, vector<1024x64xf32>
    %mul3A = arith.mulf %get3A_1, %get3A_1 : vector<1024x64xf32>
    %reduce_sum3A = arith.constant dense<0.000000e+00> : vector<1024xf32>
    %reduce_sum3A_2 = vector.multi_reduction <add>, %mul3A, %reduce_sum3A [1] : vector<1024x64xf32> to vector<1024xf32>
    %broadcast_in_dim3A = arith.constant 0.000000e+00 : f32
    %broadcast_in_dim3A_3 = vector.broadcast %broadcast_in_dim3A : f32 to vector<512x64xf32>
    %broadcast_in_dim3A_4 = arith.constant 0.000000e+00 : f32
    %broadcast_in_dim3A_5 = vector.broadcast %broadcast_in_dim3A_4 : f32 to vector<512xf32>
    %get3A_6 = arith.constant 0 : index
    %get3A_7 = arith.constant 0 : index
    %get3A_8 = arith.constant 0 : index
    %get3A_9 = arith.constant 0 : index
    %get3A_10 = vector.load %arg1[%get3A_6, %get3A_7, %get3A_8, %get3A_9] : memref<64x8x8x128xf32, #tpu.memory_space<vmem>>, vector<64x8x1x128xf32>
    %get3A_11 = vector.shape_cast %get3A_10 : vector<64x8x1x128xf32> to vector<64x8x128xf32>
    %reshape3A = vector.shape_cast %get3A_11 : vector<64x8x128xf32> to vector<512x128xf32>
    %slice3A = vector.extract_strided_slice %get3A_1 {offsets = [0, 0], sizes = [128, 64], strides = [1, 1]} : vector<1024x64xf32> to vector<128x64xf32>
    %dot_general3A = arith.constant dense<0.000000e+00> : vector<512x64xf32>
    %dot_general3A_12 = tpu.matmul %reshape3A, %slice3A, %dot_general3A {dimension_numbers = #tpu.dot_dimension_numbers<[1], [0], [0], [1], [0, 0, 1, 1], [], []>, transpose_lhs_hint = false} : vector<512x128xf32>, vector<128x64xf32>, vector<512x64xf32> -> vector<512x64xf32>
    %add3A = arith.addf %broadcast_in_dim3A_3, %dot_general3A_12 : vector<512x64xf32>
    %slice3A_13 = vector.extract_strided_slice %reduce_sum3A_2 {offsets = [0], sizes = [128], strides = [1]} : vector<1024xf32> to vector<128xf32>
    %broadcast_in_dim3A_14 = vector.shape_cast %slice3A_13 : vector<128xf32> to vector<1x128xf32>
    %mul3A_15 = vector.broadcast %broadcast_in_dim3A_14 : vector<1x128xf32> to vector<512x128xf32>
    %mul3A_16 = arith.mulf %reshape3A, %mul3A_15 : vector<512x128xf32>
    %reduce_sum3A_17 = arith.constant dense<0.000000e+00> : vector<512xf32>
    %reduce_sum3A_18 = vector.multi_reduction <add>, %mul3A_16, %reduce_sum3A_17 [1] : vector<512x128xf32> to vector<512xf32>
    %add3A_19 = arith.addf %broadcast_in_dim3A_5, %reduce_sum3A_18 : vector<512xf32>
    %get3A_20 = arith.constant 0 : index
    %get3A_21 = arith.constant 0 : index
    %get3A_22 = arith.constant 1 : index
    %get3A_23 = arith.constant 0 : index
    %get3A_24 = vector.load %arg1[%get3A_20, %get3A_21, %get3A_22, %get3A_23] : memref<64x8x8x128xf32, #tpu.memory_space<vmem>>, vector<64x8x1x128xf32>
    %get3A_25 = vector.shape_cast %get3A_24 : vector<64x8x1x128xf32> to vector<64x8x128xf32>
    %reshape3A_26 = vector.shape_cast %get3A_25 : vector<64x8x128xf32> to vector<512x128xf32>
    %slice3A_27 = vector.extract_strided_slice %get3A_1 {offsets = [128, 0], sizes = [128, 64], strides = [1, 1]} : vector<1024x64xf32> to vector<128x64xf32>
    %dot_general3A_28 = arith.constant dense<0.000000e+00> : vector<512x64xf32>
    %dot_general3A_29 = tpu.matmul %reshape3A_26, %slice3A_27, %dot_general3A_28 {dimension_numbers = #tpu.dot_dimension_numbers<[1], [0], [0], [1], [0, 0, 1, 1], [], []>, transpose_lhs_hint = false} : vector<512x128xf32>, vector<128x64xf32>, vector<512x64xf32> -> vector<512x64xf32>
    %add3A_30 = arith.addf %add3A, %dot_general3A_29 : vector<512x64xf32>
    %slice3A_31 = vector.extract_strided_slice %reduce_sum3A_2 {offsets = [128], sizes = [128], strides = [1]} : vector<1024xf32> to vector<128xf32>
    %broadcast_in_dim3A_32 = vector.shape_cast %slice3A_31 : vector<128xf32> to vector<1x128xf32>
    %mul3A_33 = vector.broadcast %broadcast_in_dim3A_32 : vector<1x128xf32> to vector<512x128xf32>
    %mul3A_34 = arith.mulf %reshape3A_26, %mul3A_33 : vector<512x128xf32>
    %reduce_sum3A_35 = arith.constant dense<0.000000e+00> : vector<512xf32>
    %reduce_sum3A_36 = vector.multi_reduction <add>, %mul3A_34, %reduce_sum3A_35 [1] : vector<512x128xf32> to vector<512xf32>
    %add3A_37 = arith.addf %add3A_19, %reduce_sum3A_36 : vector<512xf32>
    %get3A_38 = arith.constant 0 : index
    %get3A_39 = arith.constant 0 : index
    %get3A_40 = arith.constant 2 : index
    %get3A_41 = arith.constant 0 : index
    %get3A_42 = vector.load %arg1[%get3A_38, %get3A_39, %get3A_40, %get3A_41] : memref<64x8x8x128xf32, #tpu.memory_space<vmem>>, vector<64x8x1x128xf32>
    %get3A_43 = vector.shape_cast %get3A_42 : vector<64x8x1x128xf32> to vector<64x8x128xf32>
    %reshape3A_44 = vector.shape_cast %get3A_43 : vector<64x8x128xf32> to vector<512x128xf32>
    %slice3A_45 = vector.extract_strided_slice %get3A_1 {offsets = [256, 0], sizes = [128, 64], strides = [1, 1]} : vector<1024x64xf32> to vector<128x64xf32>
    %dot_general3A_46 = arith.constant dense<0.000000e+00> : vector<512x64xf32>
    %dot_general3A_47 = tpu.matmul %reshape3A_44, %slice3A_45, %dot_general3A_46 {dimension_numbers = #tpu.dot_dimension_numbers<[1], [0], [0], [1], [0, 0, 1, 1], [], []>, transpose_lhs_hint = false} : vector<512x128xf32>, vector<128x64xf32>, vector<512x64xf32> -> vector<512x64xf32>
    %add3A_48 = arith.addf %add3A_30, %dot_general3A_47 : vector<512x64xf32>
    %slice3A_49 = vector.extract_strided_slice %reduce_sum3A_2 {offsets = [256], sizes = [128], strides = [1]} : vector<1024xf32> to vector<128xf32>
    %broadcast_in_dim3A_50 = vector.shape_cast %slice3A_49 : vector<128xf32> to vector<1x128xf32>
    %mul3A_51 = vector.broadcast %broadcast_in_dim3A_50 : vector<1x128xf32> to vector<512x128xf32>
    %mul3A_52 = arith.mulf %reshape3A_44, %mul3A_51 : vector<512x128xf32>
    %reduce_sum3A_53 = arith.constant dense<0.000000e+00> : vector<512xf32>
    %reduce_sum3A_54 = vector.multi_reduction <add>, %mul3A_52, %reduce_sum3A_53 [1] : vector<512x128xf32> to vector<512xf32>
    %add3A_55 = arith.addf %add3A_37, %reduce_sum3A_54 : vector<512xf32>
    %get3A_56 = arith.constant 0 : index
    %get3A_57 = arith.constant 0 : index
    %get3A_58 = arith.constant 3 : index
    %get3A_59 = arith.constant 0 : index
    %get3A_60 = vector.load %arg1[%get3A_56, %get3A_57, %get3A_58, %get3A_59] : memref<64x8x8x128xf32, #tpu.memory_space<vmem>>, vector<64x8x1x128xf32>
    %get3A_61 = vector.shape_cast %get3A_60 : vector<64x8x1x128xf32> to vector<64x8x128xf32>
    %reshape3A_62 = vector.shape_cast %get3A_61 : vector<64x8x128xf32> to vector<512x128xf32>
    %slice3A_63 = vector.extract_strided_slice %get3A_1 {offsets = [384, 0], sizes = [128, 64], strides = [1, 1]} : vector<1024x64xf32> to vector<128x64xf32>
    %dot_general3A_64 = arith.constant dense<0.000000e+00> : vector<512x64xf32>
    %dot_general3A_65 = tpu.matmul %reshape3A_62, %slice3A_63, %dot_general3A_64 {dimension_numbers = #tpu.dot_dimension_numbers<[1], [0], [0], [1], [0, 0, 1, 1], [], []>, transpose_lhs_hint = false} : vector<512x128xf32>, vector<128x64xf32>, vector<512x64xf32> -> vector<512x64xf32>
    %add3A_66 = arith.addf %add3A_48, %dot_general3A_65 : vector<512x64xf32>
    %slice3A_67 = vector.extract_strided_slice %reduce_sum3A_2 {offsets = [384], sizes = [128], strides = [1]} : vector<1024xf32> to vector<128xf32>
    %broadcast_in_dim3A_68 = vector.shape_cast %slice3A_67 : vector<128xf32> to vector<1x128xf32>
    %mul3A_69 = vector.broadcast %broadcast_in_dim3A_68 : vector<1x128xf32> to vector<512x128xf32>
    %mul3A_70 = arith.mulf %reshape3A_62, %mul3A_69 : vector<512x128xf32>
    %reduce_sum3A_71 = arith.constant dense<0.000000e+00> : vector<512xf32>
    %reduce_sum3A_72 = vector.multi_reduction <add>, %mul3A_70, %reduce_sum3A_71 [1] : vector<512x128xf32> to vector<512xf32>
    %add3A_73 = arith.addf %add3A_55, %reduce_sum3A_72 : vector<512xf32>
    %get3A_74 = arith.constant 0 : index
    %get3A_75 = arith.constant 0 : index
    %get3A_76 = arith.constant 4 : index
    %get3A_77 = arith.constant 0 : index
    %get3A_78 = vector.load %arg1[%get3A_74, %get3A_75, %get3A_76, %get3A_77] : memref<64x8x8x128xf32, #tpu.memory_space<vmem>>, vector<64x8x1x128xf32>
    %get3A_79 = vector.shape_cast %get3A_78 : vector<64x8x1x128xf32> to vector<64x8x128xf32>
    %reshape3A_80 = vector.shape_cast %get3A_79 : vector<64x8x128xf32> to vector<512x128xf32>
    %slice3A_81 = vector.extract_strided_slice %get3A_1 {offsets = [512, 0], sizes = [128, 64], strides = [1, 1]} : vector<1024x64xf32> to vector<128x64xf32>
    %dot_general3A_82 = arith.constant dense<0.000000e+00> : vector<512x64xf32>
    %dot_general3A_83 = tpu.matmul %reshape3A_80, %slice3A_81, %dot_general3A_82 {dimension_numbers = #tpu.dot_dimension_numbers<[1], [0], [0], [1], [0, 0, 1, 1], [], []>, transpose_lhs_hint = false} : vector<512x128xf32>, vector<128x64xf32>, vector<512x64xf32> -> vector<512x64xf32>
    %add3A_84 = arith.addf %add3A_66, %dot_general3A_83 : vector<512x64xf32>
    %slice3A_85 = vector.extract_strided_slice %reduce_sum3A_2 {offsets = [512], sizes = [128], strides = [1]} : vector<1024xf32> to vector<128xf32>
    %broadcast_in_dim3A_86 = vector.shape_cast %slice3A_85 : vector<128xf32> to vector<1x128xf32>
    %mul3A_87 = vector.broadcast %broadcast_in_dim3A_86 : vector<1x128xf32> to vector<512x128xf32>
    %mul3A_88 = arith.mulf %reshape3A_80, %mul3A_87 : vector<512x128xf32>
    %reduce_sum3A_89 = arith.constant dense<0.000000e+00> : vector<512xf32>
    %reduce_sum3A_90 = vector.multi_reduction <add>, %mul3A_88, %reduce_sum3A_89 [1] : vector<512x128xf32> to vector<512xf32>
    %add3A_91 = arith.addf %add3A_73, %reduce_sum3A_90 : vector<512xf32>
    %get3A_92 = arith.constant 0 : index
    %get3A_93 = arith.constant 0 : index
    %get3A_94 = arith.constant 5 : index
    %get3A_95 = arith.constant 0 : index
    %get3A_96 = vector.load %arg1[%get3A_92, %get3A_93, %get3A_94, %get3A_95] : memref<64x8x8x128xf32, #tpu.memory_space<vmem>>, vector<64x8x1x128xf32>
    %get3A_97 = vector.shape_cast %get3A_96 : vector<64x8x1x128xf32> to vector<64x8x128xf32>
    %reshape3A_98 = vector.shape_cast %get3A_97 : vector<64x8x128xf32> to vector<512x128xf32>
    %slice3A_99 = vector.extract_strided_slice %get3A_1 {offsets = [640, 0], sizes = [128, 64], strides = [1, 1]} : vector<1024x64xf32> to vector<128x64xf32>
    %dot_general3A_100 = arith.constant dense<0.000000e+00> : vector<512x64xf32>
    %dot_general3A_101 = tpu.matmul %reshape3A_98, %slice3A_99, %dot_general3A_100 {dimension_numbers = #tpu.dot_dimension_numbers<[1], [0], [0], [1], [0, 0, 1, 1], [], []>, transpose_lhs_hint = false} : vector<512x128xf32>, vector<128x64xf32>, vector<512x64xf32> -> vector<512x64xf32>
    %add3A_102 = arith.addf %add3A_84, %dot_general3A_101 : vector<512x64xf32>
    %slice3A_103 = vector.extract_strided_slice %reduce_sum3A_2 {offsets = [640], sizes = [128], strides = [1]} : vector<1024xf32> to vector<128xf32>
    %broadcast_in_dim3A_104 = vector.shape_cast %slice3A_103 : vector<128xf32> to vector<1x128xf32>
    %mul3A_105 = vector.broadcast %broadcast_in_dim3A_104 : vector<1x128xf32> to vector<512x128xf32>
    %mul3A_106 = arith.mulf %reshape3A_98, %mul3A_105 : vector<512x128xf32>
    %reduce_sum3A_107 = arith.constant dense<0.000000e+00> : vector<512xf32>
    %reduce_sum3A_108 = vector.multi_reduction <add>, %mul3A_106, %reduce_sum3A_107 [1] : vector<512x128xf32> to vector<512xf32>
    %add3A_109 = arith.addf %add3A_91, %reduce_sum3A_108 : vector<512xf32>
    %get3A_110 = arith.constant 0 : index
    %get3A_111 = arith.constant 0 : index
    %get3A_112 = arith.constant 6 : index
    %get3A_113 = arith.constant 0 : index
    %get3A_114 = vector.load %arg1[%get3A_110, %get3A_111, %get3A_112, %get3A_113] : memref<64x8x8x128xf32, #tpu.memory_space<vmem>>, vector<64x8x1x128xf32>
    %get3A_115 = vector.shape_cast %get3A_114 : vector<64x8x1x128xf32> to vector<64x8x128xf32>
    %reshape3A_116 = vector.shape_cast %get3A_115 : vector<64x8x128xf32> to vector<512x128xf32>
    %slice3A_117 = vector.extract_strided_slice %get3A_1 {offsets = [768, 0], sizes = [128, 64], strides = [1, 1]} : vector<1024x64xf32> to vector<128x64xf32>
    %dot_general3A_118 = arith.constant dense<0.000000e+00> : vector<512x64xf32>
    %dot_general3A_119 = tpu.matmul %reshape3A_116, %slice3A_117, %dot_general3A_118 {dimension_numbers = #tpu.dot_dimension_numbers<[1], [0], [0], [1], [0, 0, 1, 1], [], []>, transpose_lhs_hint = false} : vector<512x128xf32>, vector<128x64xf32>, vector<512x64xf32> -> vector<512x64xf32>
    %add3A_120 = arith.addf %add3A_102, %dot_general3A_119 : vector<512x64xf32>
    %slice3A_121 = vector.extract_strided_slice %reduce_sum3A_2 {offsets = [768], sizes = [128], strides = [1]} : vector<1024xf32> to vector<128xf32>
    %broadcast_in_dim3A_122 = vector.shape_cast %slice3A_121 : vector<128xf32> to vector<1x128xf32>
    %mul3A_123 = vector.broadcast %broadcast_in_dim3A_122 : vector<1x128xf32> to vector<512x128xf32>
    %mul3A_124 = arith.mulf %reshape3A_116, %mul3A_123 : vector<512x128xf32>
    %reduce_sum3A_125 = arith.constant dense<0.000000e+00> : vector<512xf32>
    %reduce_sum3A_126 = vector.multi_reduction <add>, %mul3A_124, %reduce_sum3A_125 [1] : vector<512x128xf32> to vector<512xf32>
    %add3A_127 = arith.addf %add3A_109, %reduce_sum3A_126 : vector<512xf32>
    %get3A_128 = arith.constant 0 : index
    %get3A_129 = arith.constant 0 : index
    %get3A_130 = arith.constant 7 : index
    %get3A_131 = arith.constant 0 : index
    %get3A_132 = vector.load %arg1[%get3A_128, %get3A_129, %get3A_130, %get3A_131] : memref<64x8x8x128xf32, #tpu.memory_space<vmem>>, vector<64x8x1x128xf32>
    %get3A_133 = vector.shape_cast %get3A_132 : vector<64x8x1x128xf32> to vector<64x8x128xf32>
    %reshape3A_134 = vector.shape_cast %get3A_133 : vector<64x8x128xf32> to vector<512x128xf32>
    %slice3A_135 = vector.extract_strided_slice %get3A_1 {offsets = [896, 0], sizes = [128, 64], strides = [1, 1]} : vector<1024x64xf32> to vector<128x64xf32>
    %dot_general3A_136 = arith.constant dense<0.000000e+00> : vector<512x64xf32>
    %dot_general3A_137 = tpu.matmul %reshape3A_134, %slice3A_135, %dot_general3A_136 {dimension_numbers = #tpu.dot_dimension_numbers<[1], [0], [0], [1], [0, 0, 1, 1], [], []>, transpose_lhs_hint = false} : vector<512x128xf32>, vector<128x64xf32>, vector<512x64xf32> -> vector<512x64xf32>
    %add3A_138 = arith.addf %add3A_120, %dot_general3A_137 : vector<512x64xf32>
    %slice3A_139 = vector.extract_strided_slice %reduce_sum3A_2 {offsets = [896], sizes = [128], strides = [1]} : vector<1024xf32> to vector<128xf32>
    %broadcast_in_dim3A_140 = vector.shape_cast %slice3A_139 : vector<128xf32> to vector<1x128xf32>
    %mul3A_141 = vector.broadcast %broadcast_in_dim3A_140 : vector<1x128xf32> to vector<512x128xf32>
    %mul3A_142 = arith.mulf %reshape3A_134, %mul3A_141 : vector<512x128xf32>
    %reduce_sum3A_143 = arith.constant dense<0.000000e+00> : vector<512xf32>
    %reduce_sum3A_144 = vector.multi_reduction <add>, %mul3A_142, %reduce_sum3A_143 [1] : vector<512x128xf32> to vector<512xf32>
    %add3A_145 = arith.addf %add3A_127, %reduce_sum3A_144 : vector<512xf32>
    %slice3A_146 = vector.extract_strided_slice %reshape3A_134 {offsets = [0, 112], sizes = [512, 16], strides = [1, 1]} : vector<512x128xf32> to vector<512x16xf32>
    %reduce_sum3A_147 = arith.constant dense<0.000000e+00> : vector<512xf32>
    %reduce_sum3A_148 = vector.multi_reduction <add>, %slice3A_146, %reduce_sum3A_147 [1] : vector<512x16xf32> to vector<512xf32>
    %mul3A_149 = arith.mulf %add3A_138, %add3A_138 : vector<512x64xf32>
    %reduce_sum3A_150 = arith.constant dense<0.000000e+00> : vector<512xf32>
    %reduce_sum3A_151 = vector.multi_reduction <add>, %mul3A_149, %reduce_sum3A_150 [1] : vector<512x64xf32> to vector<512xf32>
    %sub3A = arith.subf %reduce_sum3A_151, %add3A_145 : vector<512xf32>
    %mul3A_152 = arith.constant 5.000000e-01 : f32
    %mul3A_153 = vector.broadcast %mul3A_152 : f32 to vector<512xf32>
    %mul3A_154 = arith.mulf %mul3A_153, %sub3A : vector<512xf32>
    %add3A_155 = arith.addf %reduce_sum3A_148, %mul3A_154 : vector<512xf32>
    %swap3A = arith.constant 0 : index
    %swap3A_156 = vector.load %arg3[%swap3A] : memref<512xf32, #tpu.memory_space<vmem>>, vector<512xf32>
    tpu.vector_store %arg3[%swap3A], %add3A_155 {strides = array<i32>} : memref<512xf32, #tpu.memory_space<vmem>>, vector<512xf32>,
    return
  }
  func.func @transform_0(%arg0: i32) -> (i32, i32, i32, i32) {
    %c0_i32 = arith.constant 0 : i32
    %c0_i32_0 = arith.constant 0 : i32
    %c0_i32_1 = arith.constant 0 : i32
    %c0_i32_2 = arith.constant 0 : i32
    return %arg0, %c0_i32, %c0_i32_0, %c0_i32_1 : i32, i32, i32, i32
  }
  func.func @transform_1(%arg0: i32) -> (i32, i32) {
    %c0_i32 = arith.constant 0 : i32
    %c0_i32_0 = arith.constant 0 : i32
    %c0_i32_1 = arith.constant 0 : i32
    return %c0_i32, %c0_i32_0 : i32, i32
  }
  func.func @transform_2(%arg0: i32) -> i32 {
    %c0_i32 = arith.constant 0 : i32
    return %arg0 : i32
  }
}

</mosaic_0001>

<sc_bundles>
// kernel: kernel.6.cloned.1.call-start
scs
__scs_entry_jumppad:
0x0: {  	(pc) =	sbr.rel $0x88, $3  }
0x1: {  	(tag) =	ssettag $0x0;
	lr =	simm.s32 $0x1  }
0x2: {  	[smem:$0x3F9D] =	sst lr;
	_ =	strace $0xD0000000  }
0x3: {  	_ = 	snop  }
0x4: {  	_ = 	snop  }
0x5: {  	_ = 	snop  }
0x6: {  	_ = 	snop  }
0x7: {  	_ = 	snop  }
__scs_overlays_trampoline_lowered:
0x8: {  	[smem:$0x3FAC] =	sst s0  }
0x9: {  	[smem:$0x3FAD] =	sst s1  }
0xa: {  	[smem:$0x3FAE] =	sst s2  }
0xb: {  	[smem:$0x3FAF] =	sst s3  }
0xc: {  	[smem:$0x3FB0] =	sst s4  }
0xd: {  	[smem:$0x3FB1] =	sst s5  }
0xe: {  	[smem:$0x3FB2] =	sst s6  }
0xf: {  	[smem:$0x3FB3] =	sst s7  }
0x10: {  	[smem:$0x3FB4] =	sst s8  }
0x11: {  	[smem:$0x3FB5] =	sst s9;
	s0 =	simm.s32 @!p0 $0x0  }
0x12: {  	s1 =	sld [smem:$0x3F9B];
	s0 =	simm.s32 @p0 $0x1  }
0x13: {  	[smem:$0x3FB6] =	sst s0;
	s0 =	simm.s32 @!p1 $0x0  }
0x14: {  	s2 =	sld [smem:$0x3F9A];
	s0 =	simm.s32 @p1 $0x1  }
0x15: {  	[smem:$0x3FB7] =	sst s0;
	s0 =	simm.s32 @!p2 $0x0  }
0x16: {  	s3 =	sld [smem:$0x3FDB];
	s0 =	simm.s32 @p2 $0x1  }
0x17: {  	s4 =	simm.s32 $0x1BF5;
	[smem:$0x3FB9] =	sst s0  }
0x18: {  	s0 =	sld [smem:$0x3F9C];
	_ =	swait.ge [sflag:s4], $0x0  }
0x19: {  	s7 =	sld [smem:$0x3F9D]  }
0x1a: {  	s8 =	sadd.s32 $0xFFFFE003, lr  }
0x1b: {  	s9 =	sadd.s32 $0xFFFFFEF7, lr;
	s5 =	simm.s32 $0xFFFFFFFF;
	p2 =	slt.u32 s8, $0xFFFFF086  }
0x1c: {  	p1 =	slt.u32 s9, $0xF7A;
	s5 =	simm.s32 @!p2 $0x0  }
0x1d: {  	s5 =	simm.s32 @p1 $0x1;
	p0 =	seq.s32 s7, s2  }
0x1e: {  	s7 =	smul.u32 @!p0 $0xF7A, s2;
	p2 =	seq.s32 @!p0 s5, $0x0  }
0x1f: {  	s9 =	smul.u32 $0xF7A, s1;
	s8 =	simm.s32 @!p0 $0x1BF5;
	p2 =	por !p2, p0  }
0x20: {  	[sflag:s8] =	ssyncset.s32 @!p0 $0xFFFFF086;
	s6 =	sadd.s32 @!p0 s3, s7;
	s7 =	simm.s32 @!p0 $0x108  }
0x21: {  	s3 =	sadd.s32 s3, s9;
	s6 =	sadd.s32 @!p0 $0x88, s6;
	s7 =	simm.s32 @p2 $0x1082  }
0x22: {  	[simem:s7], [sflag:s8] =	dma.local @!p0 [hbm:s6], $0xF7A  }
0x23: {  	s9 =	sor.u32 $0xD0000000, s2;
	s6 =	simm.s32 $0x108;
	_ =	swait.ge @!p0 [sflag:s8], $0x0  }
0x24: {  	s3 =	sadd.s32 $0x88, s3;
	s6 =	simm.s32 @!p1 $0x1082;
	[sflag:s4] =	ssyncset.s32 $0xFFFFF086  }
0x25: {  	[simem:s6], [sflag:s4] =	dma.local [hbm:s3], $0xF7A  }
0x26: {  	[smem:$0x3F9D] =	sst s1;
	(tag) =	ssettag s2;
	_ =	strace s9  }
0x27: {  	s1 =	sld [smem:$0x3FAD]  }
0x28: {  	s2 =	sld [smem:$0x3FAE]  }
0x29: {  	s4 =	sld [smem:$0x3FB0]  }
0x2a: {  	p0 =	seq.s32 s5, $0x0;
	s5 =	sld [smem:$0x3FB1]  }
0x2b: {  	s6 =	sld [smem:$0x3FB2]  }
0x2c: {  	s7 =	sld [smem:$0x3FB3]  }
0x2d: {  	s3 =	simm.s32 $0x108;
	s8 =	sld [smem:$0x3FB4]  }
0x2e: {  	s3 =	simm.s32 @!p0 $0x1082;
	s9 =	sld [smem:$0x3FB5]  }
0x2f: {  	lr =	sadd.s32 s0, s3;
	s0 =	sld [smem:$0x3FAC]  }
0x30: {  	s3 =	sld [smem:$0x3FAF]  }
0x31: {  	[smem:$0x3FB8] =	sst s10  }
0x32: {  	s10 =	sld [smem:$0x3FB6];
	_ =	sdelay $0x3  }
0x33: {  	p0 =	seq.s32 s10, $0x1;
	s10 =	sld [smem:$0x3FB8];
	_ =	sdelay $0x3  }
0x34: {  	[smem:$0x3FB8] =	sst s10  }
0x35: {  	s10 =	sld [smem:$0x3FB7];
	_ =	sdelay $0x3  }
0x36: {  	p1 =	seq.s32 s10, $0x1;
	s10 =	sld [smem:$0x3FB8];
	_ =	sdelay $0x3  }
0x37: {  	[smem:$0x3FB8] =	sst s10  }
0x38: {  	s10 =	sld [smem:$0x3FB9]  }
0x39: {  	_ = 	snop;
	(pc) =	sbr.ind lr, $3  }
0x3a: {  	_ = 	snop  }
0x3b: {  	_ = 	snop  }
0x3c: {  	p2 =	seq.s32 s10, $0x1;
	s10 =	sld [smem:$0x3FB8]  }
0x3d: {  	_ =	shalt  }
0x3e: {  	_ =	shalt  }
0x3f: {  	_ =	shalt  }
0x40: {  	_ =	shalt  }
0x41: {  	_ =	shalt  }
0x42: {  	_ =	shalt  }
0x43: {  	_ =	shalt  }
0x44: {  	_ =	shalt  }
0x45: {  	_ =	shalt  }
0x46: {  	_ =	shalt  }
0x47: {  	_ =	shalt  }
0x48: {  	_ =	shalt  }
0x49: {  	_ =	shalt  }
0x4a: {  	_ =	shalt  }
0x4b: {  	_ =	shalt  }
0x4c: {  	_ =	shalt  }
0x4d: {  	_ =	shalt  }
0x4e: {  	_ =	shalt  }
0x4f: {  	_ =	shalt  }
0x50: {  	_ =	shalt  }
0x51: {  	_ =	shalt  }
0x52: {  	_ =	shalt  }
0x53: {  	_ =	shalt  }
0x54: {  	_ =	shalt  }
0x55: {  	_ =	shalt  }
0x56: {  	_ =	shalt  }
0x57: {  	_ =	shalt  }
0x58: {  	_ =	shalt  }
0x59: {  	_ =	shalt  }
0x5a: {  	_ =	shalt  }
0x5b: {  	_ =	shalt  }
0x5c: {  	_ =	shalt  }
0x5d: {  	_ =	shalt  }
0x5e: {  	_ =	shalt  }
0x5f: {  	_ =	shalt  }
0x60: {  	_ =	shalt  }
0x61: {  	_ =	shalt  }
0x62: {  	_ =	shalt  }
0x63: {  	_ =	shalt  }
0x64: {  	_ =	shalt  }
0x65: {  	_ =	shalt  }
0x66: {  	_ =	shalt  }
0x67: {  	_ =	shalt  }
0x68: {  	_ =	shalt  }
0x69: {  	_ =	shalt  }
0x6a: {  	_ =	shalt  }
0x6b: {  	_ =	shalt  }
0x6c: {  	_ =	shalt  }
0x6d: {  	_ =	shalt  }
0x6e: {  	_ =	shalt  }
0x6f: {  	_ =	shalt  }
0x70: {  	_ =	shalt  }
0x71: {  	_ =	shalt  }
0x72: {  	_ =	shalt  }
0x73: {  	_ =	shalt  }
0x74: {  	_ =	shalt  }
0x75: {  	_ =	shalt  }
0x76: {  	_ =	shalt  }
0x77: {  	_ =	shalt  }
0x78: {  	_ =	shalt  }
0x79: {  	_ =	shalt  }
0x7a: {  	_ =	shalt  }
0x7b: {  	_ =	shalt  }
0x7c: {  	_ =	shalt  }
0x7d: {  	_ =	shalt  }
0x7e: {  	_ =	shalt  }
0x7f: {  	_ =	shalt  }
0x80: {  	_ =	shalt  }
0x81: {  	_ =	shalt  }
0x82: {  	_ =	shalt  }
0x83: {  	_ =	shalt  }
0x84: {  	_ =	shalt  }
0x85: {  	_ =	shalt  }
0x86: {  	_ =	shalt  }
0x87: {  	_ =	shalt  }
.Lfunc_end0:
.L_simem_size_0:
called_computation_lowered:
.L_overlay_start_0:
0x88: {  	s2 =	sld [smem:$0x3FD9]  }
0x89: {  	s3 =	sld [smem:$0x3FFE];
	_ =	sdelay $0x1  }
0x8a: {  	s1 =	srdreg.scid  }
0x8b: {  	s0 =	sand.u32 $0x1, s1  }
0x8c: {  	s17 =	sshll.u32 s0, $0xA;
	s2 =	sadd.s32 s3, s2  }
0x8d: {  	s2 =	sadd.s32 s2, s17  }
0x8e: {  	[smem:$0x3FC4] =	sst s2  }
0x8f: {  	_ = 	snop  }
0x90: {  	s2 =	sld [smem:$0x3FD0];
	(tm) =	ssettm $0x1  }
0x91: {  	s18 =	sld [smem:$0x3FFB];
	_ =	sdelay $0x3  }
0x92: {  	_ =	strace s18  }
0x93: {  	s3 =	sld [smem:$0x3FFC];
	_ =	sdelay $0x3  }
0x94: {  	_ =	strace s3  }
0x95: {  	s3 =	sld [smem:$0x3FFD];
	_ =	sdelay $0x3  }
0x96: {  	_ =	strace s3  }
0x97: {  	_ =	strace $0x8FFFFFFF  }
0x98: {  	s19 =	sld [smem:$0x3FDB];
	_ =	sdelay $0x1  }
0x99: {  	s4 =	simm.s32 $_scs_section_size  }
0x9a: {  	s5 =	simm.s32 $_size__tile_overlayer_lowered;
	s6 =	simm.s32 $_tile_overlayer_lowered  }
0x9b: {  	s22 =	simm.s32 $0x1BFF;
	s21 =	sshll.u32 s6, $0x1;
	s3 =	sadd.s32 s4, s19  }
0x9c: {  	s7 =	simm.s32 $0x0;
	s20 =	sshll.u32 s5, $0x1;
	s5 =	sadd.s32 s21, s3  }
0x9d: {  	[timem:s7], [sflag:s22] =	dma.local [hbm:s5], s20  }
0x9e: {  	_ =	swait.ge [sflag:s22], s20  }
0x9f: {  	s4 =	ssub.s32 $0x0, s20;
	[sflag:s22] =	ssyncset.done $0x0  }
0xa0: {  	[sflag:s22] =	ssyncadd.s32 s4;
	_ =	sdelay $0x1  }
0xa1: {  	s23 =	simm.s32 $0x1B8B  }
0xa2: {  	_ =	swait.ge [sflag:s23], $0x1  }
0xa3: {  	[sflag:s23] =	ssyncset.done $0x0  }
0xa4: {  	s25 =	simm.s32 $0x1B8E;
	s24 =	sld [smem:$0x3FFE];
	[sflag:s23] =	ssyncadd.s32 $0xFFFFFFFF  }
0xa5: {  	s26 =	simm.s32 $execute0_lowered;
	[smem:$0x3FD2] =	sst s25  }
0xa6: {  	s5 =	sshll.u32 s26, $0x1;
	_ =	strace $0x80000046;
	[dreg:$0x1] =	wrdreg $0xFFFFFFFF  }
0xa7: {  	s28 =	simm.s32 $_size_execute0_lowered;
	s3 =	sadd.s32 s3, s5;
	[dreg:$0x0] =	wrdreg $0x0  }
0xa8: {  	s5 =	sshll.u32 s28, $0x1;
	[dreg:$0x2] =	wrdreg s3  }
0xa9: {  	[dreg:$0x3] =	wrdreg s5  }
0xaa: {  	[dreg:$0x4] =	wrdreg $0xC0  }
0xab: {  	_ =	task [dreg:s7], $0x5FFFF  }
0xac: {  	[dreg:$0x1] =	wrdreg $0xFFFFFFFF  }
0xad: {  	[dreg:$0x0] =	wrdreg $0x60  }
0xae: {  	[dreg:$0x2] =	wrdreg s24  }
0xaf: {  	[dreg:$0x3] =	wrdreg s2  }
0xb0: {  	[dreg:$0x4] =	wrdreg $0x9  }
0xb1: {  	_ =	task.clear_ibuf [dreg:s7], $0x5FFFF;
	_ =	strace $0x90000046  }
0xb2: {  	s29 =	simm.s32 $0x9;
	_ =	strace $0x80000048  }
0xb3: {  	_ =	swait.ge [sflag:s29], $0x1  }
0xb4: {  	[sflag:s29] =	ssyncadd.s32 $0xFFFFFFFF  }
0xb5: {  	_ =	strace $0x90000048  }
0xb6: {  	_ =	sfence  }
0xb7: {  	s30 =	sld [smem:$0x0];
	_ =	sdelay $0x2  }
0xb8: {  	s31 =	sshll.u32 s1, $0xD;
	s1 =	sshrl.u32 s1, $0x2  }
0xb9: {  	s3 =	sand.u32 $0x4000, s31;
	s1 =	sadd.s32 s1, s30  }
0xba: {  	s0 =	sor.u32 s3, s0;
	s1 =	sshll.u32 s1, $0x11  }
0xbb: {  	s0 =	sor.u32 s1, s0  }
0xbc: {  	s0 =	sadd.s32 $0x8F2B, s0  }
0xbd: {  	[sflag:s0] =	ssyncadd.remote.s32 $0x1  }
0xbe: {  	_ =	sfence.sel $0xFFFF  }
0xbf: {  	[dreg:$0x0] =	wrdreg $0xFFFFFFFF;
	(pc) =	sbr.abs _section_cstart, $3  }
0xc0: {  	[dreg:$0x1] =	wrdreg $0xFFFFFFFF  }
0xc1: {  	_ =	task.clear_ibuf [dreg:s7], $0x2FFFF;
	_ =	strace $0x9FFFFFFF  }
0xc2: {  	(tm) =	ssettm $0x7FFFFFFF  }
0xc3: {  	_ =	shalt  }
tec
execute0_lowered:
.L_overlay_start_1:
0x0: {  	(tag) =	ssettag $0x1  }
0x1: {  	s10 =	rddreg [dreg:$0x0]  }
0x2: {  	s1 =	srdreg.scid;
	s0 =	stileid.u32  }
0x3: {  	s2 =	rddreg [dreg:$0x1];
	s3 =	simm.s32 $0x0;
	s14 =	simm.s32 $0x5  }
0x4: {  	s15 =	simm.s32 $0x1F80;
	s16 =	simm.s32 $0x1;
	s17 =	simm.s32 $0x3F00  }
0x5: {  	s18 =	simm.s32 $0x2;
	s19 =	simm.s32 $0x4;
	s20 =	simm.s32 $0x5F00  }
0x6: {  	s21 =	simm.s32 $0x3;
	s5 =	sand.u32 $0x1, s1;
	s1 =	rddreg [dreg:$0x2]  }
0x7: {  	s22 =	simm.s32 $0x0;
	s4 =	sshll.u32 s0, $0x1;
	[smem:$0x7FF] =	sst s3  }
0x8: {  	s8 =	sor.u32 s5, s4;
	_ =	strace $0x80000047;
	s4 =	sadd.s32 $0xC00, s10  }
0x9: {  	s7 =	ssub.s32 $0x2, s5;
	s5 =	sadd.s32 $0x7DC00, s10;
	s6 =	smul.u32 $0xFA00, s8  }
.Ltmp0:
0xa: {  	s10 =	sadd.s32 $0x7E000, s10;
	s9 =	sshrl.u32 s7, $0x1;
	(pc) =	sbr.rel .LBB2_1-.Ltmp0, $4  }
0xb: {  	s11 =	smul.u32 $0x1F40, s8;
	s13 =	sshll.u32 s8, $0x6;
	s8 =	sshll.u32 s8, $0xD  }
0xc: {  	s12 =	ssub.s32 s7, s9;
	s9 =	sor.u32 $0x10, s13;
	s6 =	sshrl.u32 s6, $0x3  }
0xd: {  	s12 =	smax.u32 s12, $0x1;
	s31 =	sadd.s32 s4, s6;
	s6 =	sadd.s32 s4, s11  }
0xe: {  	v0 =	vimm.f32 $0.0e+00;
	v1 =	vimm.f32 $1.000000000e+00;
	vm0 =	vmmov $0xff;
	s11 =	sor.u32 $0x18, s13;
	s13 =	simm.s32 $0x7F00;
	s7 =	sadd.s32 $0x3E8, s31  }
.LBB2_16:
0xf: {  	s22 =	sadd.s32 $0x1, s22  }
0x10: {  	_ =	swait.ge [sflag:s21], $0x2000;
	p0 =	sne.s32 s22, s12  }
.Ltmp1:
0x11: {  	[sflag:s21] =	ssyncset.done $0x0;
	(pc) =	sbr.rel @!p0 .LBB2_17-.Ltmp1, $4  }
0x12: {  	[sflag:s21] =	ssyncadd.s32 $0xFFFFE000  }
0x13: {  	_ =	swait.ge [sflag:s19], $0x2000  }
0x14: {  	[sflag:s19] =	ssyncset.done $0x0  }
0x15: {  	[sflag:s19] =	ssyncadd.s32 $0xFFFFE000  }
.LBB2_1:
0x16: {  	[tilespmem:s13], [sflag:$0x5] =	stream.linear.gather [hbm4b:s2+s3], $0x400, $0x38;
	[tilespmem:$0x8300] =	vst v63  }
0x17: {  	_ =	swait.ge [sflag:s14], $0x400  }
0x18: {  	[sflag:s14] =	ssyncset.done $0x0  }
0x19: {  	[sflag:s14] =	ssyncadd.s32 $0xFFFFFC00  }
0x1a: {  	[tilespmem:$0x1F40] =	vst v0  }
0x1b: {  	[tilespmem:$0x3EC0] =	vst v0  }
0x1c: {  	[tilespmem:s3], [sflag:$0x1] =	stream.linear.gather [hbm4b:s6+s3], $0x1F40, $0x38;
	[tilespmem:$0x8300] =	vst v63  }
0x1d: {  	s23 =	simm.s32 $0x0  }
0x1e: {  	[tilespmem:s15], [sflag:$0x2] =	stream.linear.gather [hbm4b:s7+s3], $0x1F40, $0x38;
	[tilespmem:$0x8300] =	vst v63  }
.LBB2_2:
0x1f: {  	_ =	swait.ge [sflag:s16], $0x1F40  }
0x20: {  	p0 =	seq.s32 s23, $0x0;
	[sflag:s16] =	ssyncset.done $0x0  }
0x21: {  	s24 =	simm.s32 @!p0 $0x3;
	[sflag:s16] =	ssyncadd.s32 $0xFFFFE0C0  }
0x22: {  	_ =	swait.ge @!p0 [sflag:s24], $0x2000  }
0x23: {  	[sflag:s24] =	ssyncset.done @!p0 $0x0  }
0x24: {  	s26 =	simm.s32 $0x3F00;
	v2 =	vimm.f32 $0.0e+00;
	[sflag:s24] =	ssyncadd.s32 @!p0 $0xFFFFE000;
	s24 =	simm.s32 $0x0  }
0x25: {  	s28 =	simm.s32 $0x10;
	[tilespmem:s26+$0x0] =	vst v2;
	s25 =	sand.u32 $0x3F0, s24  }
.LBB2_3:
0x26: {  	p1 =	sne.s32 s28, $0x3E0;
	[tilespmem:s25+$0x4300] =	vst v2  }
0x27: {  	[tilespmem:s25+$0x4700] =	vst v2  }
0x28: {  	[tilespmem:s25+$0x4B00] =	vst v2  }
.Ltmp2:
0x29: {  	[tilespmem:s25+$0x4F00] =	vst v2;
	(pc) =	sbr.rel @p1 .LBB2_3-.Ltmp2, $4  }
0x2a: {  	[tilespmem:s25+$0x5300] =	vst v2  }
0x2b: {  	[tilespmem:s25+$0x5700] =	vst v2  }
0x2c: {  	s26 =	sadd.s32 $0x10, s26;
	[tilespmem:s25+$0x5B00] =	vst v2  }
0x2d: {  	s25 =	sand.u32 $0x3F0, s28;
	s28 =	sadd.s32 $0x10, s28;
	[tilespmem:s26+$0x0] =	vst v2  }
0x2e: {  	[tilespmem:s25+$0x4300] =	vst v2  }
0x2f: {  	[tilespmem:s25+$0x4700] =	vst v2  }
0x30: {  	[tilespmem:s25+$0x4B00] =	vst v2  }
0x31: {  	[tilespmem:s25+$0x4F00] =	vst v2  }
0x32: {  	[tilespmem:s25+$0x5300] =	vst v2  }
0x33: {  	[tilespmem:s25+$0x5700] =	vst v2;
	v3 =	vmov v2;
	v4 =	vmov v2  }
0x34: {  	[tilespmem:s25+$0x5B00] =	vst v2;
	v5 =	vmovc v2;
	v6 =	vmovc v2;
	v7 =	vmov v2;
	v8 =	vmov v2;
	v9 =	vmov v2  }
.LBB2_5:
0x35: {  	s25 =	sshra.s32 s24, $0x2  }
0x36: {  	v10 =	vld [tilespmem:s25+$0x0];
	_ =	sdelay $0x4  }
0x37: {  	v11 =	vtrunc.f32 v10  }
0x38: {  	v11 =	vcvt.f32.s32 v11;
	_ =	sdelay $0x4  }
0x39: {  	v12 =	vld [tilespmem:s25+$0x7F00]  }
0x3a: {  	[tilespmem:v11+s17+$0x0] =	vst.idx.add.f32.msk $0xffff, v1  }
0x3b: {  	v11 =	vld [tilespmem:s25+$0x3E8];
	_ =	sdelay $0x4  }
0x3c: {  	v13 =	vtrunc.f32 v11  }
0x3d: {  	v13 =	vcvt.f32.s32 v13;
	_ =	sdelay $0x1  }
0x3e: {  	v13 =	vadd.s32 $0x400, v13;
	_ =	sdelay $0x4  }
0x3f: {  	[tilespmem:v13+s17+$0x0] =	vst.idx.add.f32.msk $0xffff, v1  }
0x40: {  	v13 =	vld [tilespmem:s25+$0x7D0];
	_ =	sdelay $0x4  }
0x41: {  	v14 =	vtrunc.f32 v13  }
0x42: {  	v14 =	vcvt.f32.s32 v14;
	_ =	sdelay $0x1  }
0x43: {  	v14 =	vadd.s32 $0x800, v14;
	_ =	sdelay $0x4  }
0x44: {  	[tilespmem:v14+s17+$0x0] =	vst.idx.add.f32.msk $0xffff, v1  }
0x45: {  	v14 =	vld [tilespmem:s25+$0xBB8];
	_ =	sdelay $0x4  }
0x46: {  	v15 =	vtrunc.f32 v14  }
0x47: {  	v15 =	vcvt.f32.s32 v15;
	_ =	sdelay $0x1  }
0x48: {  	v15 =	vadd.s32 $0xC00, v15;
	_ =	sdelay $0x4  }
0x49: {  	[tilespmem:v15+s17+$0x0] =	vst.idx.add.f32.msk $0xffff, v1  }
0x4a: {  	v15 =	vld [tilespmem:s25+$0xFA0];
	_ =	sdelay $0x4  }
0x4b: {  	v16 =	vtrunc.f32 v15  }
0x4c: {  	v16 =	vcvt.f32.s32 v16;
	_ =	sdelay $0x1  }
0x4d: {  	v16 =	vadd.s32 $0x1000, v16;
	_ =	sdelay $0x4  }
0x4e: {  	[tilespmem:v16+s17+$0x0] =	vst.idx.add.f32.msk $0xffff, v1  }
0x4f: {  	v16 =	vld [tilespmem:s25+$0x1388];
	_ =	sdelay $0x4  }
0x50: {  	v17 =	vtrunc.f32 v16  }
0x51: {  	v17 =	vcvt.f32.s32 v17;
	_ =	sdelay $0x1  }
0x52: {  	v17 =	vadd.s32 $0x1400, v17;
	_ =	sdelay $0x4  }
0x53: {  	[tilespmem:v17+s17+$0x0] =	vst.idx.add.f32.msk $0xffff, v1  }
0x54: {  	v17 =	vld [tilespmem:s25+$0x1770];
	_ =	sdelay $0x4  }
0x55: {  	v19 =	vshrl.u32 v10, $0x10;
	v18 =	vtrunc.f32 v17  }
0x56: {  	v19 =	vand.u32 $0x1, v19;
	v18 =	vcvt.f32.s32 v18  }
0x57: {  	v10 =	vadd.s32 v19, v10;
	v20 =	vshrl.u32 v11, $0x10  }
0x58: {  	v20 =	vand.u32 $0x1, v20;
	v21 =	vshrl.u32 v13, $0x10;
	v18 =	vadd.s32 $0x1800, v18  }
0x59: {  	v10 =	vadd.s32 $0x7FFF, v10;
	v11 =	vadd.s32 v20, v11;
	v57 =	vand.u32 $0x1, v21  }
0x5a: {  	v10 =	vand.u32 $0xFFFF0000, v10;
	v11 =	vadd.s32 $0x7FFF, v11;
	v13 =	vadd.s32 v57, v13  }
0x5b: {  	v10 =	vmul.f32 v10, v12;
	v11 =	vand.u32 $0xFFFF0000, v11;
	v13 =	vadd.s32 $0x7FFF, v13  }
0x5c: {  	v11 =	vmul.f32 v11, v12;
	v13 =	vand.u32 $0xFFFF0000, v13  }
0x5d: {  	v9 =	vadd.f32 v10, v9;
	v13 =	vmul.f32 v13, v12;
	v58 =	vshrl.u32 v14, $0x10;
	[tilespmem:v18+s17+$0x0] =	vst.idx.add.f32.msk $0xffff, v1  }
0x5e: {  	v8 =	vadd.f32 v11, v8;
	v10 =	vand.u32 $0x1, v58;
	v59 =	vshrl.u32 v15, $0x10;
	v11 =	vld [tilespmem:s25+$0x1B58]  }
0x5f: {  	v7 =	vadd.f32 v13, v7;
	v10 =	vadd.s32 v10, v14;
	v13 =	vand.u32 $0x1, v59  }
0x60: {  	v10 =	vadd.s32 $0x7FFF, v10;
	v13 =	vadd.s32 v13, v15  }
0x61: {  	v10 =	vand.u32 $0xFFFF0000, v10;
	v13 =	vadd.s32 $0x7FFF, v13;
	v60 =	vshrl.u32 v16, $0x10  }
0x62: {  	v10 =	vmul.f32 v10, v12;
	v13 =	vand.u32 $0xFFFF0000, v13;
	v14 =	vand.u32 $0x1, v60  }
0x63: {  	v14 =	vadd.s32 v14, v16;
	v61 =	vshrl.u32 v17, $0x10;
	v62 =	vtrunc.f32 v11  }
0x64: {  	v15 =	vand.u32 $0x1, v61;
	v63 =	vshrl.u32 v11, $0x10;
	v16 =	vcvt.f32.s32 v62  }
0x65: {  	v13 =	vmul.f32 v13, v12;
	v15 =	vadd.s32 v15, v17;
	v17 =	vand.u32 $0x1, v63  }
0x66: {  	p1 =	sne.s32 s24, $0xF40;
	v14 =	vadd.s32 $0x7FFF, v14;
	v11 =	vadd.s32 v17, v11;
	v16 =	vadd.s32 $0x1C00, v16  }
.Ltmp3:
0x67: {  	v14 =	vand.u32 $0xFFFF0000, v14;
	v15 =	vadd.s32 $0x7FFF, v15;
	v11 =	vadd.s32 $0x7FFF, v11;
	(pc) =	sbr.rel @p1 .LBB2_5-.Ltmp3, $4  }
0x68: {  	v14 =	vmul.f32 v14, v12;
	v15 =	vand.u32 $0xFFFF0000, v15;
	v11 =	vand.u32 $0xFFFF0000, v11  }
0x69: {  	v6 =	vadd.f32 v10, v6;
	v10 =	vmul.f32 v15, v12;
	v11 =	vmul.f32 v11, v12  }
0x6a: {  	v5 =	vadd.f32 v13, v5;
	v4 =	vadd.f32 v14, v4  }
0x6b: {  	s24 =	sadd.s32 $0x40, s24;
	v3 =	vadd.f32 v10, v3;
	v2 =	vadd.f32 v11, v2;
	[tilespmem:v16+s17+$0x0] =	vst.idx.add.f32.msk $0xffff, v1  }
0x6c: {  	v10 =	vld [tilespmem:$0x3E0];
	_ =	sdelay $0x4  }
0x6d: {  	v11 =	vtrunc.f32 v10  }
0x6e: {  	v11 =	vcvt.f32.s32 v11;
	_ =	sdelay $0x4  }
0x6f: {  	v12 =	vld [tilespmem:$0x82E0]  }
0x70: {  	[tilespmem:v11+s17+$0x0] =	vst.idx.add.f32.msk $0xff, v1  }
0x71: {  	v11 =	vld [tilespmem:$0x7C8];
	_ =	sdelay $0x1  }
0x72: {  	v13 =	vshrl.u32 v10, $0x10  }
0x73: {  	v13 =	vand.u32 $0x1, v13  }
0x74: {  	v10 =	vadd.s32 v13, v10  }
0x75: {  	v10 =	vadd.s32 $0x7FFF, v10;
	v43 =	vtrunc.f32 v11  }
0x76: {  	v10 =	vand.u32 $0xFFFF0000, v10;
	v13 =	vcvt.f32.s32 v43  }
0x77: {  	v10 =	vmul.f32 v10, v12  }
0x78: {  	v13 =	vadd.s32 $0x400, v13  }
0x79: {  	v10 =	vnsel vm0, $0x0, v10  }
0x7a: {  	v9 =	vadd.f32 v10, v9;
	_ =	sdelay $0x1  }
0x7b: {  	[tilespmem:$0x42F0] =	vst v9  }
0x7c: {  	[tilespmem:v13+s17+$0x0] =	vst.idx.add.f32.msk $0xff, v1  }
0x7d: {  	v44 =	vld [tilespmem:$0xBB0];
	_ =	sdelay $0x1  }
0x7e: {  	v45 =	vshrl.u32 v11, $0x10  }
0x7f: {  	v10 =	vand.u32 $0x1, v45  }
0x80: {  	v10 =	vadd.s32 v10, v11  }
0x81: {  	v10 =	vadd.s32 $0x7FFF, v10;
	v46 =	vtrunc.f32 v44  }
0x82: {  	v10 =	vand.u32 $0xFFFF0000, v10;
	v11 =	vcvt.f32.s32 v46  }
0x83: {  	v10 =	vmul.f32 v10, v12  }
0x84: {  	v11 =	vadd.s32 $0x800, v11  }
0x85: {  	v10 =	vnsel vm0, $0x0, v10  }
0x86: {  	v8 =	vadd.f32 v10, v8;
	_ =	sdelay $0x1  }
0x87: {  	[tilespmem:$0x46F0] =	vst v8  }
0x88: {  	[tilespmem:v11+s17+$0x0] =	vst.idx.add.f32.msk $0xff, v1  }
0x89: {  	v47 =	vld [tilespmem:$0xF98];
	_ =	sdelay $0x1  }
0x8a: {  	v48 =	vshrl.u32 v44, $0x10  }
0x8b: {  	v10 =	vand.u32 $0x1, v48  }
0x8c: {  	v9 =	vadd.s32 v10, v44  }
0x8d: {  	v9 =	vadd.s32 $0x7FFF, v9;
	v49 =	vtrunc.f32 v47  }
0x8e: {  	v9 =	vand.u32 $0xFFFF0000, v9;
	v10 =	vcvt.f32.s32 v49  }
0x8f: {  	v9 =	vmul.f32 v9, v12  }
0x90: {  	v10 =	vadd.s32 $0xC00, v10  }
0x91: {  	v9 =	vnsel vm0, $0x0, v9  }
0x92: {  	v7 =	vadd.f32 v9, v7;
	_ =	sdelay $0x1  }
0x93: {  	[tilespmem:$0x4AF0] =	vst v7  }
0x94: {  	[tilespmem:v10+s17+$0x0] =	vst.idx.add.f32.msk $0xff, v1  }
0x95: {  	v50 =	vld [tilespmem:$0x1380];
	_ =	sdelay $0x1  }
0x96: {  	v51 =	vshrl.u32 v47, $0x10  }
0x97: {  	v9 =	vand.u32 $0x1, v51  }
0x98: {  	v8 =	vadd.s32 v9, v47  }
0x99: {  	v8 =	vadd.s32 $0x7FFF, v8;
	v52 =	vtrunc.f32 v50  }
0x9a: {  	v8 =	vand.u32 $0xFFFF0000, v8;
	v9 =	vcvt.f32.s32 v52  }
0x9b: {  	v8 =	vmul.f32 v8, v12  }
0x9c: {  	v9 =	vadd.s32 $0x1000, v9  }
0x9d: {  	v8 =	vnsel vm0, $0x0, v8  }
0x9e: {  	v6 =	vadd.f32 v8, v6;
	_ =	sdelay $0x1  }
0x9f: {  	[tilespmem:$0x4EF0] =	vst v6  }
0xa0: {  	[tilespmem:v9+s17+$0x0] =	vst.idx.add.f32.msk $0xff, v1  }
0xa1: {  	v53 =	vld [tilespmem:$0x1768];
	_ =	sdelay $0x1  }
0xa2: {  	v54 =	vshrl.u32 v50, $0x10  }
0xa3: {  	v8 =	vand.u32 $0x1, v54  }
0xa4: {  	v7 =	vadd.s32 v8, v50  }
0xa5: {  	v7 =	vadd.s32 $0x7FFF, v7;
	v55 =	vtrunc.f32 v53  }
0xa6: {  	v7 =	vand.u32 $0xFFFF0000, v7;
	v8 =	vcvt.f32.s32 v55  }
0xa7: {  	v7 =	vmul.f32 v7, v12  }
0xa8: {  	v8 =	vadd.s32 $0x1400, v8  }
0xa9: {  	v7 =	vnsel vm0, $0x0, v7  }
0xaa: {  	v5 =	vadd.f32 v7, v5;
	_ =	sdelay $0x1  }
0xab: {  	[tilespmem:$0x52F0] =	vst v5  }
0xac: {  	[tilespmem:v8+s17+$0x0] =	vst.idx.add.f32.msk $0xff, v1  }
0xad: {  	v56 =	vld [tilespmem:$0x1B50];
	_ =	sdelay $0x1  }
0xae: {  	v57 =	vshrl.u32 v53, $0x10  }
0xaf: {  	v7 =	vand.u32 $0x1, v57  }
0xb0: {  	v6 =	vadd.s32 v7, v53  }
0xb1: {  	v6 =	vadd.s32 $0x7FFF, v6;
	v58 =	vtrunc.f32 v56  }
0xb2: {  	v6 =	vand.u32 $0xFFFF0000, v6;
	v7 =	vcvt.f32.s32 v58  }
0xb3: {  	v6 =	vmul.f32 v6, v12  }
0xb4: {  	v7 =	vadd.s32 $0x1800, v7  }
0xb5: {  	v6 =	vnsel vm0, $0x0, v6  }
0xb6: {  	v4 =	vadd.f32 v6, v4;
	_ =	sdelay $0x1  }
0xb7: {  	[tilespmem:$0x56F0] =	vst v4  }
0xb8: {  	[tilespmem:v7+s17+$0x0] =	vst.idx.add.f32.msk $0xff, v1  }
0xb9: {  	v59 =	vld [tilespmem:$0x1F38];
	_ =	sdelay $0x2  }
0xba: {  	v60 =	vshrl.u32 v56, $0x10  }
0xbb: {  	v6 =	vand.u32 $0x1, v60  }
0xbc: {  	v5 =	vadd.s32 v6, v56;
	v61 =	vshrl.u32 v59, $0x10  }
0xbd: {  	v5 =	vadd.s32 $0x7FFF, v5;
	v62 =	vtrunc.f32 v59;
	v6 =	vand.u32 $0x1, v61  }
0xbe: {  	v5 =	vand.u32 $0xFFFF0000, v5;
	v7 =	vcvt.f32.s32 v62;
	v4 =	vadd.s32 v6, v59  }
0xbf: {  	v5 =	vmul.f32 v5, v12;
	v4 =	vadd.s32 $0x7FFF, v4  }
0xc0: {  	v63 =	vadd.s32 $0x1C00, v7;
	v4 =	vand.u32 $0xFFFF0000, v4  }
0xc1: {  	v5 =	vnsel vm0, $0x0, v5;
	v4 =	vmul.f32 v4, v12  }
0xc2: {  	p1 =	sne.s32 s23, $0x3;
	v3 =	vadd.f32 v5, v3  }
.Ltmp4:
0xc3: {  	v4 =	vnsel vm0, $0x0, v4;
	(pc) =	sbr.rel @p1 .LBB2_8-.Ltmp4, $4  }
0xc4: {  	s24 =	sshll.u32 s23, $0xB;
	[tilespmem:$0x5AF0] =	vst v3;
	v2 =	vadd.f32 v4, v2  }
0xc5: {  	s24 =	sadd.s32 s8, s24;
	[tilespmem:v63+s17+$0x0] =	vst.idx.add.f32.msk $0xff, v1  }
0xc6: {  	s25 =	sadd.s32 s5, s24;
	[tilespmem:$0x5EF0] =	vst v2  }
0xc7: {  	[hbm4b:s25+s3] =	stream.linear.scatter [tilespmem:s17], [sflag:$0x3], $0x2000, $0x38;
	[tilespmem:$0x8300] =	vst v63  }
.Ltmp5:
0xc8: {  	(pc) =	sbr.rel .LBB2_9-.Ltmp5, $4  }
0xc9: {  	_ = 	snop  }
0xca: {  	_ =	swait.ge [sflag:s18], $0x1F40  }
0xcb: {  	[sflag:s18] =	ssyncset.done $0x0  }
0xcc: {  	[sflag:s18] =	ssyncadd.s32 $0xFFFFE0C0  }
.LBB2_8:
0xcd: {  	s25 =	sshll.u32 s23, $0x4  }
0xce: {  	s25 =	sadd.s32 s25, s9  }
0xcf: {  	s25 =	smul.u32 $0x7D, s25;
	_ =	sdelay $0x1  }
.Ltmp6:
0xd0: {  	s25 =	sadd.s32 s4, s25;
	(pc) =	sbr.rel @p0 .LBB2_10-.Ltmp6, $4  }
0xd1: {  	[tilespmem:s3], [sflag:$0x1] =	stream.linear.gather [hbm4b:s25+s3], $0x1F40, $0x38;
	[tilespmem:$0x8300] =	vst v63  }
0xd2: {  	_ =	swait.ge [sflag:s18], $0x1F40  }
0xd3: {  	[sflag:s18] =	ssyncset.done $0x0  }
0xd4: {  	[sflag:s18] =	ssyncadd.s32 $0xFFFFE0C0  }
.LBB2_9:
0xd5: {  	_ =	swait.ge [sflag:s19], $0x2000  }
0xd6: {  	[sflag:s19] =	ssyncset.done $0x0  }
0xd7: {  	[sflag:s19] =	ssyncadd.s32 $0xFFFFE000  }
.LBB2_10:
0xd8: {  	s25 =	simm.s32 $0x0;
	s28 =	simm.s32 $0x5F00;
	v2 =	vimm.f32 $0.0e+00  }
0xd9: {  	s29 =	simm.s32 $0x10;
	[tilespmem:s28+$0x0] =	vst v2;
	s26 =	sand.u32 $0x3F0, s25  }
.LBB2_11:
0xda: {  	p0 =	sne.s32 s29, $0x3E0;
	[tilespmem:s26+$0x6300] =	vst v2  }
0xdb: {  	[tilespmem:s26+$0x6700] =	vst v2  }
0xdc: {  	[tilespmem:s26+$0x6B00] =	vst v2  }
.Ltmp7:
0xdd: {  	[tilespmem:s26+$0x6F00] =	vst v2;
	(pc) =	sbr.rel @p0 .LBB2_11-.Ltmp7, $4  }
0xde: {  	[tilespmem:s26+$0x7300] =	vst v2  }
0xdf: {  	[tilespmem:s26+$0x7700] =	vst v2  }
0xe0: {  	s28 =	sadd.s32 $0x10, s28;
	[tilespmem:s26+$0x7B00] =	vst v2  }
0xe1: {  	s26 =	sand.u32 $0x3F0, s29;
	s29 =	sadd.s32 $0x10, s29;
	[tilespmem:s28+$0x0] =	vst v2  }
0xe2: {  	[tilespmem:s26+$0x6300] =	vst v2  }
0xe3: {  	[tilespmem:s26+$0x6700] =	vst v2  }
0xe4: {  	[tilespmem:s26+$0x6B00] =	vst v2  }
0xe5: {  	[tilespmem:s26+$0x6F00] =	vst v2  }
0xe6: {  	[tilespmem:s26+$0x7300] =	vst v2  }
0xe7: {  	[tilespmem:s26+$0x7700] =	vst v2;
	v3 =	vmov v2;
	v4 =	vmov v2  }
0xe8: {  	[tilespmem:s26+$0x7B00] =	vst v2;
	v5 =	vmovc v2;
	v6 =	vmovc v2;
	v7 =	vmov v2;
	v8 =	vmov v2;
	v9 =	vmov v2  }
.LBB2_13:
0xe9: {  	s26 =	sshra.s32 s25, $0x2  }
0xea: {  	v10 =	vld [tilespmem:s26+$0x1F80];
	_ =	sdelay $0x4  }
0xeb: {  	v11 =	vtrunc.f32 v10  }
0xec: {  	v11 =	vcvt.f32.s32 v11;
	_ =	sdelay $0x4  }
0xed: {  	v12 =	vld [tilespmem:s26+$0x7F00]  }
0xee: {  	[tilespmem:v11+s20+$0x0] =	vst.idx.add.f32.msk $0xffff, v1  }
0xef: {  	v11 =	vld [tilespmem:s26+$0x2368];
	_ =	sdelay $0x4  }
0xf0: {  	v13 =	vtrunc.f32 v11  }
0xf1: {  	v13 =	vcvt.f32.s32 v13;
	_ =	sdelay $0x1  }
0xf2: {  	v13 =	vadd.s32 $0x400, v13;
	_ =	sdelay $0x4  }
0xf3: {  	[tilespmem:v13+s20+$0x0] =	vst.idx.add.f32.msk $0xffff, v1  }
0xf4: {  	v13 =	vld [tilespmem:s26+$0x2750];
	_ =	sdelay $0x4  }
0xf5: {  	v14 =	vtrunc.f32 v13  }
0xf6: {  	v14 =	vcvt.f32.s32 v14;
	_ =	sdelay $0x1  }
0xf7: {  	v14 =	vadd.s32 $0x800, v14;
	_ =	sdelay $0x4  }
0xf8: {  	[tilespmem:v14+s20+$0x0] =	vst.idx.add.f32.msk $0xffff, v1  }
0xf9: {  	v14 =	vld [tilespmem:s26+$0x2B38];
	_ =	sdelay $0x4  }
0xfa: {  	v15 =	vtrunc.f32 v14  }
0xfb: {  	v15 =	vcvt.f32.s32 v15;
	_ =	sdelay $0x1  }
0xfc: {  	v15 =	vadd.s32 $0xC00, v15;
	_ =	sdelay $0x4  }
0xfd: {  	[tilespmem:v15+s20+$0x0] =	vst.idx.add.f32.msk $0xffff, v1  }
0xfe: {  	v15 =	vld [tilespmem:s26+$0x2F20];
	_ =	sdelay $0x4  }
0xff: {  	v16 =	vtrunc.f32 v15  }
0x100: {  	v16 =	vcvt.f32.s32 v16;
	_ =	sdelay $0x1  }
0x101: {  	v16 =	vadd.s32 $0x1000, v16;
	_ =	sdelay $0x4  }
0x102: {  	[tilespmem:v16+s20+$0x0] =	vst.idx.add.f32.msk $0xffff, v1  }
0x103: {  	v16 =	vld [tilespmem:s26+$0x3308];
	_ =	sdelay $0x4  }
0x104: {  	v17 =	vtrunc.f32 v16  }
0x105: {  	v17 =	vcvt.f32.s32 v17;
	_ =	sdelay $0x1  }
0x106: {  	v17 =	vadd.s32 $0x1400, v17;
	_ =	sdelay $0x4  }
0x107: {  	[tilespmem:v17+s20+$0x0] =	vst.idx.add.f32.msk $0xffff, v1  }
0x108: {  	v17 =	vld [tilespmem:s26+$0x36F0];
	_ =	sdelay $0x4  }
0x109: {  	v19 =	vshrl.u32 v10, $0x10;
	v18 =	vtrunc.f32 v17  }
0x10a: {  	v19 =	vand.u32 $0x1, v19;
	v18 =	vcvt.f32.s32 v18  }
0x10b: {  	v10 =	vadd.s32 v19, v10;
	v20 =	vshrl.u32 v11, $0x10  }
0x10c: {  	v20 =	vand.u32 $0x1, v20;
	v21 =	vshrl.u32 v13, $0x10;
	v18 =	vadd.s32 $0x1800, v18  }
0x10d: {  	v10 =	vadd.s32 $0x7FFF, v10;
	v11 =	vadd.s32 v20, v11;
	v57 =	vand.u32 $0x1, v21  }
0x10e: {  	v10 =	vand.u32 $0xFFFF0000, v10;
	v11 =	vadd.s32 $0x7FFF, v11;
	v13 =	vadd.s32 v57, v13  }
0x10f: {  	v10 =	vmul.f32 v10, v12;
	v11 =	vand.u32 $0xFFFF0000, v11;
	v13 =	vadd.s32 $0x7FFF, v13  }
0x110: {  	v11 =	vmul.f32 v11, v12;
	v13 =	vand.u32 $0xFFFF0000, v13  }
0x111: {  	v9 =	vadd.f32 v10, v9;
	v13 =	vmul.f32 v13, v12;
	v58 =	vshrl.u32 v14, $0x10;
	[tilespmem:v18+s20+$0x0] =	vst.idx.add.f32.msk $0xffff, v1  }
0x112: {  	v8 =	vadd.f32 v11, v8;
	v10 =	vand.u32 $0x1, v58;
	v59 =	vshrl.u32 v15, $0x10;
	v11 =	vld [tilespmem:s26+$0x3AD8]  }
0x113: {  	v7 =	vadd.f32 v13, v7;
	v10 =	vadd.s32 v10, v14;
	v13 =	vand.u32 $0x1, v59  }
0x114: {  	v10 =	vadd.s32 $0x7FFF, v10;
	v13 =	vadd.s32 v13, v15  }
0x115: {  	v10 =	vand.u32 $0xFFFF0000, v10;
	v13 =	vadd.s32 $0x7FFF, v13;
	v60 =	vshrl.u32 v16, $0x10  }
0x116: {  	v10 =	vmul.f32 v10, v12;
	v13 =	vand.u32 $0xFFFF0000, v13;
	v14 =	vand.u32 $0x1, v60  }
0x117: {  	v14 =	vadd.s32 v14, v16;
	v61 =	vshrl.u32 v17, $0x10;
	v62 =	vtrunc.f32 v11  }
0x118: {  	v15 =	vand.u32 $0x1, v61;
	v63 =	vshrl.u32 v11, $0x10;
	v16 =	vcvt.f32.s32 v62  }
0x119: {  	v13 =	vmul.f32 v13, v12;
	v15 =	vadd.s32 v15, v17;
	v17 =	vand.u32 $0x1, v63  }
0x11a: {  	p0 =	sne.s32 s25, $0xF40;
	v14 =	vadd.s32 $0x7FFF, v14;
	v11 =	vadd.s32 v17, v11;
	v16 =	vadd.s32 $0x1C00, v16  }
.Ltmp8:
0x11b: {  	v14 =	vand.u32 $0xFFFF0000, v14;
	v15 =	vadd.s32 $0x7FFF, v15;
	v11 =	vadd.s32 $0x7FFF, v11;
	(pc) =	sbr.rel @p0 .LBB2_13-.Ltmp8, $4  }
0x11c: {  	v14 =	vmul.f32 v14, v12;
	v15 =	vand.u32 $0xFFFF0000, v15;
	v11 =	vand.u32 $0xFFFF0000, v11  }
0x11d: {  	v6 =	vadd.f32 v10, v6;
	v10 =	vmul.f32 v15, v12;
	v11 =	vmul.f32 v11, v12  }
0x11e: {  	v5 =	vadd.f32 v13, v5;
	v4 =	vadd.f32 v14, v4  }
0x11f: {  	s25 =	sadd.s32 $0x40, s25;
	v3 =	vadd.f32 v10, v3;
	v2 =	vadd.f32 v11, v2;
	[tilespmem:v16+s20+$0x0] =	vst.idx.add.f32.msk $0xffff, v1  }
0x120: {  	v10 =	vld [tilespmem:$0x2360];
	_ =	sdelay $0x4  }
0x121: {  	v11 =	vtrunc.f32 v10  }
0x122: {  	v11 =	vcvt.f32.s32 v11;
	_ =	sdelay $0x4  }
0x123: {  	v12 =	vld [tilespmem:$0x82E0]  }
0x124: {  	[tilespmem:v11+s20+$0x0] =	vst.idx.add.f32.msk $0xff, v1  }
0x125: {  	v11 =	vld [tilespmem:$0x2748];
	_ =	sdelay $0x1  }
0x126: {  	v13 =	vshrl.u32 v10, $0x10  }
0x127: {  	v13 =	vand.u32 $0x1, v13  }
0x128: {  	v10 =	vadd.s32 v13, v10  }
0x129: {  	v10 =	vadd.s32 $0x7FFF, v10;
	v43 =	vtrunc.f32 v11  }
0x12a: {  	v10 =	vand.u32 $0xFFFF0000, v10;
	v13 =	vcvt.f32.s32 v43  }
0x12b: {  	v10 =	vmul.f32 v10, v12  }
0x12c: {  	v13 =	vadd.s32 $0x400, v13  }
0x12d: {  	v10 =	vnsel vm0, $0x0, v10  }
0x12e: {  	v9 =	vadd.f32 v10, v9;
	_ =	sdelay $0x1  }
0x12f: {  	[tilespmem:$0x62F0] =	vst v9  }
0x130: {  	[tilespmem:v13+s20+$0x0] =	vst.idx.add.f32.msk $0xff, v1  }
0x131: {  	v44 =	vld [tilespmem:$0x2B30];
	_ =	sdelay $0x1  }
0x132: {  	v45 =	vshrl.u32 v11, $0x10  }
0x133: {  	v10 =	vand.u32 $0x1, v45  }
0x134: {  	v10 =	vadd.s32 v10, v11  }
0x135: {  	v10 =	vadd.s32 $0x7FFF, v10;
	v46 =	vtrunc.f32 v44  }
0x136: {  	v10 =	vand.u32 $0xFFFF0000, v10;
	v11 =	vcvt.f32.s32 v46  }
0x137: {  	v10 =	vmul.f32 v10, v12  }
0x138: {  	v11 =	vadd.s32 $0x800, v11  }
0x139: {  	v10 =	vnsel vm0, $0x0, v10  }
0x13a: {  	v8 =	vadd.f32 v10, v8;
	_ =	sdelay $0x1  }
0x13b: {  	[tilespmem:$0x66F0] =	vst v8  }
0x13c: {  	[tilespmem:v11+s20+$0x0] =	vst.idx.add.f32.msk $0xff, v1  }
0x13d: {  	v47 =	vld [tilespmem:$0x2F18];
	_ =	sdelay $0x1  }
0x13e: {  	v48 =	vshrl.u32 v44, $0x10  }
0x13f: {  	v10 =	vand.u32 $0x1, v48  }
0x140: {  	v9 =	vadd.s32 v10, v44  }
0x141: {  	v9 =	vadd.s32 $0x7FFF, v9;
	v49 =	vtrunc.f32 v47  }
0x142: {  	v9 =	vand.u32 $0xFFFF0000, v9;
	v10 =	vcvt.f32.s32 v49  }
0x143: {  	v9 =	vmul.f32 v9, v12  }
0x144: {  	v10 =	vadd.s32 $0xC00, v10  }
0x145: {  	v9 =	vnsel vm0, $0x0, v9  }
0x146: {  	v7 =	vadd.f32 v9, v7;
	_ =	sdelay $0x1  }
0x147: {  	[tilespmem:$0x6AF0] =	vst v7  }
0x148: {  	[tilespmem:v10+s20+$0x0] =	vst.idx.add.f32.msk $0xff, v1  }
0x149: {  	v50 =	vld [tilespmem:$0x3300];
	_ =	sdelay $0x1  }
0x14a: {  	v51 =	vshrl.u32 v47, $0x10  }
0x14b: {  	v9 =	vand.u32 $0x1, v51  }
0x14c: {  	v8 =	vadd.s32 v9, v47  }
0x14d: {  	v8 =	vadd.s32 $0x7FFF, v8;
	v52 =	vtrunc.f32 v50  }
0x14e: {  	v8 =	vand.u32 $0xFFFF0000, v8;
	v9 =	vcvt.f32.s32 v52  }
0x14f: {  	v8 =	vmul.f32 v8, v12  }
0x150: {  	v9 =	vadd.s32 $0x1000, v9  }
0x151: {  	v8 =	vnsel vm0, $0x0, v8  }
0x152: {  	v6 =	vadd.f32 v8, v6;
	_ =	sdelay $0x1  }
0x153: {  	[tilespmem:$0x6EF0] =	vst v6  }
0x154: {  	[tilespmem:v9+s20+$0x0] =	vst.idx.add.f32.msk $0xff, v1  }
0x155: {  	v53 =	vld [tilespmem:$0x36E8];
	_ =	sdelay $0x1  }
0x156: {  	v54 =	vshrl.u32 v50, $0x10  }
0x157: {  	v8 =	vand.u32 $0x1, v54  }
0x158: {  	v7 =	vadd.s32 v8, v50  }
0x159: {  	v7 =	vadd.s32 $0x7FFF, v7;
	v55 =	vtrunc.f32 v53  }
0x15a: {  	v7 =	vand.u32 $0xFFFF0000, v7;
	v8 =	vcvt.f32.s32 v55  }
0x15b: {  	v7 =	vmul.f32 v7, v12  }
0x15c: {  	v8 =	vadd.s32 $0x1400, v8  }
0x15d: {  	v7 =	vnsel vm0, $0x0, v7  }
0x15e: {  	v5 =	vadd.f32 v7, v5;
	_ =	sdelay $0x1  }
0x15f: {  	[tilespmem:$0x72F0] =	vst v5  }
0x160: {  	[tilespmem:v8+s20+$0x0] =	vst.idx.add.f32.msk $0xff, v1  }
0x161: {  	v56 =	vld [tilespmem:$0x3AD0];
	_ =	sdelay $0x1  }
0x162: {  	v57 =	vshrl.u32 v53, $0x10  }
0x163: {  	v7 =	vand.u32 $0x1, v57  }
0x164: {  	v6 =	vadd.s32 v7, v53  }
0x165: {  	v6 =	vadd.s32 $0x7FFF, v6;
	v58 =	vtrunc.f32 v56  }
0x166: {  	v6 =	vand.u32 $0xFFFF0000, v6;
	v7 =	vcvt.f32.s32 v58  }
0x167: {  	v6 =	vmul.f32 v6, v12  }
0x168: {  	v7 =	vadd.s32 $0x1800, v7  }
0x169: {  	v6 =	vnsel vm0, $0x0, v6  }
0x16a: {  	v4 =	vadd.f32 v6, v4;
	_ =	sdelay $0x1  }
0x16b: {  	[tilespmem:$0x76F0] =	vst v4  }
0x16c: {  	[tilespmem:v7+s20+$0x0] =	vst.idx.add.f32.msk $0xff, v1  }
0x16d: {  	v59 =	vld [tilespmem:$0x3EB8];
	_ =	sdelay $0x2  }
0x16e: {  	v60 =	vshrl.u32 v56, $0x10  }
0x16f: {  	v6 =	vand.u32 $0x1, v60  }
0x170: {  	v5 =	vadd.s32 v6, v56;
	v61 =	vshrl.u32 v59, $0x10  }
0x171: {  	v5 =	vadd.s32 $0x7FFF, v5;
	v62 =	vtrunc.f32 v59;
	v6 =	vand.u32 $0x1, v61  }
0x172: {  	v5 =	vand.u32 $0xFFFF0000, v5;
	v7 =	vcvt.f32.s32 v62;
	v4 =	vadd.s32 v6, v59  }
0x173: {  	v5 =	vmul.f32 v5, v12;
	v4 =	vadd.s32 $0x7FFF, v4  }
0x174: {  	v63 =	vadd.s32 $0x1C00, v7;
	v4 =	vand.u32 $0xFFFF0000, v4  }
0x175: {  	v5 =	vnsel vm0, $0x0, v5;
	v4 =	vmul.f32 v4, v12  }
0x176: {  	p0 =	seq.s32 s23, $0x3;
	v3 =	vadd.f32 v5, v3  }
.Ltmp9:
0x177: {  	v4 =	vnsel vm0, $0x0, v4;
	(pc) =	sbr.rel @p0 .LBB2_16-.Ltmp9, $4  }
0x178: {  	[tilespmem:$0x7AF0] =	vst v3;
	v2 =	vadd.f32 v4, v2  }
0x179: {  	[tilespmem:v63+s20+$0x0] =	vst.idx.add.f32.msk $0xff, v1  }
0x17a: {  	s24 =	sadd.s32 s24, s10;
	[tilespmem:$0x7EF0] =	vst v2  }
0x17b: {  	[hbm4b:s24+s3] =	stream.linear.scatter [tilespmem:s20], [sflag:$0x4], $0x2000, $0x38;
	[tilespmem:$0x8300] =	vst v63  }
0x17c: {  	s24 =	sshll.u32 s23, $0x4  }
.Ltmp10:
0x17d: {  	s24 =	sadd.s32 s24, s11;
	(pc) =	sbr.rel .LBB2_2-.Ltmp10, $3  }
0x17e: {  	s24 =	smul.u32 $0x7D, s24;
	_ =	sdelay $0x1  }
0x17f: {  	s23 =	sadd.s32 $0x1, s23;
	s24 =	sadd.s32 s4, s24  }
0x180: {  	[tilespmem:s15], [sflag:$0x2] =	stream.linear.gather [hbm4b:s24+s3], $0x1F40, $0x38;
	[tilespmem:$0x8300] =	vst v63  }
.LBB2_17:
0x181: {  	_ =	sfence.sel $0x180000  }
0x182: {  	[bflag:$0x0] =	sbarrier.arrive $0xFFFF  }
0x183: {  	p0 =	sne.s32 s0, $0x0;
	_ =	strace $0x90000047  }
0x184: {  	s0 =	sadd.s32 @!p0 $0x100000, s1;
	[bflag:$0x2] =	sbarrier.arrive $0xFFFF  }
0x185: {  	[sflag:s0] =	ssyncadd.tile.s32 @!p0 $0x1;
	_ =	shalt  }
.Lfunc_end2:
_tile_overlayer_lowered:
.L_overlay_start_2:
0x186: {  	(tag) =	ssettag $0x2  }
0x187: {  	s0 =	rddreg [dreg:$0x0];
	s2 =	stileid.u32  }
0x188: {  	s1 =	rddreg [dreg:$0x1];
	p0 =	sne.s32 s2, $0x0  }
0x189: {  	s3 =	rddreg [dreg:$0x2];
	[bflag:$0x3] =	sbarrier.arrive $0xFFFF;
	s2 =	simm.s32 @!p0 $0x1C05  }
0x18a: {  	[timem:s3], [sflag:s2] =	dma.local @!p0 [hbm:s0], s1  }
0x18b: {  	s0 =	simm.s32 @!p0 $0x5  }
0x18c: {  	_ =	swait.ge @!p0 [sflag:s0], s1  }
0x18d: {  	s1 =	ssub.s32 @!p0 $0x0, s1;
	[sflag:s0] =	ssyncset.done @!p0 $0x0  }
0x18e: {  	[sflag:s0] =	ssyncadd.s32 @!p0 s1  }
0x18f: {  	[bflag:$0x3] =	sbarrier.arrive $0xFFFF  }
0x190: {  	_ =	shalt  }

// kernel: kernel.9.cloned.1.call-start
scs
__scs_entry_jumppad:
0x0: {  	(pc) =	sbr.rel $0x88, $3  }
0x1: {  	(tag) =	ssettag $0x0;
	lr =	simm.s32 $0x1  }
0x2: {  	[smem:$0x3F9D] =	sst lr;
	_ =	strace $0xD0000000  }
0x3: {  	_ = 	snop  }
0x4: {  	_ = 	snop  }
0x5: {  	_ = 	snop  }
0x6: {  	_ = 	snop  }
0x7: {  	_ = 	snop  }
__scs_overlays_trampoline_lowered:
0x8: {  	[smem:$0x3FAC] =	sst s0  }
0x9: {  	[smem:$0x3FAD] =	sst s1  }
0xa: {  	[smem:$0x3FAE] =	sst s2  }
0xb: {  	[smem:$0x3FAF] =	sst s3  }
0xc: {  	[smem:$0x3FB0] =	sst s4  }
0xd: {  	[smem:$0x3FB1] =	sst s5  }
0xe: {  	[smem:$0x3FB2] =	sst s6  }
0xf: {  	[smem:$0x3FB3] =	sst s7  }
0x10: {  	[smem:$0x3FB4] =	sst s8  }
0x11: {  	[smem:$0x3FB5] =	sst s9;
	s0 =	simm.s32 @!p0 $0x0  }
0x12: {  	s1 =	sld [smem:$0x3F9B];
	s0 =	simm.s32 @p0 $0x1  }
0x13: {  	[smem:$0x3FB6] =	sst s0;
	s0 =	simm.s32 @!p1 $0x0  }
0x14: {  	s2 =	sld [smem:$0x3F9A];
	s0 =	simm.s32 @p1 $0x1  }
0x15: {  	[smem:$0x3FB7] =	sst s0;
	s0 =	simm.s32 @!p2 $0x0  }
0x16: {  	s3 =	sld [smem:$0x3FDB];
	s0 =	simm.s32 @p2 $0x1  }
0x17: {  	s4 =	simm.s32 $0x1BF5;
	[smem:$0x3FB9] =	sst s0  }
0x18: {  	s0 =	sld [smem:$0x3F9C];
	_ =	swait.ge [sflag:s4], $0x0  }
0x19: {  	s7 =	sld [smem:$0x3F9D]  }
0x1a: {  	s8 =	sadd.s32 $0xFFFFE003, lr  }
0x1b: {  	s9 =	sadd.s32 $0xFFFFFEF7, lr;
	s5 =	simm.s32 $0xFFFFFFFF;
	p2 =	slt.u32 s8, $0xFFFFF086  }
0x1c: {  	p1 =	slt.u32 s9, $0xF7A;
	s5 =	simm.s32 @!p2 $0x0  }
0x1d: {  	s5 =	simm.s32 @p1 $0x1;
	p0 =	seq.s32 s7, s2  }
0x1e: {  	s7 =	smul.u32 @!p0 $0xF7A, s2;
	p2 =	seq.s32 @!p0 s5, $0x0  }
0x1f: {  	s9 =	smul.u32 $0xF7A, s1;
	s8 =	simm.s32 @!p0 $0x1BF5;
	p2 =	por !p2, p0  }
0x20: {  	[sflag:s8] =	ssyncset.s32 @!p0 $0xFFFFF086;
	s6 =	sadd.s32 @!p0 s3, s7;
	s7 =	simm.s32 @!p0 $0x108  }
0x21: {  	s3 =	sadd.s32 s3, s9;
	s6 =	sadd.s32 @!p0 $0x88, s6;
	s7 =	simm.s32 @p2 $0x1082  }
0x22: {  	[simem:s7], [sflag:s8] =	dma.local @!p0 [hbm:s6], $0xF7A  }
0x23: {  	s9 =	sor.u32 $0xD0000000, s2;
	s6 =	simm.s32 $0x108;
	_ =	swait.ge @!p0 [sflag:s8], $0x0  }
0x24: {  	s3 =	sadd.s32 $0x88, s3;
	s6 =	simm.s32 @!p1 $0x1082;
	[sflag:s4] =	ssyncset.s32 $0xFFFFF086  }
0x25: {  	[simem:s6], [sflag:s4] =	dma.local [hbm:s3], $0xF7A  }
0x26: {  	[smem:$0x3F9D] =	sst s1;
	(tag) =	ssettag s2;
	_ =	strace s9  }
0x27: {  	s1 =	sld [smem:$0x3FAD]  }
0x28: {  	s2 =	sld [smem:$0x3FAE]  }
0x29: {  	s4 =	sld [smem:$0x3FB0]  }
0x2a: {  	p0 =	seq.s32 s5, $0x0;
	s5 =	sld [smem:$0x3FB1]  }
0x2b: {  	s6 =	sld [smem:$0x3FB2]  }
0x2c: {  	s7 =	sld [smem:$0x3FB3]  }
0x2d: {  	s3 =	simm.s32 $0x108;
	s8 =	sld [smem:$0x3FB4]  }
0x2e: {  	s3 =	simm.s32 @!p0 $0x1082;
	s9 =	sld [smem:$0x3FB5]  }
0x2f: {  	lr =	sadd.s32 s0, s3;
	s0 =	sld [smem:$0x3FAC]  }
0x30: {  	s3 =	sld [smem:$0x3FAF]  }
0x31: {  	[smem:$0x3FB8] =	sst s10  }
0x32: {  	s10 =	sld [smem:$0x3FB6];
	_ =	sdelay $0x3  }
0x33: {  	p0 =	seq.s32 s10, $0x1;
	s10 =	sld [smem:$0x3FB8];
	_ =	sdelay $0x3  }
0x34: {  	[smem:$0x3FB8] =	sst s10  }
0x35: {  	s10 =	sld [smem:$0x3FB7];
	_ =	sdelay $0x3  }
0x36: {  	p1 =	seq.s32 s10, $0x1;
	s10 =	sld [smem:$0x3FB8];
	_ =	sdelay $0x3  }
0x37: {  	[smem:$0x3FB8] =	sst s10  }
0x38: {  	s10 =	sld [smem:$0x3FB9]  }
0x39: {  	_ = 	snop;
	(pc) =	sbr.ind lr, $3  }
0x3a: {  	_ = 	snop  }
0x3b: {  	_ = 	snop  }
0x3c: {  	p2 =	seq.s32 s10, $0x1;
	s10 =	sld [smem:$0x3FB8]  }
0x3d: {  	_ =	shalt  }
0x3e: {  	_ =	shalt  }
0x3f: {  	_ =	shalt  }
0x40: {  	_ =	shalt  }
0x41: {  	_ =	shalt  }
0x42: {  	_ =	shalt  }
0x43: {  	_ =	shalt  }
0x44: {  	_ =	shalt  }
0x45: {  	_ =	shalt  }
0x46: {  	_ =	shalt  }
0x47: {  	_ =	shalt  }
0x48: {  	_ =	shalt  }
0x49: {  	_ =	shalt  }
0x4a: {  	_ =	shalt  }
0x4b: {  	_ =	shalt  }
0x4c: {  	_ =	shalt  }
0x4d: {  	_ =	shalt  }
0x4e: {  	_ =	shalt  }
0x4f: {  	_ =	shalt  }
0x50: {  	_ =	shalt  }
0x51: {  	_ =	shalt  }
0x52: {  	_ =	shalt  }
0x53: {  	_ =	shalt  }
0x54: {  	_ =	shalt  }
0x55: {  	_ =	shalt  }
0x56: {  	_ =	shalt  }
0x57: {  	_ =	shalt  }
0x58: {  	_ =	shalt  }
0x59: {  	_ =	shalt  }
0x5a: {  	_ =	shalt  }
0x5b: {  	_ =	shalt  }
0x5c: {  	_ =	shalt  }
0x5d: {  	_ =	shalt  }
0x5e: {  	_ =	shalt  }
0x5f: {  	_ =	shalt  }
0x60: {  	_ =	shalt  }
0x61: {  	_ =	shalt  }
0x62: {  	_ =	shalt  }
0x63: {  	_ =	shalt  }
0x64: {  	_ =	shalt  }
0x65: {  	_ =	shalt  }
0x66: {  	_ =	shalt  }
0x67: {  	_ =	shalt  }
0x68: {  	_ =	shalt  }
0x69: {  	_ =	shalt  }
0x6a: {  	_ =	shalt  }
0x6b: {  	_ =	shalt  }
0x6c: {  	_ =	shalt  }
0x6d: {  	_ =	shalt  }
0x6e: {  	_ =	shalt  }
0x6f: {  	_ =	shalt  }
0x70: {  	_ =	shalt  }
0x71: {  	_ =	shalt  }
0x72: {  	_ =	shalt  }
0x73: {  	_ =	shalt  }
0x74: {  	_ =	shalt  }
0x75: {  	_ =	shalt  }
0x76: {  	_ =	shalt  }
0x77: {  	_ =	shalt  }
0x78: {  	_ =	shalt  }
0x79: {  	_ =	shalt  }
0x7a: {  	_ =	shalt  }
0x7b: {  	_ =	shalt  }
0x7c: {  	_ =	shalt  }
0x7d: {  	_ =	shalt  }
0x7e: {  	_ =	shalt  }
0x7f: {  	_ =	shalt  }
0x80: {  	_ =	shalt  }
0x81: {  	_ =	shalt  }
0x82: {  	_ =	shalt  }
0x83: {  	_ =	shalt  }
0x84: {  	_ =	shalt  }
0x85: {  	_ =	shalt  }
0x86: {  	_ =	shalt  }
0x87: {  	_ =	shalt  }
.Lfunc_end0:
.L_simem_size_0:
called_computation.1_lowered:
.L_overlay_start_0:
0x88: {  	s2 =	sld [smem:$0x3FD9]  }
0x89: {  	s3 =	sld [smem:$0x3FFE];
	_ =	sdelay $0x1  }
0x8a: {  	s1 =	srdreg.scid  }
0x8b: {  	s0 =	sand.u32 $0x1, s1  }
0x8c: {  	s17 =	sshll.u32 s0, $0xA;
	s2 =	sadd.s32 s3, s2  }
0x8d: {  	s2 =	sadd.s32 s2, s17  }
0x8e: {  	[smem:$0x3FC4] =	sst s2  }
0x8f: {  	_ = 	snop  }
0x90: {  	s18 =	sld [smem:$0x3FD0];
	(tm) =	ssettm $0x1  }
0x91: {  	s19 =	sld [smem:$0x3FFB];
	_ =	sdelay $0x3  }
0x92: {  	_ =	strace s19  }
0x93: {  	s2 =	sld [smem:$0x3FFC];
	_ =	sdelay $0x3  }
0x94: {  	_ =	strace s2  }
0x95: {  	s2 =	sld [smem:$0x3FFD];
	_ =	sdelay $0x3  }
0x96: {  	_ =	strace s2  }
0x97: {  	_ =	strace $0x8FFFFFFF  }
0x98: {  	s20 =	sld [smem:$0x3FDB];
	_ =	sdelay $0x1  }
0x99: {  	s4 =	simm.s32 $_scs_section_size  }
0x9a: {  	s5 =	simm.s32 $_size__tile_overlayer_lowered;
	s6 =	simm.s32 $_tile_overlayer_lowered  }
0x9b: {  	s7 =	simm.s32 $0x1BFF;
	s21 =	sshll.u32 s6, $0x1;
	s4 =	sadd.s32 s4, s20  }
0x9c: {  	s22 =	simm.s32 $0x0;
	s5 =	sshll.u32 s5, $0x1;
	s6 =	sadd.s32 s21, s4  }
0x9d: {  	[timem:s22], [sflag:s7] =	dma.local [hbm:s6], s5  }
0x9e: {  	_ =	swait.ge [sflag:s7], s5  }
0x9f: {  	s5 =	ssub.s32 $0x0, s5;
	[sflag:s7] =	ssyncset.done $0x0  }
0xa0: {  	[sflag:s7] =	ssyncadd.s32 s5;
	_ =	sdelay $0x1  }
0xa1: {  	s23 =	simm.s32 $0x1B8B  }
0xa2: {  	_ =	swait.ge [sflag:s23], $0x1  }
0xa3: {  	[sflag:s23] =	ssyncset.done $0x0  }
0xa4: {  	[sflag:s23] =	ssyncadd.s32 $0xFFFFFFFF  }
0xa5: {  	s5 =	sld [smem:$0x0]  }
0xa6: {  	s6 =	sand.u32 $0xFFFFFFFE, s1  }
0xa7: {  	p0 =	sne.s32 s1, s6  }
0xa8: {  	s6 =	sshll.u32 @p0 s6, $0xE  }
0xa9: {  	s6 =	sadd.s32 @p0 $0x11B8D, s6;
	s7 =	sshll.u32 @p0 s5, $0x11  }
0xaa: {  	s6 =	sor.u32 @p0 s7, s6  }
0xab: {  	[sflag:s6] =	ssyncadd.remote.s32 @p0 $0x1;
	_ =	sdelay $0x1  }
0xac: {  	s6 =	simm.s32 @p0 $0x1B8D  }
0xad: {  	_ =	swait.eq @p0 [sflag:s6], $0x1  }
0xae: {  	[sflag:s6] =	ssyncadd.s32 @p0 $0xFFFFFFFF  }
0xaf: {  	s7 =	sshll.u32 @!p0 s1, $0xE  }
0xb0: {  	s7 =	sor.u32 @!p0 $0x4000, s7;
	s6 =	simm.s32 @!p0 $0x1B8D  }
0xb1: {  	s5 =	sshll.u32 @!p0 s5, $0x11;
	s7 =	sadd.s32 @!p0 $0x11B8D, s7;
	_ =	swait.eq @!p0 [sflag:s6], $0x1  }
0xb2: {  	s5 =	sor.u32 @!p0 s5, s7;
	[sflag:s6] =	ssyncadd.s32 @!p0 $0xFFFFFFFF  }
0xb3: {  	s25 =	simm.s32 $0x1B8E;
	s24 =	sld [smem:$0x3FFE];
	[sflag:s5] =	ssyncadd.remote.s32 @!p0 $0x1  }
0xb4: {  	s26 =	simm.s32 $execute0_lowered;
	[smem:$0x3FD2] =	sst s25  }
0xb5: {  	s6 =	sshll.u32 s26, $0x1;
	_ =	strace $0x80000049;
	[dreg:$0x1] =	wrdreg $0xFFFFFFFF  }
0xb6: {  	s28 =	simm.s32 $_size_execute0_lowered;
	s4 =	sadd.s32 s4, s6;
	[dreg:$0x0] =	wrdreg $0x0  }
0xb7: {  	s6 =	sshll.u32 s28, $0x1;
	[dreg:$0x2] =	wrdreg s4  }
0xb8: {  	[dreg:$0x3] =	wrdreg s6  }
0xb9: {  	[dreg:$0x4] =	wrdreg $0xC0  }
0xba: {  	_ =	task [dreg:s22], $0x5FFFF  }
0xbb: {  	[dreg:$0x1] =	wrdreg $0xFFFFFFFF  }
0xbc: {  	[dreg:$0x0] =	wrdreg $0x60  }
0xbd: {  	[dreg:$0x2] =	wrdreg s24  }
0xbe: {  	[dreg:$0x3] =	wrdreg s18  }
0xbf: {  	[dreg:$0x4] =	wrdreg $0xA  }
0xc0: {  	_ =	task.clear_ibuf [dreg:s22], $0x5FFFF;
	_ =	strace $0x90000049  }
0xc1: {  	s29 =	simm.s32 $0xA;
	_ =	strace $0x8000004B  }
0xc2: {  	_ =	swait.ge [sflag:s29], $0x1  }
0xc3: {  	[sflag:s29] =	ssyncadd.s32 $0xFFFFFFFF  }
0xc4: {  	_ =	strace $0x9000004B  }
0xc5: {  	_ =	sfence  }
0xc6: {  	s30 =	sld [smem:$0x0];
	_ =	sdelay $0x2  }
0xc7: {  	s31 =	sshll.u32 s1, $0xD;
	s1 =	sshrl.u32 s1, $0x2  }
0xc8: {  	s4 =	sand.u32 $0x4000, s31;
	s1 =	sadd.s32 s1, s30  }
0xc9: {  	s0 =	sor.u32 s4, s0;
	s1 =	sshll.u32 s1, $0x11  }
0xca: {  	s0 =	sor.u32 s1, s0  }
0xcb: {  	s0 =	sadd.s32 $0x8F2B, s0  }
0xcc: {  	[sflag:s0] =	ssyncadd.remote.s32 $0x1  }
0xcd: {  	_ =	sfence.sel $0xFFFF  }
0xce: {  	[dreg:$0x0] =	wrdreg $0xFFFFFFFF;
	(pc) =	sbr.abs _section_cstart, $3  }
0xcf: {  	[dreg:$0x1] =	wrdreg $0xFFFFFFFF  }
0xd0: {  	_ =	task.clear_ibuf [dreg:s22], $0x2FFFF;
	_ =	strace $0x9FFFFFFF  }
0xd1: {  	(tm) =	ssettm $0x7FFFFFFF  }
tec
execute0_lowered:
.L_overlay_start_1:
0x0: {  	(tag) =	ssettag $0x1  }
0x1: {  	s1 =	srdreg.scid;
	s10 =	rddreg [dreg:$0x0]  }
0x2: {  	s0 =	stileid.u32;
	s2 =	rddreg [dreg:$0x1]  }
0x3: {  	s3 =	simm.s32 $0x0;
	s13 =	simm.s32 $0x7F00;
	s14 =	simm.s32 $0x5  }
0x4: {  	s15 =	simm.s32 $0x1F80;
	s16 =	simm.s32 $0x1;
	s17 =	simm.s32 $0x3F00  }
0x5: {  	s18 =	simm.s32 $0x2;
	s19 =	simm.s32 $0x4;
	s6 =	sand.u32 $0x1, s1  }
0x6: {  	s20 =	simm.s32 $0x5F00;
	s4 =	sshll.u32 s0, $0x7;
	s5 =	sshll.u32 s6, $0x6  }
0x7: {  	s21 =	simm.s32 $0x3;
	s1 =	rddreg [dreg:$0x2];
	s11 =	sor.u32 s5, s4  }
0x8: {  	s22 =	simm.s32 $0x0;
	[smem:$0x7FF] =	sst s3;
	s7 =	smul.u32 $0x3E8, s11  }
0x9: {  	_ =	strace $0x8000004A;
	s6 =	ssub.s32 $0x2, s6;
	s8 =	smul.u32 $0x7D, s11  }
.Ltmp0:
0xa: {  	s4 =	sadd.s32 $0xC00, s10;
	s9 =	sshrl.u32 s6, $0x1;
	(pc) =	sbr.rel .LBB2_1-.Ltmp0, $4  }
0xb: {  	s5 =	sadd.s32 $0xBDC00, s10;
	s10 =	sadd.s32 $0xBE000, s10;
	s12 =	ssub.s32 s6, s9  }
0xc: {  	s9 =	sor.u32 $0x810, s11;
	s7 =	sshrl.u32 s7, $0x3;
	s8 =	sadd.s32 s4, s8  }
0xd: {  	s12 =	smax.u32 s12, $0x1;
	s7 =	sadd.s32 s4, s7;
	s6 =	sadd.s32 $0x3E800, s8  }
0xe: {  	v0 =	vimm.f32 $0.0e+00;
	v1 =	vimm.f32 $1.000000000e+00;
	vm0 =	vmmov $0xff;
	s8 =	sshll.u32 s11, $0x7;
	s11 =	sor.u32 $0x818, s11;
	s7 =	sadd.s32 $0x3EBE8, s7  }
.LBB2_16:
0xf: {  	s22 =	sadd.s32 $0x1, s22  }
0x10: {  	_ =	swait.ge [sflag:s21], $0x2000;
	p0 =	sne.s32 s22, s12  }
.Ltmp1:
0x11: {  	[sflag:s21] =	ssyncset.done $0x0;
	(pc) =	sbr.rel @!p0 .LBB2_17-.Ltmp1, $4  }
0x12: {  	[sflag:s21] =	ssyncadd.s32 $0xFFFFE000  }
0x13: {  	_ =	swait.ge [sflag:s19], $0x2000  }
0x14: {  	[sflag:s19] =	ssyncset.done $0x0  }
0x15: {  	[sflag:s19] =	ssyncadd.s32 $0xFFFFE000  }
.LBB2_1:
0x16: {  	[tilespmem:s13], [sflag:$0x5] =	stream.linear.gather [hbm4b:s2+s3], $0x400, $0x38;
	[tilespmem:$0x8300] =	vst v63  }
0x17: {  	_ =	swait.ge [sflag:s14], $0x400  }
0x18: {  	[sflag:s14] =	ssyncset.done $0x0  }
0x19: {  	[sflag:s14] =	ssyncadd.s32 $0xFFFFFC00  }
0x1a: {  	[tilespmem:$0x1F40] =	vst v0  }
0x1b: {  	[tilespmem:$0x3EC0] =	vst v0  }
0x1c: {  	[tilespmem:s3], [sflag:$0x1] =	stream.linear.gather [hbm4b:s6+s3], $0x1F40, $0x38;
	[tilespmem:$0x8300] =	vst v63  }
0x1d: {  	s23 =	simm.s32 $0x0  }
0x1e: {  	[tilespmem:s15], [sflag:$0x2] =	stream.linear.gather [hbm4b:s7+s3], $0x1F40, $0x38;
	[tilespmem:$0x8300] =	vst v63  }
.LBB2_2:
0x1f: {  	_ =	swait.ge [sflag:s16], $0x1F40  }
0x20: {  	p0 =	seq.s32 s23, $0x0;
	[sflag:s16] =	ssyncset.done $0x0  }
0x21: {  	s24 =	simm.s32 @!p0 $0x3;
	[sflag:s16] =	ssyncadd.s32 $0xFFFFE0C0  }
0x22: {  	_ =	swait.ge @!p0 [sflag:s24], $0x2000  }
0x23: {  	[sflag:s24] =	ssyncset.done @!p0 $0x0  }
0x24: {  	s26 =	simm.s32 $0x3F00;
	v2 =	vimm.f32 $0.0e+00;
	[sflag:s24] =	ssyncadd.s32 @!p0 $0xFFFFE000;
	s24 =	simm.s32 $0x0  }
0x25: {  	s28 =	simm.s32 $0x10;
	[tilespmem:s26+$0x0] =	vst v2;
	s25 =	sand.u32 $0x3F0, s24  }
.LBB2_3:
0x26: {  	p1 =	sne.s32 s28, $0x3E0;
	[tilespmem:s25+$0x4300] =	vst v2  }
0x27: {  	[tilespmem:s25+$0x4700] =	vst v2  }
0x28: {  	[tilespmem:s25+$0x4B00] =	vst v2  }
.Ltmp2:
0x29: {  	[tilespmem:s25+$0x4F00] =	vst v2;
	(pc) =	sbr.rel @p1 .LBB2_3-.Ltmp2, $4  }
0x2a: {  	[tilespmem:s25+$0x5300] =	vst v2  }
0x2b: {  	[tilespmem:s25+$0x5700] =	vst v2  }
0x2c: {  	s26 =	sadd.s32 $0x10, s26;
	[tilespmem:s25+$0x5B00] =	vst v2  }
0x2d: {  	s25 =	sand.u32 $0x3F0, s28;
	s28 =	sadd.s32 $0x10, s28;
	[tilespmem:s26+$0x0] =	vst v2  }
0x2e: {  	[tilespmem:s25+$0x4300] =	vst v2  }
0x2f: {  	[tilespmem:s25+$0x4700] =	vst v2  }
0x30: {  	[tilespmem:s25+$0x4B00] =	vst v2  }
0x31: {  	[tilespmem:s25+$0x4F00] =	vst v2  }
0x32: {  	[tilespmem:s25+$0x5300] =	vst v2  }
0x33: {  	[tilespmem:s25+$0x5700] =	vst v2;
	v3 =	vmov v2;
	v4 =	vmov v2  }
0x34: {  	[tilespmem:s25+$0x5B00] =	vst v2;
	v5 =	vmovc v2;
	v6 =	vmovc v2;
	v7 =	vmov v2;
	v8 =	vmov v2;
	v9 =	vmov v2  }
.LBB2_5:
0x35: {  	s25 =	sshra.s32 s24, $0x2  }
0x36: {  	v10 =	vld [tilespmem:s25+$0x0];
	_ =	sdelay $0x4  }
0x37: {  	v11 =	vtrunc.f32 v10  }
0x38: {  	v11 =	vcvt.f32.s32 v11;
	_ =	sdelay $0x4  }
0x39: {  	v12 =	vld [tilespmem:s25+$0x7F00]  }
0x3a: {  	[tilespmem:v11+s17+$0x0] =	vst.idx.add.f32.msk $0xffff, v1  }
0x3b: {  	v11 =	vld [tilespmem:s25+$0x3E8];
	_ =	sdelay $0x4  }
0x3c: {  	v13 =	vtrunc.f32 v11  }
0x3d: {  	v13 =	vcvt.f32.s32 v13;
	_ =	sdelay $0x1  }
0x3e: {  	v13 =	vadd.s32 $0x400, v13;
	_ =	sdelay $0x4  }
0x3f: {  	[tilespmem:v13+s17+$0x0] =	vst.idx.add.f32.msk $0xffff, v1  }
0x40: {  	v13 =	vld [tilespmem:s25+$0x7D0];
	_ =	sdelay $0x4  }
0x41: {  	v14 =	vtrunc.f32 v13  }
0x42: {  	v14 =	vcvt.f32.s32 v14;
	_ =	sdelay $0x1  }
0x43: {  	v14 =	vadd.s32 $0x800, v14;
	_ =	sdelay $0x4  }
0x44: {  	[tilespmem:v14+s17+$0x0] =	vst.idx.add.f32.msk $0xffff, v1  }
0x45: {  	v14 =	vld [tilespmem:s25+$0xBB8];
	_ =	sdelay $0x4  }
0x46: {  	v15 =	vtrunc.f32 v14  }
0x47: {  	v15 =	vcvt.f32.s32 v15;
	_ =	sdelay $0x1  }
0x48: {  	v15 =	vadd.s32 $0xC00, v15;
	_ =	sdelay $0x4  }
0x49: {  	[tilespmem:v15+s17+$0x0] =	vst.idx.add.f32.msk $0xffff, v1  }
0x4a: {  	v15 =	vld [tilespmem:s25+$0xFA0];
	_ =	sdelay $0x4  }
0x4b: {  	v16 =	vtrunc.f32 v15  }
0x4c: {  	v16 =	vcvt.f32.s32 v16;
	_ =	sdelay $0x1  }
0x4d: {  	v16 =	vadd.s32 $0x1000, v16;
	_ =	sdelay $0x4  }
0x4e: {  	[tilespmem:v16+s17+$0x0] =	vst.idx.add.f32.msk $0xffff, v1  }
0x4f: {  	v16 =	vld [tilespmem:s25+$0x1388];
	_ =	sdelay $0x4  }
0x50: {  	v17 =	vtrunc.f32 v16  }
0x51: {  	v17 =	vcvt.f32.s32 v17;
	_ =	sdelay $0x1  }
0x52: {  	v17 =	vadd.s32 $0x1400, v17;
	_ =	sdelay $0x4  }
0x53: {  	[tilespmem:v17+s17+$0x0] =	vst.idx.add.f32.msk $0xffff, v1  }
0x54: {  	v17 =	vld [tilespmem:s25+$0x1770];
	_ =	sdelay $0x4  }
0x55: {  	v19 =	vshrl.u32 v10, $0x10;
	v18 =	vtrunc.f32 v17  }
0x56: {  	v19 =	vand.u32 $0x1, v19;
	v18 =	vcvt.f32.s32 v18  }
0x57: {  	v10 =	vadd.s32 v19, v10;
	v20 =	vshrl.u32 v11, $0x10  }
0x58: {  	v20 =	vand.u32 $0x1, v20;
	v21 =	vshrl.u32 v13, $0x10;
	v18 =	vadd.s32 $0x1800, v18  }
0x59: {  	v10 =	vadd.s32 $0x7FFF, v10;
	v11 =	vadd.s32 v20, v11;
	v57 =	vand.u32 $0x1, v21  }
0x5a: {  	v10 =	vand.u32 $0xFFFF0000, v10;
	v11 =	vadd.s32 $0x7FFF, v11;
	v13 =	vadd.s32 v57, v13  }
0x5b: {  	v10 =	vmul.f32 v10, v12;
	v11 =	vand.u32 $0xFFFF0000, v11;
	v13 =	vadd.s32 $0x7FFF, v13  }
0x5c: {  	v11 =	vmul.f32 v11, v12;
	v13 =	vand.u32 $0xFFFF0000, v13  }
0x5d: {  	v9 =	vadd.f32 v10, v9;
	v13 =	vmul.f32 v13, v12;
	v58 =	vshrl.u32 v14, $0x10;
	[tilespmem:v18+s17+$0x0] =	vst.idx.add.f32.msk $0xffff, v1  }
0x5e: {  	v8 =	vadd.f32 v11, v8;
	v10 =	vand.u32 $0x1, v58;
	v59 =	vshrl.u32 v15, $0x10;
	v11 =	vld [tilespmem:s25+$0x1B58]  }
0x5f: {  	v7 =	vadd.f32 v13, v7;
	v10 =	vadd.s32 v10, v14;
	v13 =	vand.u32 $0x1, v59  }
0x60: {  	v10 =	vadd.s32 $0x7FFF, v10;
	v13 =	vadd.s32 v13, v15  }
0x61: {  	v10 =	vand.u32 $0xFFFF0000, v10;
	v13 =	vadd.s32 $0x7FFF, v13;
	v60 =	vshrl.u32 v16, $0x10  }
0x62: {  	v10 =	vmul.f32 v10, v12;
	v13 =	vand.u32 $0xFFFF0000, v13;
	v14 =	vand.u32 $0x1, v60  }
0x63: {  	v14 =	vadd.s32 v14, v16;
	v61 =	vshrl.u32 v17, $0x10;
	v62 =	vtrunc.f32 v11  }
0x64: {  	v15 =	vand.u32 $0x1, v61;
	v63 =	vshrl.u32 v11, $0x10;
	v16 =	vcvt.f32.s32 v62  }
0x65: {  	v13 =	vmul.f32 v13, v12;
	v15 =	vadd.s32 v15, v17;
	v17 =	vand.u32 $0x1, v63  }
0x66: {  	p1 =	sne.s32 s24, $0xF40;
	v14 =	vadd.s32 $0x7FFF, v14;
	v11 =	vadd.s32 v17, v11;
	v16 =	vadd.s32 $0x1C00, v16  }
.Ltmp3:
0x67: {  	v14 =	vand.u32 $0xFFFF0000, v14;
	v15 =	vadd.s32 $0x7FFF, v15;
	v11 =	vadd.s32 $0x7FFF, v11;
	(pc) =	sbr.rel @p1 .LBB2_5-.Ltmp3, $4  }
0x68: {  	v14 =	vmul.f32 v14, v12;
	v15 =	vand.u32 $0xFFFF0000, v15;
	v11 =	vand.u32 $0xFFFF0000, v11  }
0x69: {  	v6 =	vadd.f32 v10, v6;
	v10 =	vmul.f32 v15, v12;
	v11 =	vmul.f32 v11, v12  }
0x6a: {  	v5 =	vadd.f32 v13, v5;
	v4 =	vadd.f32 v14, v4  }
0x6b: {  	s24 =	sadd.s32 $0x40, s24;
	v3 =	vadd.f32 v10, v3;
	v2 =	vadd.f32 v11, v2;
	[tilespmem:v16+s17+$0x0] =	vst.idx.add.f32.msk $0xffff, v1  }
0x6c: {  	v10 =	vld [tilespmem:$0x3E0];
	_ =	sdelay $0x4  }
0x6d: {  	v11 =	vtrunc.f32 v10  }
0x6e: {  	v11 =	vcvt.f32.s32 v11;
	_ =	sdelay $0x4  }
0x6f: {  	v12 =	vld [tilespmem:$0x82E0]  }
0x70: {  	[tilespmem:v11+s17+$0x0] =	vst.idx.add.f32.msk $0xff, v1  }
0x71: {  	v11 =	vld [tilespmem:$0x7C8];
	_ =	sdelay $0x1  }
0x72: {  	v13 =	vshrl.u32 v10, $0x10  }
0x73: {  	v13 =	vand.u32 $0x1, v13  }
0x74: {  	v10 =	vadd.s32 v13, v10  }
0x75: {  	v10 =	vadd.s32 $0x7FFF, v10;
	v43 =	vtrunc.f32 v11  }
0x76: {  	v10 =	vand.u32 $0xFFFF0000, v10;
	v13 =	vcvt.f32.s32 v43  }
0x77: {  	v10 =	vmul.f32 v10, v12  }
0x78: {  	v13 =	vadd.s32 $0x400, v13  }
0x79: {  	v10 =	vnsel vm0, $0x0, v10  }
0x7a: {  	v9 =	vadd.f32 v10, v9;
	_ =	sdelay $0x1  }
0x7b: {  	[tilespmem:$0x42F0] =	vst v9  }
0x7c: {  	[tilespmem:v13+s17+$0x0] =	vst.idx.add.f32.msk $0xff, v1  }
0x7d: {  	v44 =	vld [tilespmem:$0xBB0];
	_ =	sdelay $0x1  }
0x7e: {  	v45 =	vshrl.u32 v11, $0x10  }
0x7f: {  	v10 =	vand.u32 $0x1, v45  }
0x80: {  	v10 =	vadd.s32 v10, v11  }
0x81: {  	v10 =	vadd.s32 $0x7FFF, v10;
	v46 =	vtrunc.f32 v44  }
0x82: {  	v10 =	vand.u32 $0xFFFF0000, v10;
	v11 =	vcvt.f32.s32 v46  }
0x83: {  	v10 =	vmul.f32 v10, v12  }
0x84: {  	v11 =	vadd.s32 $0x800, v11  }
0x85: {  	v10 =	vnsel vm0, $0x0, v10  }
0x86: {  	v8 =	vadd.f32 v10, v8;
	_ =	sdelay $0x1  }
0x87: {  	[tilespmem:$0x46F0] =	vst v8  }
0x88: {  	[tilespmem:v11+s17+$0x0] =	vst.idx.add.f32.msk $0xff, v1  }
0x89: {  	v47 =	vld [tilespmem:$0xF98];
	_ =	sdelay $0x1  }
0x8a: {  	v48 =	vshrl.u32 v44, $0x10  }
0x8b: {  	v10 =	vand.u32 $0x1, v48  }
0x8c: {  	v9 =	vadd.s32 v10, v44  }
0x8d: {  	v9 =	vadd.s32 $0x7FFF, v9;
	v49 =	vtrunc.f32 v47  }
0x8e: {  	v9 =	vand.u32 $0xFFFF0000, v9;
	v10 =	vcvt.f32.s32 v49  }
0x8f: {  	v9 =	vmul.f32 v9, v12  }
0x90: {  	v10 =	vadd.s32 $0xC00, v10  }
0x91: {  	v9 =	vnsel vm0, $0x0, v9  }
0x92: {  	v7 =	vadd.f32 v9, v7;
	_ =	sdelay $0x1  }
0x93: {  	[tilespmem:$0x4AF0] =	vst v7  }
0x94: {  	[tilespmem:v10+s17+$0x0] =	vst.idx.add.f32.msk $0xff, v1  }
0x95: {  	v50 =	vld [tilespmem:$0x1380];
	_ =	sdelay $0x1  }
0x96: {  	v51 =	vshrl.u32 v47, $0x10  }
0x97: {  	v9 =	vand.u32 $0x1, v51  }
0x98: {  	v8 =	vadd.s32 v9, v47  }
0x99: {  	v8 =	vadd.s32 $0x7FFF, v8;
	v52 =	vtrunc.f32 v50  }
0x9a: {  	v8 =	vand.u32 $0xFFFF0000, v8;
	v9 =	vcvt.f32.s32 v52  }
0x9b: {  	v8 =	vmul.f32 v8, v12  }
0x9c: {  	v9 =	vadd.s32 $0x1000, v9  }
0x9d: {  	v8 =	vnsel vm0, $0x0, v8  }
0x9e: {  	v6 =	vadd.f32 v8, v6;
	_ =	sdelay $0x1  }
0x9f: {  	[tilespmem:$0x4EF0] =	vst v6  }
0xa0: {  	[tilespmem:v9+s17+$0x0] =	vst.idx.add.f32.msk $0xff, v1  }
0xa1: {  	v53 =	vld [tilespmem:$0x1768];
	_ =	sdelay $0x1  }
0xa2: {  	v54 =	vshrl.u32 v50, $0x10  }
0xa3: {  	v8 =	vand.u32 $0x1, v54  }
0xa4: {  	v7 =	vadd.s32 v8, v50  }
0xa5: {  	v7 =	vadd.s32 $0x7FFF, v7;
	v55 =	vtrunc.f32 v53  }
0xa6: {  	v7 =	vand.u32 $0xFFFF0000, v7;
	v8 =	vcvt.f32.s32 v55  }
0xa7: {  	v7 =	vmul.f32 v7, v12  }
0xa8: {  	v8 =	vadd.s32 $0x1400, v8  }
0xa9: {  	v7 =	vnsel vm0, $0x0, v7  }
0xaa: {  	v5 =	vadd.f32 v7, v5;
	_ =	sdelay $0x1  }
0xab: {  	[tilespmem:$0x52F0] =	vst v5  }
0xac: {  	[tilespmem:v8+s17+$0x0] =	vst.idx.add.f32.msk $0xff, v1  }
0xad: {  	v56 =	vld [tilespmem:$0x1B50];
	_ =	sdelay $0x1  }
0xae: {  	v57 =	vshrl.u32 v53, $0x10  }
0xaf: {  	v7 =	vand.u32 $0x1, v57  }
0xb0: {  	v6 =	vadd.s32 v7, v53  }
0xb1: {  	v6 =	vadd.s32 $0x7FFF, v6;
	v58 =	vtrunc.f32 v56  }
0xb2: {  	v6 =	vand.u32 $0xFFFF0000, v6;
	v7 =	vcvt.f32.s32 v58  }
0xb3: {  	v6 =	vmul.f32 v6, v12  }
0xb4: {  	v7 =	vadd.s32 $0x1800, v7  }
0xb5: {  	v6 =	vnsel vm0, $0x0, v6  }
0xb6: {  	v4 =	vadd.f32 v6, v4;
	_ =	sdelay $0x1  }
0xb7: {  	[tilespmem:$0x56F0] =	vst v4  }
0xb8: {  	[tilespmem:v7+s17+$0x0] =	vst.idx.add.f32.msk $0xff, v1  }
0xb9: {  	v59 =	vld [tilespmem:$0x1F38];
	_ =	sdelay $0x2  }
0xba: {  	v60 =	vshrl.u32 v56, $0x10  }
0xbb: {  	v6 =	vand.u32 $0x1, v60  }
0xbc: {  	v5 =	vadd.s32 v6, v56;
	v61 =	vshrl.u32 v59, $0x10  }
0xbd: {  	v5 =	vadd.s32 $0x7FFF, v5;
	v62 =	vtrunc.f32 v59;
	v6 =	vand.u32 $0x1, v61  }
0xbe: {  	v5 =	vand.u32 $0xFFFF0000, v5;
	v7 =	vcvt.f32.s32 v62;
	v4 =	vadd.s32 v6, v59  }
0xbf: {  	v5 =	vmul.f32 v5, v12;
	v4 =	vadd.s32 $0x7FFF, v4  }
0xc0: {  	v63 =	vadd.s32 $0x1C00, v7;
	v4 =	vand.u32 $0xFFFF0000, v4  }
0xc1: {  	v5 =	vnsel vm0, $0x0, v5;
	v4 =	vmul.f32 v4, v12  }
0xc2: {  	p1 =	sne.s32 s23, $0x3;
	v3 =	vadd.f32 v5, v3  }
.Ltmp4:
0xc3: {  	v4 =	vnsel vm0, $0x0, v4;
	(pc) =	sbr.rel @p1 .LBB2_8-.Ltmp4, $4  }
0xc4: {  	s24 =	sshll.u32 s23, $0xB;
	[tilespmem:$0x5AF0] =	vst v3;
	v2 =	vadd.f32 v4, v2  }
0xc5: {  	s24 =	sadd.s32 s8, s24;
	[tilespmem:v63+s17+$0x0] =	vst.idx.add.f32.msk $0xff, v1  }
0xc6: {  	s25 =	sadd.s32 s5, s24;
	[tilespmem:$0x5EF0] =	vst v2  }
0xc7: {  	[hbm4b:s25+s3] =	stream.linear.scatter [tilespmem:s17], [sflag:$0x3], $0x2000, $0x38;
	[tilespmem:$0x8300] =	vst v63  }
.Ltmp5:
0xc8: {  	(pc) =	sbr.rel .LBB2_9-.Ltmp5, $4  }
0xc9: {  	_ = 	snop  }
0xca: {  	_ =	swait.ge [sflag:s18], $0x1F40  }
0xcb: {  	[sflag:s18] =	ssyncset.done $0x0  }
0xcc: {  	[sflag:s18] =	ssyncadd.s32 $0xFFFFE0C0  }
.LBB2_8:
0xcd: {  	s25 =	sshll.u32 s23, $0x4  }
0xce: {  	s25 =	sadd.s32 s25, s9  }
0xcf: {  	s25 =	smul.u32 $0x7D, s25;
	_ =	sdelay $0x1  }
.Ltmp6:
0xd0: {  	s25 =	sadd.s32 s4, s25;
	(pc) =	sbr.rel @p0 .LBB2_10-.Ltmp6, $4  }
0xd1: {  	[tilespmem:s3], [sflag:$0x1] =	stream.linear.gather [hbm4b:s25+s3], $0x1F40, $0x38;
	[tilespmem:$0x8300] =	vst v63  }
0xd2: {  	_ =	swait.ge [sflag:s18], $0x1F40  }
0xd3: {  	[sflag:s18] =	ssyncset.done $0x0  }
0xd4: {  	[sflag:s18] =	ssyncadd.s32 $0xFFFFE0C0  }
.LBB2_9:
0xd5: {  	_ =	swait.ge [sflag:s19], $0x2000  }
0xd6: {  	[sflag:s19] =	ssyncset.done $0x0  }
0xd7: {  	[sflag:s19] =	ssyncadd.s32 $0xFFFFE000  }
.LBB2_10:
0xd8: {  	s25 =	simm.s32 $0x0;
	s28 =	simm.s32 $0x5F00;
	v2 =	vimm.f32 $0.0e+00  }
0xd9: {  	s29 =	simm.s32 $0x10;
	[tilespmem:s28+$0x0] =	vst v2;
	s26 =	sand.u32 $0x3F0, s25  }
.LBB2_11:
0xda: {  	p0 =	sne.s32 s29, $0x3E0;
	[tilespmem:s26+$0x6300] =	vst v2  }
0xdb: {  	[tilespmem:s26+$0x6700] =	vst v2  }
0xdc: {  	[tilespmem:s26+$0x6B00] =	vst v2  }
.Ltmp7:
0xdd: {  	[tilespmem:s26+$0x6F00] =	vst v2;
	(pc) =	sbr.rel @p0 .LBB2_11-.Ltmp7, $4  }
0xde: {  	[tilespmem:s26+$0x7300] =	vst v2  }
0xdf: {  	[tilespmem:s26+$0x7700] =	vst v2  }
0xe0: {  	s28 =	sadd.s32 $0x10, s28;
	[tilespmem:s26+$0x7B00] =	vst v2  }
0xe1: {  	s26 =	sand.u32 $0x3F0, s29;
	s29 =	sadd.s32 $0x10, s29;
	[tilespmem:s28+$0x0] =	vst v2  }
0xe2: {  	[tilespmem:s26+$0x6300] =	vst v2  }
0xe3: {  	[tilespmem:s26+$0x6700] =	vst v2  }
0xe4: {  	[tilespmem:s26+$0x6B00] =	vst v2  }
0xe5: {  	[tilespmem:s26+$0x6F00] =	vst v2  }
0xe6: {  	[tilespmem:s26+$0x7300] =	vst v2  }
0xe7: {  	[tilespmem:s26+$0x7700] =	vst v2;
	v3 =	vmov v2;
	v4 =	vmov v2  }
0xe8: {  	[tilespmem:s26+$0x7B00] =	vst v2;
	v5 =	vmovc v2;
	v6 =	vmovc v2;
	v7 =	vmov v2;
	v8 =	vmov v2;
	v9 =	vmov v2  }
.LBB2_13:
0xe9: {  	s26 =	sshra.s32 s25, $0x2  }
0xea: {  	v10 =	vld [tilespmem:s26+$0x1F80];
	_ =	sdelay $0x4  }
0xeb: {  	v11 =	vtrunc.f32 v10  }
0xec: {  	v11 =	vcvt.f32.s32 v11;
	_ =	sdelay $0x4  }
0xed: {  	v12 =	vld [tilespmem:s26+$0x7F00]  }
0xee: {  	[tilespmem:v11+s20+$0x0] =	vst.idx.add.f32.msk $0xffff, v1  }
0xef: {  	v11 =	vld [tilespmem:s26+$0x2368];
	_ =	sdelay $0x4  }
0xf0: {  	v13 =	vtrunc.f32 v11  }
0xf1: {  	v13 =	vcvt.f32.s32 v13;
	_ =	sdelay $0x1  }
0xf2: {  	v13 =	vadd.s32 $0x400, v13;
	_ =	sdelay $0x4  }
0xf3: {  	[tilespmem:v13+s20+$0x0] =	vst.idx.add.f32.msk $0xffff, v1  }
0xf4: {  	v13 =	vld [tilespmem:s26+$0x2750];
	_ =	sdelay $0x4  }
0xf5: {  	v14 =	vtrunc.f32 v13  }
0xf6: {  	v14 =	vcvt.f32.s32 v14;
	_ =	sdelay $0x1  }
0xf7: {  	v14 =	vadd.s32 $0x800, v14;
	_ =	sdelay $0x4  }
0xf8: {  	[tilespmem:v14+s20+$0x0] =	vst.idx.add.f32.msk $0xffff, v1  }
0xf9: {  	v14 =	vld [tilespmem:s26+$0x2B38];
	_ =	sdelay $0x4  }
0xfa: {  	v15 =	vtrunc.f32 v14  }
0xfb: {  	v15 =	vcvt.f32.s32 v15;
	_ =	sdelay $0x1  }
0xfc: {  	v15 =	vadd.s32 $0xC00, v15;
	_ =	sdelay $0x4  }
0xfd: {  	[tilespmem:v15+s20+$0x0] =	vst.idx.add.f32.msk $0xffff, v1  }
0xfe: {  	v15 =	vld [tilespmem:s26+$0x2F20];
	_ =	sdelay $0x4  }
0xff: {  	v16 =	vtrunc.f32 v15  }
0x100: {  	v16 =	vcvt.f32.s32 v16;
	_ =	sdelay $0x1  }
0x101: {  	v16 =	vadd.s32 $0x1000, v16;
	_ =	sdelay $0x4  }
0x102: {  	[tilespmem:v16+s20+$0x0] =	vst.idx.add.f32.msk $0xffff, v1  }
0x103: {  	v16 =	vld [tilespmem:s26+$0x3308];
	_ =	sdelay $0x4  }
0x104: {  	v17 =	vtrunc.f32 v16  }
0x105: {  	v17 =	vcvt.f32.s32 v17;
	_ =	sdelay $0x1  }
0x106: {  	v17 =	vadd.s32 $0x1400, v17;
	_ =	sdelay $0x4  }
0x107: {  	[tilespmem:v17+s20+$0x0] =	vst.idx.add.f32.msk $0xffff, v1  }
0x108: {  	v17 =	vld [tilespmem:s26+$0x36F0];
	_ =	sdelay $0x4  }
0x109: {  	v19 =	vshrl.u32 v10, $0x10;
	v18 =	vtrunc.f32 v17  }
0x10a: {  	v19 =	vand.u32 $0x1, v19;
	v18 =	vcvt.f32.s32 v18  }
0x10b: {  	v10 =	vadd.s32 v19, v10;
	v20 =	vshrl.u32 v11, $0x10  }
0x10c: {  	v20 =	vand.u32 $0x1, v20;
	v21 =	vshrl.u32 v13, $0x10;
	v18 =	vadd.s32 $0x1800, v18  }
0x10d: {  	v10 =	vadd.s32 $0x7FFF, v10;
	v11 =	vadd.s32 v20, v11;
	v57 =	vand.u32 $0x1, v21  }
0x10e: {  	v10 =	vand.u32 $0xFFFF0000, v10;
	v11 =	vadd.s32 $0x7FFF, v11;
	v13 =	vadd.s32 v57, v13  }
0x10f: {  	v10 =	vmul.f32 v10, v12;
	v11 =	vand.u32 $0xFFFF0000, v11;
	v13 =	vadd.s32 $0x7FFF, v13  }
0x110: {  	v11 =	vmul.f32 v11, v12;
	v13 =	vand.u32 $0xFFFF0000, v13  }
0x111: {  	v9 =	vadd.f32 v10, v9;
	v13 =	vmul.f32 v13, v12;
	v58 =	vshrl.u32 v14, $0x10;
	[tilespmem:v18+s20+$0x0] =	vst.idx.add.f32.msk $0xffff, v1  }
0x112: {  	v8 =	vadd.f32 v11, v8;
	v10 =	vand.u32 $0x1, v58;
	v59 =	vshrl.u32 v15, $0x10;
	v11 =	vld [tilespmem:s26+$0x3AD8]  }
0x113: {  	v7 =	vadd.f32 v13, v7;
	v10 =	vadd.s32 v10, v14;
	v13 =	vand.u32 $0x1, v59  }
0x114: {  	v10 =	vadd.s32 $0x7FFF, v10;
	v13 =	vadd.s32 v13, v15  }
0x115: {  	v10 =	vand.u32 $0xFFFF0000, v10;
	v13 =	vadd.s32 $0x7FFF, v13;
	v60 =	vshrl.u32 v16, $0x10  }
0x116: {  	v10 =	vmul.f32 v10, v12;
	v13 =	vand.u32 $0xFFFF0000, v13;
	v14 =	vand.u32 $0x1, v60  }
0x117: {  	v14 =	vadd.s32 v14, v16;
	v61 =	vshrl.u32 v17, $0x10;
	v62 =	vtrunc.f32 v11  }
0x118: {  	v15 =	vand.u32 $0x1, v61;
	v63 =	vshrl.u32 v11, $0x10;
	v16 =	vcvt.f32.s32 v62  }
0x119: {  	v13 =	vmul.f32 v13, v12;
	v15 =	vadd.s32 v15, v17;
	v17 =	vand.u32 $0x1, v63  }
0x11a: {  	p0 =	sne.s32 s25, $0xF40;
	v14 =	vadd.s32 $0x7FFF, v14;
	v11 =	vadd.s32 v17, v11;
	v16 =	vadd.s32 $0x1C00, v16  }
.Ltmp8:
0x11b: {  	v14 =	vand.u32 $0xFFFF0000, v14;
	v15 =	vadd.s32 $0x7FFF, v15;
	v11 =	vadd.s32 $0x7FFF, v11;
	(pc) =	sbr.rel @p0 .LBB2_13-.Ltmp8, $4  }
0x11c: {  	v14 =	vmul.f32 v14, v12;
	v15 =	vand.u32 $0xFFFF0000, v15;
	v11 =	vand.u32 $0xFFFF0000, v11  }
0x11d: {  	v6 =	vadd.f32 v10, v6;
	v10 =	vmul.f32 v15, v12;
	v11 =	vmul.f32 v11, v12  }
0x11e: {  	v5 =	vadd.f32 v13, v5;
	v4 =	vadd.f32 v14, v4  }
0x11f: {  	s25 =	sadd.s32 $0x40, s25;
	v3 =	vadd.f32 v10, v3;
	v2 =	vadd.f32 v11, v2;
	[tilespmem:v16+s20+$0x0] =	vst.idx.add.f32.msk $0xffff, v1  }
0x120: {  	v10 =	vld [tilespmem:$0x2360];
	_ =	sdelay $0x4  }
0x121: {  	v11 =	vtrunc.f32 v10  }
0x122: {  	v11 =	vcvt.f32.s32 v11;
	_ =	sdelay $0x4  }
0x123: {  	v12 =	vld [tilespmem:$0x82E0]  }
0x124: {  	[tilespmem:v11+s20+$0x0] =	vst.idx.add.f32.msk $0xff, v1  }
0x125: {  	v11 =	vld [tilespmem:$0x2748];
	_ =	sdelay $0x1  }
0x126: {  	v13 =	vshrl.u32 v10, $0x10  }
0x127: {  	v13 =	vand.u32 $0x1, v13  }
0x128: {  	v10 =	vadd.s32 v13, v10  }
0x129: {  	v10 =	vadd.s32 $0x7FFF, v10;
	v43 =	vtrunc.f32 v11  }
0x12a: {  	v10 =	vand.u32 $0xFFFF0000, v10;
	v13 =	vcvt.f32.s32 v43  }
0x12b: {  	v10 =	vmul.f32 v10, v12  }
0x12c: {  	v13 =	vadd.s32 $0x400, v13  }
0x12d: {  	v10 =	vnsel vm0, $0x0, v10  }
0x12e: {  	v9 =	vadd.f32 v10, v9;
	_ =	sdelay $0x1  }
0x12f: {  	[tilespmem:$0x62F0] =	vst v9  }
0x130: {  	[tilespmem:v13+s20+$0x0] =	vst.idx.add.f32.msk $0xff, v1  }
0x131: {  	v44 =	vld [tilespmem:$0x2B30];
	_ =	sdelay $0x1  }
0x132: {  	v45 =	vshrl.u32 v11, $0x10  }
0x133: {  	v10 =	vand.u32 $0x1, v45  }
0x134: {  	v10 =	vadd.s32 v10, v11  }
0x135: {  	v10 =	vadd.s32 $0x7FFF, v10;
	v46 =	vtrunc.f32 v44  }
0x136: {  	v10 =	vand.u32 $0xFFFF0000, v10;
	v11 =	vcvt.f32.s32 v46  }
0x137: {  	v10 =	vmul.f32 v10, v12  }
0x138: {  	v11 =	vadd.s32 $0x800, v11  }
0x139: {  	v10 =	vnsel vm0, $0x0, v10  }
0x13a: {  	v8 =	vadd.f32 v10, v8;
	_ =	sdelay $0x1  }
0x13b: {  	[tilespmem:$0x66F0] =	vst v8  }
0x13c: {  	[tilespmem:v11+s20+$0x0] =	vst.idx.add.f32.msk $0xff, v1  }
0x13d: {  	v47 =	vld [tilespmem:$0x2F18];
	_ =	sdelay $0x1  }
0x13e: {  	v48 =	vshrl.u32 v44, $0x10  }
0x13f: {  	v10 =	vand.u32 $0x1, v48  }
0x140: {  	v9 =	vadd.s32 v10, v44  }
0x141: {  	v9 =	vadd.s32 $0x7FFF, v9;
	v49 =	vtrunc.f32 v47  }
0x142: {  	v9 =	vand.u32 $0xFFFF0000, v9;
	v10 =	vcvt.f32.s32 v49  }
0x143: {  	v9 =	vmul.f32 v9, v12  }
0x144: {  	v10 =	vadd.s32 $0xC00, v10  }
0x145: {  	v9 =	vnsel vm0, $0x0, v9  }
0x146: {  	v7 =	vadd.f32 v9, v7;
	_ =	sdelay $0x1  }
0x147: {  	[tilespmem:$0x6AF0] =	vst v7  }
0x148: {  	[tilespmem:v10+s20+$0x0] =	vst.idx.add.f32.msk $0xff, v1  }
0x149: {  	v50 =	vld [tilespmem:$0x3300];
	_ =	sdelay $0x1  }
0x14a: {  	v51 =	vshrl.u32 v47, $0x10  }
0x14b: {  	v9 =	vand.u32 $0x1, v51  }
0x14c: {  	v8 =	vadd.s32 v9, v47  }
0x14d: {  	v8 =	vadd.s32 $0x7FFF, v8;
	v52 =	vtrunc.f32 v50  }
0x14e: {  	v8 =	vand.u32 $0xFFFF0000, v8;
	v9 =	vcvt.f32.s32 v52  }
0x14f: {  	v8 =	vmul.f32 v8, v12  }
0x150: {  	v9 =	vadd.s32 $0x1000, v9  }
0x151: {  	v8 =	vnsel vm0, $0x0, v8  }
0x152: {  	v6 =	vadd.f32 v8, v6;
	_ =	sdelay $0x1  }
0x153: {  	[tilespmem:$0x6EF0] =	vst v6  }
0x154: {  	[tilespmem:v9+s20+$0x0] =	vst.idx.add.f32.msk $0xff, v1  }
0x155: {  	v53 =	vld [tilespmem:$0x36E8];
	_ =	sdelay $0x1  }
0x156: {  	v54 =	vshrl.u32 v50, $0x10  }
0x157: {  	v8 =	vand.u32 $0x1, v54  }
0x158: {  	v7 =	vadd.s32 v8, v50  }
0x159: {  	v7 =	vadd.s32 $0x7FFF, v7;
	v55 =	vtrunc.f32 v53  }
0x15a: {  	v7 =	vand.u32 $0xFFFF0000, v7;
	v8 =	vcvt.f32.s32 v55  }
0x15b: {  	v7 =	vmul.f32 v7, v12  }
0x15c: {  	v8 =	vadd.s32 $0x1400, v8  }
0x15d: {  	v7 =	vnsel vm0, $0x0, v7  }
0x15e: {  	v5 =	vadd.f32 v7, v5;
	_ =	sdelay $0x1  }
0x15f: {  	[tilespmem:$0x72F0] =	vst v5  }
0x160: {  	[tilespmem:v8+s20+$0x0] =	vst.idx.add.f32.msk $0xff, v1  }
0x161: {  	v56 =	vld [tilespmem:$0x3AD0];
	_ =	sdelay $0x1  }
0x162: {  	v57 =	vshrl.u32 v53, $0x10  }
0x163: {  	v7 =	vand.u32 $0x1, v57  }
0x164: {  	v6 =	vadd.s32 v7, v53  }
0x165: {  	v6 =	vadd.s32 $0x7FFF, v6;
	v58 =	vtrunc.f32 v56  }
0x166: {  	v6 =	vand.u32 $0xFFFF0000, v6;
	v7 =	vcvt.f32.s32 v58  }
0x167: {  	v6 =	vmul.f32 v6, v12  }
0x168: {  	v7 =	vadd.s32 $0x1800, v7  }
0x169: {  	v6 =	vnsel vm0, $0x0, v6  }
0x16a: {  	v4 =	vadd.f32 v6, v4;
	_ =	sdelay $0x1  }
0x16b: {  	[tilespmem:$0x76F0] =	vst v4  }
0x16c: {  	[tilespmem:v7+s20+$0x0] =	vst.idx.add.f32.msk $0xff, v1  }
0x16d: {  	v59 =	vld [tilespmem:$0x3EB8];
	_ =	sdelay $0x2  }
0x16e: {  	v60 =	vshrl.u32 v56, $0x10  }
0x16f: {  	v6 =	vand.u32 $0x1, v60  }
0x170: {  	v5 =	vadd.s32 v6, v56;
	v61 =	vshrl.u32 v59, $0x10  }
0x171: {  	v5 =	vadd.s32 $0x7FFF, v5;
	v62 =	vtrunc.f32 v59;
	v6 =	vand.u32 $0x1, v61  }
0x172: {  	v5 =	vand.u32 $0xFFFF0000, v5;
	v7 =	vcvt.f32.s32 v62;
	v4 =	vadd.s32 v6, v59  }
0x173: {  	v5 =	vmul.f32 v5, v12;
	v4 =	vadd.s32 $0x7FFF, v4  }
0x174: {  	v63 =	vadd.s32 $0x1C00, v7;
	v4 =	vand.u32 $0xFFFF0000, v4  }
0x175: {  	v5 =	vnsel vm0, $0x0, v5;
	v4 =	vmul.f32 v4, v12  }
0x176: {  	p0 =	seq.s32 s23, $0x3;
	v3 =	vadd.f32 v5, v3  }
.Ltmp9:
0x177: {  	v4 =	vnsel vm0, $0x0, v4;
	(pc) =	sbr.rel @p0 .LBB2_16-.Ltmp9, $4  }
0x178: {  	[tilespmem:$0x7AF0] =	vst v3;
	v2 =	vadd.f32 v4, v2  }
0x179: {  	[tilespmem:v63+s20+$0x0] =	vst.idx.add.f32.msk $0xff, v1  }
0x17a: {  	s24 =	sadd.s32 s24, s10;
	[tilespmem:$0x7EF0] =	vst v2  }
0x17b: {  	[hbm4b:s24+s3] =	stream.linear.scatter [tilespmem:s20], [sflag:$0x4], $0x2000, $0x38;
	[tilespmem:$0x8300] =	vst v63  }
0x17c: {  	s24 =	sshll.u32 s23, $0x4  }
.Ltmp10:
0x17d: {  	s24 =	sadd.s32 s24, s11;
	(pc) =	sbr.rel .LBB2_2-.Ltmp10, $3  }
0x17e: {  	s24 =	smul.u32 $0x7D, s24;
	_ =	sdelay $0x1  }
0x17f: {  	s23 =	sadd.s32 $0x1, s23;
	s24 =	sadd.s32 s4, s24  }
0x180: {  	[tilespmem:s15], [sflag:$0x2] =	stream.linear.gather [hbm4b:s24+s3], $0x1F40, $0x38;
	[tilespmem:$0x8300] =	vst v63  }
.LBB2_17:
0x181: {  	_ =	sfence.sel $0x180000  }
0x182: {  	[bflag:$0x0] =	sbarrier.arrive $0xFFFF  }
0x183: {  	p0 =	sne.s32 s0, $0x0;
	_ =	strace $0x9000004A  }
0x184: {  	s0 =	sadd.s32 @!p0 $0x100000, s1;
	[bflag:$0x2] =	sbarrier.arrive $0xFFFF  }
0x185: {  	[sflag:s0] =	ssyncadd.tile.s32 @!p0 $0x1;
	_ =	shalt  }
.Lfunc_end2:
_tile_overlayer_lowered:
.L_overlay_start_2:
0x186: {  	(tag) =	ssettag $0x2  }
0x187: {  	s0 =	rddreg [dreg:$0x0];
	s2 =	stileid.u32  }
0x188: {  	s1 =	rddreg [dreg:$0x1];
	p0 =	sne.s32 s2, $0x0  }
0x189: {  	s3 =	rddreg [dreg:$0x2];
	[bflag:$0x3] =	sbarrier.arrive $0xFFFF;
	s2 =	simm.s32 @!p0 $0x1C05  }
0x18a: {  	[timem:s3], [sflag:s2] =	dma.local @!p0 [hbm:s0], s1  }
0x18b: {  	s0 =	simm.s32 @!p0 $0x5  }
0x18c: {  	_ =	swait.ge @!p0 [sflag:s0], s1  }
0x18d: {  	s1 =	ssub.s32 @!p0 $0x0, s1;
	[sflag:s0] =	ssyncset.done @!p0 $0x0  }
0x18e: {  	[sflag:s0] =	ssyncadd.s32 @!p0 s1  }
0x18f: {  	[bflag:$0x3] =	sbarrier.arrive $0xFFFF  }
0x190: {  	_ =	shalt  }

</sc_bundles>
